<compile_context>
chip_gen: v7x
topology: tpu7x:2x2x1
jax: 0.10.2.dev20260603
libtpu: 0.0.44.dev20260713+nightly
codegen_flags: <defaults>
</compile_context>

<pallas_src>
import functools

import jax
import jax.numpy as jnp
from jax import lax
from jax.experimental import pallas as pl
from jax.experimental.pallas import tpu as pltpu
from jax.experimental.pallas import tpu_sc as plsc

N = 10000
NP = 10240
E = 320000
D = 128
CW = 16
NC = 2
NS = 16
NW = NC * NS
EPW = E // NW
C = 80
NCHUNK = EPW // C
RPS = NP // NS
NBUF = 4

_mesh = plsc.VectorSubcoreMesh(core_axis_name="c", subcore_axis_name="s")


@functools.partial(
    pl.kernel,
    out_type=jax.ShapeDtypeStruct((NC, NP, CW), jnp.float32),
    mesh=_mesh,
    scratch_types=[
        pltpu.VMEM((C, CW), jnp.float32),
        pltpu.VMEM((NCHUNK, C), jnp.int32),
        pltpu.SemaphoreType.DMA,
        pltpu.VMEM_SHARED((NP, CW), jnp.float32),
    ],
)
def _sc_count(dst3_hbm, zeros_hbm, cnt_hbm, ones_v, didx_v, sem, table_sh):
    c = lax.axis_index("c")
    s = lax.axis_index("s")
    wid = c * NS + s

    @pl.loop(0, C)
    def _(r):
        ones_v[r, :] = jnp.full((CW,), 1.0, jnp.float32)

    pltpu.sync_copy(dst3_hbm.at[wid], didx_v)
    row0 = s * RPS
    pltpu.sync_copy(zeros_hbm.at[pl.ds(row0, RPS)], table_sh.at[pl.ds(row0, RPS)])
    plsc.subcore_barrier()

    @pl.loop(0, NCHUNK)
    def _(j):
        pltpu.async_copy(ones_v, table_sh.at[didx_v.at[j]], sem, add=True)

        @pl.when(j >= NBUF)
        def _():
            pltpu.make_async_copy(
                ones_v, table_sh.at[didx_v.at[j - NBUF]], sem).wait()

    for jt in range(NCHUNK - NBUF, NCHUNK):
        pltpu.make_async_copy(ones_v, table_sh.at[didx_v.at[jt]], sem).wait()

    plsc.subcore_barrier()
    pltpu.sync_copy(table_sh.at[pl.ds(row0, RPS)], cnt_hbm.at[c, pl.ds(row0, RPS)])


NIB = 6
UNROLL = 12


@functools.partial(
    pl.kernel,
    out_type=jax.ShapeDtypeStruct((NC, NP, D), jnp.float32),
    mesh=_mesh,
    scratch_types=[
        pltpu.VMEM((NIB * 8, C), jnp.int32),
        pltpu.VMEM((NBUF, C, D), jnp.float32),
        [pltpu.SemaphoreType.DMA] * NIB,
        [pltpu.SemaphoreType.DMA] * NBUF,
        [pltpu.SemaphoreType.DMA] * NBUF,
        pltpu.VMEM_SHARED((NP, D), jnp.float32),
    ],
)
def _sc_agg(y_hbm, ei4_hbm, p_hbm, idx_v, rows_v, isems, gs, ss, acc_sh):
    c = lax.axis_index("c")
    s = lax.axis_index("s")
    wid = c * NS + s

    row0 = s * RPS
    pltpu.sync_copy(y_hbm.at[pl.ds(row0, RPS)], acc_sh.at[pl.ds(row0, RPS)])
    plsc.subcore_barrier()

    def idx_load(k, ib):
        pltpu.async_copy(ei4_hbm.at[wid, k], idx_v.at[pl.ds(8 * ib, 2)], isems[ib])

    def idx_wait(k, ib):
        pltpu.make_async_copy(
            ei4_hbm.at[wid, k], idx_v.at[pl.ds(8 * ib, 2)], isems[ib]).wait()

    def gather(b, ib):
        pltpu.async_copy(y_hbm.at[idx_v.at[8 * ib]], rows_v.at[b], gs[b])

    def wait_gather(b, ib):
        pltpu.make_async_copy(
            y_hbm.at[idx_v.at[8 * ib]], rows_v.at[b], gs[b]).wait()

    def scatter(b, ib):
        pltpu.async_copy(rows_v.at[b], acc_sh.at[idx_v.at[8 * ib + 1]], ss[b],
                         add=True)

    def wait_scatter(b, ib):
        pltpu.make_async_copy(
            rows_v.at[b], acc_sh.at[idx_v.at[8 * ib + 1]], ss[b]).wait()

    def visit(k, b, ib, in_loop):
        nb = (b + 2) % NBUF
        pib = (ib + 4) % NIB
        if in_loop:
            pl.when(k >= 2)(lambda: wait_scatter(nb, pib))
        else:
            wait_scatter(nb, pib)
        if in_loop or k + 4 < NCHUNK:
            idx_load(k + 4, pib)
        if in_loop or k + 2 < NCHUNK:
            idx_wait(k + 2, (ib + 2) % NIB)
            gather((b + 2) % NBUF, (ib + 2) % NIB)
        wait_gather(b, ib)
        scatter(b, ib)

    for k0 in range(4):
        idx_load(k0, k0)
    idx_wait(0, 0)
    gather(0, 0)
    idx_wait(1, 1)
    gather(1, 1)

    @pl.loop(0, NCHUNK - 5, step=UNROLL)
    def _(j):
        for off in range(UNROLL):
            visit(j + off, off % NBUF, off % NIB, True)

    for k in range(NCHUNK - 5, NCHUNK):
        visit(k, k % NBUF, k % NIB, False)

    wait_scatter((NCHUNK - 2) % NBUF, (NCHUNK - 2) % NIB)
    wait_scatter((NCHUNK - 1) % NBUF, (NCHUNK - 1) % NIB)

    plsc.subcore_barrier()
    pltpu.sync_copy(acc_sh.at[pl.ds(row0, RPS)], p_hbm.at[c, pl.ds(row0, RPS)])


_BM = 1000


def _mm_body(x_ref, w_ref, cnt_ref, y_ref):
    deg = cnt_ref[0, :, 0] + cnt_ref[1, :, 0] + 1.0
    dis = lax.rsqrt(deg)
    xw = lax.dot_general(
        x_ref[...], w_ref[...], (((1,), (0,)), ((), ())),
        precision=lax.Precision.HIGHEST, preferred_element_type=jnp.float32)
    y_ref[...] = xw * dis[:, None]


def _tc_matmul_scale(x, w, cnt):
    return pl.pallas_call(
        _mm_body,
        grid=(N // _BM,),
        in_specs=[
            pl.BlockSpec((_BM, D), lambda i: (i, 0)),
            pl.BlockSpec((D, D), lambda i: (0, 0)),
            pl.BlockSpec((NC, _BM, CW), lambda i: (0, i, 0)),
        ],
        out_specs=pl.BlockSpec((_BM, D), lambda i: (i, 0)),
        out_shape=jax.ShapeDtypeStruct((NP, D), jnp.float32),
    )(x, w, cnt)


def _comb_body(p_ref, y_ref, cnt_ref, b_ref, o_ref):
    deg = cnt_ref[0, :, 0] + cnt_ref[1, :, 0] + 1.0
    dis = lax.rsqrt(deg)
    o_ref[...] = dis[:, None] * (p_ref[0] + p_ref[1] - y_ref[...]) + b_ref[...]


def _tc_combine(p, y, cnt, b2d):
    return pl.pallas_call(
        _comb_body,
        grid=(N // _BM,),
        in_specs=[
            pl.BlockSpec((NC, _BM, D), lambda i: (0, i, 0)),
            pl.BlockSpec((_BM, D), lambda i: (i, 0)),
            pl.BlockSpec((NC, _BM, CW), lambda i: (0, i, 0)),
            pl.BlockSpec((1, D), lambda i: (0, 0)),
        ],
        out_specs=pl.BlockSpec((_BM, D), lambda i: (i, 0)),
        out_shape=jax.ShapeDtypeStruct((N, D), jnp.float32),
    )(p, y, cnt, b2d)


def kernel(x, edge_index, W, b):
    src3 = edge_index[0].astype(jnp.int32).reshape(NW, NCHUNK, C)
    dst3 = edge_index[1].astype(jnp.int32).reshape(NW, NCHUNK, C)
    ei4 = jnp.stack([src3, dst3], axis=2)
    zeros16 = jnp.zeros((NP, CW), jnp.float32)
    cnt = _sc_count(dst3, zeros16)
    y = _tc_matmul_scale(x, W, cnt)
    p = _sc_agg(y, ei4)
    return _tc_combine(p, y, cnt, b.reshape(1, D))

# --- scband reference (transcript-rebuilt; emitter-appended) ---
"""Pipeline reference for scband-gcn-39625368273022 (READ-ONLY COPY).

The authoritative reference and input builder live on the scoring server;
editing this copy changes nothing except your own understanding.
"""

import jax, jax.numpy as jnp
import numpy as np

N_NODES = 10000
N_EDGES = 320000
IN_CH = 128
OUT_CH = 128


def setup_inputs(seed: int = 0) -> dict:
    key = jax.random.key(seed)
    k1, k2, k3, k4 = jax.random.split(key, 4)
    x = jax.random.normal(k1, (N_NODES, IN_CH), dtype=jnp.float32)
    edge_index = jax.random.randint(k2, (2, N_EDGES), 0, N_NODES, dtype=jnp.int64)
    # GCNConv learned parameters (glorot weight, zero bias like PyG defaults)
    limit = np.sqrt(6.0 / (IN_CH + OUT_CH))
    W = jax.random.uniform(k3, (IN_CH, OUT_CH), minval=-limit, maxval=limit, dtype=jnp.float32)
    b = jnp.zeros((OUT_CH,), dtype=jnp.float32)
    return {"x": x, "edge_index": edge_index, "W": W, "b": b}


def reference(x, edge_index, W, b):
    # Faithful PyG GCNConv: add self-loops, symmetric normalization,
    # x' = D^{-1/2} (A + I) D^{-1/2} X W + b
    N = x.shape[0]
    src = edge_index[0]
    dst = edge_index[1]
    loop = jnp.arange(N, dtype=src.dtype)
    src = jnp.concatenate([src, loop])
    dst = jnp.concatenate([dst, loop])
    # degree computed on destination (col) with unit edge weights
    deg = jnp.zeros((N,), dtype=x.dtype).at[dst].add(1.0)
    deg_inv_sqrt = jnp.where(deg > 0, jax.lax.rsqrt(deg), 0.0)
    norm = deg_inv_sqrt[src] * deg_inv_sqrt[dst]
    # linear transform first (in_ch == out_ch)
    xw = x @ W
    # gather messages from source nodes, scale, scatter-add into destinations
    msgs = jnp.take(xw, src, axis=0) * norm[:, None]
    out = jnp.zeros((N, W.shape[1]), dtype=x.dtype).at[dst].add(msgs)
    out = out + b
    return out

if __name__ == "__main__":
    import jax
    _d = setup_inputs()
    print(jax.jit(kernel)(*tuple(_d.values())))

</pallas_src>

<mosaic_0001>
#map = affine_map<(d0, d1) -> (0, 0)>
#map1 = affine_map<(d0, d1) -> (0, 0, 0, 0)>
#map2 = affine_map<(d0, d1) -> (0, 0, 0)>
module attributes {stable_mosaic.version = 14 : i64} {
  func.func @_sc_agg(%arg0: i32, %arg1: i32, %arg2: memref<10240x128xf32, #tpu.memory_space<hbm>>, %arg3: memref<32x125x2x80xi32, #tpu.memory_space<hbm>>, %arg4: memref<2x10240x128xf32, #tpu.memory_space<hbm>>, %arg5: memref<48x80xi32, #tpu.memory_space<vmem>>, %arg6: memref<4x80x128xf32, #tpu.memory_space<vmem>>, %arg7: memref<!tpu.dma_semaphore, #tpu.memory_space<semaphore_mem>>, %arg8: memref<!tpu.dma_semaphore, #tpu.memory_space<semaphore_mem>>, %arg9: memref<!tpu.dma_semaphore, #tpu.memory_space<semaphore_mem>>, %arg10: memref<!tpu.dma_semaphore, #tpu.memory_space<semaphore_mem>>, %arg11: memref<!tpu.dma_semaphore, #tpu.memory_space<semaphore_mem>>, %arg12: memref<!tpu.dma_semaphore, #tpu.memory_space<semaphore_mem>>, %arg13: memref<!tpu.dma_semaphore, #tpu.memory_space<semaphore_mem>>, %arg14: memref<!tpu.dma_semaphore, #tpu.memory_space<semaphore_mem>>, %arg15: memref<!tpu.dma_semaphore, #tpu.memory_space<semaphore_mem>>, %arg16: memref<!tpu.dma_semaphore, #tpu.memory_space<semaphore_mem>>, %arg17: memref<!tpu.dma_semaphore, #tpu.memory_space<semaphore_mem>>, %arg18: memref<!tpu.dma_semaphore, #tpu.memory_space<semaphore_mem>>, %arg19: memref<!tpu.dma_semaphore, #tpu.memory_space<semaphore_mem>>, %arg20: memref<!tpu.dma_semaphore, #tpu.memory_space<semaphore_mem>>, %arg21: memref<10240x128xf32, #tpu.memory_space<vmem_shared>>) attributes {dimension_semantics = [#tpu.dimension_semantics<core_parallel>, #tpu.dimension_semantics<subcore_parallel>], iteration_bounds = array<i64: 2, 16>, scalar_prefetch = 0 : i64, scratch_operands = 17 : i64, tpu.core_type = #tpu.core_type<sc_vector_subcore>, window_params = [{transform_indices = #map}, {transform_indices = #map1}, {transform_indices = #map2}]} {
    %mul3A = arith.constant 16 : i32
    %mul3A_0 = arith.muli %arg0, %mul3A : i32
    %add3A = arith.addi %mul3A_0, %arg1 : i32
    %mul3A_1 = arith.constant 640 : i32
    %mul3A_2 = arith.muli %arg1, %mul3A_1 : i32
    "tpu.region"() ({
      %run_scoped3A = tpu.sem_alloc : memref<!tpu.dma_semaphore, #tpu.memory_space<semaphore_mem>>
      %dma_start3A_420 = arith.constant 0 : i32
      %dma_start3A_421 = tpu.memref_slice %arg21[%mul3A_2, %dma_start3A_420] : memref<10240x128xf32, #tpu.memory_space<vmem_shared>> -> memref<640x128xf32, #tpu.memory_space<vmem_shared>>
      %dma_start3A_422 = arith.constant 0 : i32
      %dma_start3A_423 = tpu.memref_slice %arg2[%mul3A_2, %dma_start3A_422] : memref<10240x128xf32, #tpu.memory_space<hbm>> -> memref<640x128xf32, #tpu.memory_space<hbm>>
      tpu.enqueue_dma source(%dma_start3A_423 : memref<640x128xf32, #tpu.memory_space<hbm>>) target(%dma_start3A_421 : memref<640x128xf32, #tpu.memory_space<vmem_shared>>) target_semaphore(%run_scoped3A : memref<!tpu.dma_semaphore, #tpu.memory_space<semaphore_mem>>)
      %dma_wait3A_424 = arith.constant 0 : i32
      %dma_wait3A_425 = tpu.memref_slice %arg21[%mul3A_2, %dma_wait3A_424] : memref<10240x128xf32, #tpu.memory_space<vmem_shared>> -> memref<640x128xf32, #tpu.memory_space<vmem_shared>>
      %dma_wait3A_426 = arith.constant 0 : i32
      %dma_wait3A_427 = tpu.memref_slice %arg2[%mul3A_2, %dma_wait3A_426] : memref<10240x128xf32, #tpu.memory_space<hbm>> -> memref<640x128xf32, #tpu.memory_space<hbm>>
      tpu.wait_dma2 semaphore(%run_scoped3A : memref<!tpu.dma_semaphore, #tpu.memory_space<semaphore_mem>>) src(%dma_wait3A_427 : memref<640x128xf32, #tpu.memory_space<hbm>>) dst(%dma_wait3A_425 : memref<640x128xf32, #tpu.memory_space<vmem_shared>>)
      tpu.yield
    }) : () -> ()
    %barrier3A = arith.constant 0 : index
    tpu.barrier barrier_id(%barrier3A)
    %dma_start3A = arith.constant 0 : i32
    %dma_start3A_3 = arith.constant 0 : i32
    %dma_start3A_4 = arith.constant 0 : i32
    %dma_start3A_5 = tpu.memref_slice %arg5[%dma_start3A_3, %dma_start3A_4] : memref<48x80xi32, #tpu.memory_space<vmem>> -> memref<2x80xi32, #tpu.memory_space<vmem>>
    %dma_start3A_6 = arith.constant 0 : i32
    %dma_start3A_7 = arith.constant 0 : i32
    %dma_start3A_8 = tpu.memref_slice %arg3[%add3A, %dma_start3A, %dma_start3A_6, %dma_start3A_7] : memref<32x125x2x80xi32, #tpu.memory_space<hbm>> -> memref<1x1x2x80xi32, #tpu.memory_space<hbm>>
    %dma_start3A_9 = tpu.memref_squeeze %dma_start3A_8 : memref<1x1x2x80xi32, #tpu.memory_space<hbm>> -> memref<2x80xi32, #tpu.memory_space<hbm>>
    %dma_start3A_10 = arith.constant 0 : i32
    %dma_start3A_11 = arith.constant 0 : i32
    %dma_start3A_12 = tpu.memref_slice %arg5[%dma_start3A_10, %dma_start3A_11] : memref<48x80xi32, #tpu.memory_space<vmem>> -> memref<2x80xi32, #tpu.memory_space<vmem>>
    %dma_start3A_13 = arith.constant 0 : i32
    %dma_start3A_14 = arith.constant 0 : i32
    %dma_start3A_15 = tpu.memref_slice %arg3[%add3A, %dma_start3A, %dma_start3A_13, %dma_start3A_14] : memref<32x125x2x80xi32, #tpu.memory_space<hbm>> -> memref<1x1x2x80xi32, #tpu.memory_space<hbm>>
    %dma_start3A_16 = tpu.memref_squeeze %dma_start3A_15 : memref<1x1x2x80xi32, #tpu.memory_space<hbm>> -> memref<2x80xi32, #tpu.memory_space<hbm>>
    tpu.enqueue_dma source(%dma_start3A_16 : memref<2x80xi32, #tpu.memory_space<hbm>>) target(%dma_start3A_12 : memref<2x80xi32, #tpu.memory_space<vmem>>) target_semaphore(%arg7 : memref<!tpu.dma_semaphore, #tpu.memory_space<semaphore_mem>>)
    %dma_start3A_17 = arith.constant 1 : i32
    %dma_start3A_18 = arith.constant 8 : i32
    %dma_start3A_19 = arith.constant 0 : i32
    %dma_start3A_20 = tpu.memref_slice %arg5[%dma_start3A_18, %dma_start3A_19] : memref<48x80xi32, #tpu.memory_space<vmem>> -> memref<2x80xi32, #tpu.memory_space<vmem>>
    %dma_start3A_21 = arith.constant 0 : i32
    %dma_start3A_22 = arith.constant 0 : i32
    %dma_start3A_23 = tpu.memref_slice %arg3[%add3A, %dma_start3A_17, %dma_start3A_21, %dma_start3A_22] : memref<32x125x2x80xi32, #tpu.memory_space<hbm>> -> memref<1x1x2x80xi32, #tpu.memory_space<hbm>>
    %dma_start3A_24 = tpu.memref_squeeze %dma_start3A_23 : memref<1x1x2x80xi32, #tpu.memory_space<hbm>> -> memref<2x80xi32, #tpu.memory_space<hbm>>
    %dma_start3A_25 = arith.constant 8 : i32
    %dma_start3A_26 = arith.constant 0 : i32
    %dma_start3A_27 = tpu.memref_slice %arg5[%dma_start3A_25, %dma_start3A_26] : memref<48x80xi32, #tpu.memory_space<vmem>> -> memref<2x80xi32, #tpu.memory_space<vmem>>
    %dma_start3A_28 = arith.constant 0 : i32
    %dma_start3A_29 = arith.constant 0 : i32
    %dma_start3A_30 = tpu.memref_slice %arg3[%add3A, %dma_start3A_17, %dma_start3A_28, %dma_start3A_29] : memref<32x125x2x80xi32, #tpu.memory_space<hbm>> -> memref<1x1x2x80xi32, #tpu.memory_space<hbm>>
    %dma_start3A_31 = tpu.memref_squeeze %dma_start3A_30 : memref<1x1x2x80xi32, #tpu.memory_space<hbm>> -> memref<2x80xi32, #tpu.memory_space<hbm>>
    tpu.enqueue_dma source(%dma_start3A_31 : memref<2x80xi32, #tpu.memory_space<hbm>>) target(%dma_start3A_27 : memref<2x80xi32, #tpu.memory_space<vmem>>) target_semaphore(%arg8 : memref<!tpu.dma_semaphore, #tpu.memory_space<semaphore_mem>>)
    %dma_start3A_32 = arith.constant 2 : i32
    %dma_start3A_33 = arith.constant 16 : i32
    %dma_start3A_34 = arith.constant 0 : i32
    %dma_start3A_35 = tpu.memref_slice %arg5[%dma_start3A_33, %dma_start3A_34] : memref<48x80xi32, #tpu.memory_space<vmem>> -> memref<2x80xi32, #tpu.memory_space<vmem>>
    %dma_start3A_36 = arith.constant 0 : i32
    %dma_start3A_37 = arith.constant 0 : i32
    %dma_start3A_38 = tpu.memref_slice %arg3[%add3A, %dma_start3A_32, %dma_start3A_36, %dma_start3A_37] : memref<32x125x2x80xi32, #tpu.memory_space<hbm>> -> memref<1x1x2x80xi32, #tpu.memory_space<hbm>>
    %dma_start3A_39 = tpu.memref_squeeze %dma_start3A_38 : memref<1x1x2x80xi32, #tpu.memory_space<hbm>> -> memref<2x80xi32, #tpu.memory_space<hbm>>
    %dma_start3A_40 = arith.constant 16 : i32
    %dma_start3A_41 = arith.constant 0 : i32
    %dma_start3A_42 = tpu.memref_slice %arg5[%dma_start3A_40, %dma_start3A_41] : memref<48x80xi32, #tpu.memory_space<vmem>> -> memref<2x80xi32, #tpu.memory_space<vmem>>
    %dma_start3A_43 = arith.constant 0 : i32
    %dma_start3A_44 = arith.constant 0 : i32
    %dma_start3A_45 = tpu.memref_slice %arg3[%add3A, %dma_start3A_32, %dma_start3A_43, %dma_start3A_44] : memref<32x125x2x80xi32, #tpu.memory_space<hbm>> -> memref<1x1x2x80xi32, #tpu.memory_space<hbm>>
    %dma_start3A_46 = tpu.memref_squeeze %dma_start3A_45 : memref<1x1x2x80xi32, #tpu.memory_space<hbm>> -> memref<2x80xi32, #tpu.memory_space<hbm>>
    tpu.enqueue_dma source(%dma_start3A_46 : memref<2x80xi32, #tpu.memory_space<hbm>>) target(%dma_start3A_42 : memref<2x80xi32, #tpu.memory_space<vmem>>) target_semaphore(%arg9 : memref<!tpu.dma_semaphore, #tpu.memory_space<semaphore_mem>>)
    %dma_start3A_47 = arith.constant 3 : i32
    %dma_start3A_48 = arith.constant 24 : i32
    %dma_start3A_49 = arith.constant 0 : i32
    %dma_start3A_50 = tpu.memref_slice %arg5[%dma_start3A_48, %dma_start3A_49] : memref<48x80xi32, #tpu.memory_space<vmem>> -> memref<2x80xi32, #tpu.memory_space<vmem>>
    %dma_start3A_51 = arith.constant 0 : i32
    %dma_start3A_52 = arith.constant 0 : i32
    %dma_start3A_53 = tpu.memref_slice %arg3[%add3A, %dma_start3A_47, %dma_start3A_51, %dma_start3A_52] : memref<32x125x2x80xi32, #tpu.memory_space<hbm>> -> memref<1x1x2x80xi32, #tpu.memory_space<hbm>>
    %dma_start3A_54 = tpu.memref_squeeze %dma_start3A_53 : memref<1x1x2x80xi32, #tpu.memory_space<hbm>> -> memref<2x80xi32, #tpu.memory_space<hbm>>
    %dma_start3A_55 = arith.constant 24 : i32
    %dma_start3A_56 = arith.constant 0 : i32
    %dma_start3A_57 = tpu.memref_slice %arg5[%dma_start3A_55, %dma_start3A_56] : memref<48x80xi32, #tpu.memory_space<vmem>> -> memref<2x80xi32, #tpu.memory_space<vmem>>
    %dma_start3A_58 = arith.constant 0 : i32
    %dma_start3A_59 = arith.constant 0 : i32
    %dma_start3A_60 = tpu.memref_slice %arg3[%add3A, %dma_start3A_47, %dma_start3A_58, %dma_start3A_59] : memref<32x125x2x80xi32, #tpu.memory_space<hbm>> -> memref<1x1x2x80xi32, #tpu.memory_space<hbm>>
    %dma_start3A_61 = tpu.memref_squeeze %dma_start3A_60 : memref<1x1x2x80xi32, #tpu.memory_space<hbm>> -> memref<2x80xi32, #tpu.memory_space<hbm>>
    tpu.enqueue_dma source(%dma_start3A_61 : memref<2x80xi32, #tpu.memory_space<hbm>>) target(%dma_start3A_57 : memref<2x80xi32, #tpu.memory_space<vmem>>) target_semaphore(%arg10 : memref<!tpu.dma_semaphore, #tpu.memory_space<semaphore_mem>>)
    %dma_wait3A = arith.constant 0 : i32
    %dma_wait3A_62 = arith.constant 0 : i32
    %dma_wait3A_63 = arith.constant 0 : i32
    %dma_wait3A_64 = tpu.memref_slice %arg5[%dma_wait3A_62, %dma_wait3A_63] : memref<48x80xi32, #tpu.memory_space<vmem>> -> memref<2x80xi32, #tpu.memory_space<vmem>>
    %dma_wait3A_65 = arith.constant 0 : i32
    %dma_wait3A_66 = arith.constant 0 : i32
    %dma_wait3A_67 = tpu.memref_slice %arg3[%add3A, %dma_wait3A, %dma_wait3A_65, %dma_wait3A_66] : memref<32x125x2x80xi32, #tpu.memory_space<hbm>> -> memref<1x1x2x80xi32, #tpu.memory_space<hbm>>
    %dma_wait3A_68 = tpu.memref_squeeze %dma_wait3A_67 : memref<1x1x2x80xi32, #tpu.memory_space<hbm>> -> memref<2x80xi32, #tpu.memory_space<hbm>>
    %dma_wait3A_69 = arith.constant 0 : i32
    %dma_wait3A_70 = arith.constant 0 : i32
    %dma_wait3A_71 = tpu.memref_slice %arg5[%dma_wait3A_69, %dma_wait3A_70] : memref<48x80xi32, #tpu.memory_space<vmem>> -> memref<2x80xi32, #tpu.memory_space<vmem>>
    %dma_wait3A_72 = arith.constant 0 : i32
    %dma_wait3A_73 = arith.constant 0 : i32
    %dma_wait3A_74 = tpu.memref_slice %arg3[%add3A, %dma_wait3A, %dma_wait3A_72, %dma_wait3A_73] : memref<32x125x2x80xi32, #tpu.memory_space<hbm>> -> memref<1x1x2x80xi32, #tpu.memory_space<hbm>>
    %dma_wait3A_75 = tpu.memref_squeeze %dma_wait3A_74 : memref<1x1x2x80xi32, #tpu.memory_space<hbm>> -> memref<2x80xi32, #tpu.memory_space<hbm>>
    tpu.wait_dma2 semaphore(%arg7 : memref<!tpu.dma_semaphore, #tpu.memory_space<semaphore_mem>>) src(%dma_wait3A_75 : memref<2x80xi32, #tpu.memory_space<hbm>>) dst(%dma_wait3A_71 : memref<2x80xi32, #tpu.memory_space<vmem>>)
    %dma_start3A_76 = arith.constant 0 : i32
    %dma_start3A_77 = arith.constant 0 : i32
    %dma_start3A_78 = arith.constant 0 : i32
    %dma_start3A_79 = arith.constant 0 : i32
    %dma_start3A_80 = tpu.memref_slice %arg6[%dma_start3A_77, %dma_start3A_78, %dma_start3A_79] : memref<4x80x128xf32, #tpu.memory_space<vmem>> -> memref<1x80x128xf32, #tpu.memory_space<vmem>>
    %dma_start3A_81 = tpu.memref_squeeze %dma_start3A_80 : memref<1x80x128xf32, #tpu.memory_space<vmem>> -> memref<80x128xf32, #tpu.memory_space<vmem>>
    %dma_start3A_82 = arith.constant 0 : i32
    %dma_start3A_83 = tpu.memref_slice %arg5[%dma_start3A_76, %dma_start3A_82] : memref<48x80xi32, #tpu.memory_space<vmem>> -> memref<1x80xi32, #tpu.memory_space<vmem>>
    %dma_start3A_84 = tpu.memref_squeeze %dma_start3A_83 : memref<1x80xi32, #tpu.memory_space<vmem>> -> memref<80xi32, #tpu.memory_space<vmem>>
    %dma_start3A_85 = arith.constant 0 : i32
    %dma_start3A_86 = arith.constant 0 : i32
    %dma_start3A_87 = tpu.memref_slice %arg2[%dma_start3A_85, %dma_start3A_86] : memref<10240x128xf32, #tpu.memory_space<hbm>> -> memref<10240x128xf32, #tpu.memory_space<hbm>>
    tpu.enqueue_indirect_dma source(%dma_start3A_87 : memref<10240x128xf32, #tpu.memory_space<hbm>>) target(%dma_start3A_81 : memref<80x128xf32, #tpu.memory_space<vmem>>) offsets(%dma_start3A_84 : memref<80xi32, #tpu.memory_space<vmem>>) semaphore(%arg13 : memref<!tpu.dma_semaphore, #tpu.memory_space<semaphore_mem>>)
    %dma_wait3A_88 = arith.constant 1 : i32
    %dma_wait3A_89 = arith.constant 8 : i32
    %dma_wait3A_90 = arith.constant 0 : i32
    %dma_wait3A_91 = tpu.memref_slice %arg5[%dma_wait3A_89, %dma_wait3A_90] : memref<48x80xi32, #tpu.memory_space<vmem>> -> memref<2x80xi32, #tpu.memory_space<vmem>>
    %dma_wait3A_92 = arith.constant 0 : i32
    %dma_wait3A_93 = arith.constant 0 : i32
    %dma_wait3A_94 = tpu.memref_slice %arg3[%add3A, %dma_wait3A_88, %dma_wait3A_92, %dma_wait3A_93] : memref<32x125x2x80xi32, #tpu.memory_space<hbm>> -> memref<1x1x2x80xi32, #tpu.memory_space<hbm>>
    %dma_wait3A_95 = tpu.memref_squeeze %dma_wait3A_94 : memref<1x1x2x80xi32, #tpu.memory_space<hbm>> -> memref<2x80xi32, #tpu.memory_space<hbm>>
    %dma_wait3A_96 = arith.constant 8 : i32
    %dma_wait3A_97 = arith.constant 0 : i32
    %dma_wait3A_98 = tpu.memref_slice %arg5[%dma_wait3A_96, %dma_wait3A_97] : memref<48x80xi32, #tpu.memory_space<vmem>> -> memref<2x80xi32, #tpu.memory_space<vmem>>
    %dma_wait3A_99 = arith.constant 0 : i32
    %dma_wait3A_100 = arith.constant 0 : i32
    %dma_wait3A_101 = tpu.memref_slice %arg3[%add3A, %dma_wait3A_88, %dma_wait3A_99, %dma_wait3A_100] : memref<32x125x2x80xi32, #tpu.memory_space<hbm>> -> memref<1x1x2x80xi32, #tpu.memory_space<hbm>>
    %dma_wait3A_102 = tpu.memref_squeeze %dma_wait3A_101 : memref<1x1x2x80xi32, #tpu.memory_space<hbm>> -> memref<2x80xi32, #tpu.memory_space<hbm>>
    tpu.wait_dma2 semaphore(%arg8 : memref<!tpu.dma_semaphore, #tpu.memory_space<semaphore_mem>>) src(%dma_wait3A_102 : memref<2x80xi32, #tpu.memory_space<hbm>>) dst(%dma_wait3A_98 : memref<2x80xi32, #tpu.memory_space<vmem>>)
    %dma_start3A_103 = arith.constant 8 : i32
    %dma_start3A_104 = arith.constant 1 : i32
    %dma_start3A_105 = arith.constant 0 : i32
    %dma_start3A_106 = arith.constant 0 : i32
    %dma_start3A_107 = tpu.memref_slice %arg6[%dma_start3A_104, %dma_start3A_105, %dma_start3A_106] : memref<4x80x128xf32, #tpu.memory_space<vmem>> -> memref<1x80x128xf32, #tpu.memory_space<vmem>>
    %dma_start3A_108 = tpu.memref_squeeze %dma_start3A_107 : memref<1x80x128xf32, #tpu.memory_space<vmem>> -> memref<80x128xf32, #tpu.memory_space<vmem>>
    %dma_start3A_109 = arith.constant 0 : i32
    %dma_start3A_110 = tpu.memref_slice %arg5[%dma_start3A_103, %dma_start3A_109] : memref<48x80xi32, #tpu.memory_space<vmem>> -> memref<1x80xi32, #tpu.memory_space<vmem>>
    %dma_start3A_111 = tpu.memref_squeeze %dma_start3A_110 : memref<1x80xi32, #tpu.memory_space<vmem>> -> memref<80xi32, #tpu.memory_space<vmem>>
    %dma_start3A_112 = arith.constant 0 : i32
    %dma_start3A_113 = arith.constant 0 : i32
    %dma_start3A_114 = tpu.memref_slice %arg2[%dma_start3A_112, %dma_start3A_113] : memref<10240x128xf32, #tpu.memory_space<hbm>> -> memref<10240x128xf32, #tpu.memory_space<hbm>>
    tpu.enqueue_indirect_dma source(%dma_start3A_114 : memref<10240x128xf32, #tpu.memory_space<hbm>>) target(%dma_start3A_108 : memref<80x128xf32, #tpu.memory_space<vmem>>) offsets(%dma_start3A_111 : memref<80xi32, #tpu.memory_space<vmem>>) semaphore(%arg14 : memref<!tpu.dma_semaphore, #tpu.memory_space<semaphore_mem>>)
    %scan3A = arith.constant 0 : i32
    %scan3A_115 = arith.constant 10 : i32
    %scan3A_116 = arith.addi %scan3A, %scan3A_115 : i32
    %scan3A_117 = arith.constant 1 : i32
    scf.for %scan3A_420 = %scan3A to %scan3A_116 step %scan3A_117  : i32 {
      %mul3A_421 = arith.constant 12 : i32
      %mul3A_422 = arith.muli %scan3A_420, %mul3A_421 : i32
      %add3A_423 = arith.constant 0 : i32
      %add3A_424 = arith.addi %add3A_423, %mul3A_422 : i32
      %add3A_425 = arith.constant 0 : i32
      %add3A_426 = arith.addi %add3A_424, %add3A_425 : i32
      %ge3A = arith.constant 2 : i32
      %ge3A_427 = arith.cmpi sge, %add3A_426, %ge3A : i32
      %convert_element_type3A = arith.extui %ge3A_427 : i1 to i32
      %cond3A = arith.constant 0 : i32
      %cond3A_428 = arith.cmpi ne, %convert_element_type3A, %cond3A : i32
      scf.if %cond3A_428 {
        %dma_wait3A_1322 = arith.constant 2 : i32
        %dma_wait3A_1323 = arith.constant 33 : i32
        %dma_wait3A_1324 = arith.constant 0 : i32
        %dma_wait3A_1325 = arith.constant 0 : i32
        %dma_wait3A_1326 = tpu.memref_slice %arg6[%dma_wait3A_1322, %dma_wait3A_1324, %dma_wait3A_1325] : memref<4x80x128xf32, #tpu.memory_space<vmem>> -> memref<1x80x128xf32, #tpu.memory_space<vmem>>
        %dma_wait3A_1327 = tpu.memref_squeeze %dma_wait3A_1326 : memref<1x80x128xf32, #tpu.memory_space<vmem>> -> memref<80x128xf32, #tpu.memory_space<vmem>>
        %dma_wait3A_1328 = arith.constant 0 : i32
        %dma_wait3A_1329 = tpu.memref_slice %arg5[%dma_wait3A_1323, %dma_wait3A_1328] : memref<48x80xi32, #tpu.memory_space<vmem>> -> memref<1x80xi32, #tpu.memory_space<vmem>>
        %dma_wait3A_1330 = tpu.memref_squeeze %dma_wait3A_1329 : memref<1x80xi32, #tpu.memory_space<vmem>> -> memref<80xi32, #tpu.memory_space<vmem>>
        %dma_wait3A_1331 = arith.constant 0 : i32
        %dma_wait3A_1332 = arith.constant 0 : i32
        %dma_wait3A_1333 = tpu.memref_slice %arg21[%dma_wait3A_1331, %dma_wait3A_1332] : memref<10240x128xf32, #tpu.memory_space<vmem_shared>> -> memref<10240x128xf32, #tpu.memory_space<vmem_shared>>
        tpu.wait_indirect_dma semaphore(%arg19 : memref<!tpu.dma_semaphore, #tpu.memory_space<semaphore_mem>>) src(%dma_wait3A_1327 : memref<80x128xf32, #tpu.memory_space<vmem>>) dst(%dma_wait3A_1333 : memref<10240x128xf32, #tpu.memory_space<vmem_shared>>)
      } else {
      }
      %add3A_429 = arith.constant 4 : i32
      %add3A_430 = arith.addi %add3A_426, %add3A_429 : i32
      %dma_start3A_431 = arith.constant 32 : i32
      %dma_start3A_432 = arith.constant 0 : i32
      %dma_start3A_433 = tpu.memref_slice %arg5[%dma_start3A_431, %dma_start3A_432] : memref<48x80xi32, #tpu.memory_space<vmem>> -> memref<2x80xi32, #tpu.memory_space<vmem>>
      %dma_start3A_434 = arith.constant 0 : i32
      %dma_start3A_435 = arith.constant 0 : i32
      %dma_start3A_436 = tpu.memref_slice %arg3[%add3A, %add3A_430, %dma_start3A_434, %dma_start3A_435] : memref<32x125x2x80xi32, #tpu.memory_space<hbm>> -> memref<1x1x2x80xi32, #tpu.memory_space<hbm>>
      %dma_start3A_437 = tpu.memref_squeeze %dma_start3A_436 : memref<1x1x2x80xi32, #tpu.memory_space<hbm>> -> memref<2x80xi32, #tpu.memory_space<hbm>>
      %dma_start3A_438 = arith.constant 32 : i32
      %dma_start3A_439 = arith.constant 0 : i32
      %dma_start3A_440 = tpu.memref_slice %arg5[%dma_start3A_438, %dma_start3A_439] : memref<48x80xi32, #tpu.memory_space<vmem>> -> memref<2x80xi32, #tpu.memory_space<vmem>>
      %dma_start3A_441 = arith.constant 0 : i32
      %dma_start3A_442 = arith.constant 0 : i32
      %dma_start3A_443 = tpu.memref_slice %arg3[%add3A, %add3A_430, %dma_start3A_441, %dma_start3A_442] : memref<32x125x2x80xi32, #tpu.memory_space<hbm>> -> memref<1x1x2x80xi32, #tpu.memory_space<hbm>>
      %dma_start3A_444 = tpu.memref_squeeze %dma_start3A_443 : memref<1x1x2x80xi32, #tpu.memory_space<hbm>> -> memref<2x80xi32, #tpu.memory_space<hbm>>
      tpu.enqueue_dma source(%dma_start3A_444 : memref<2x80xi32, #tpu.memory_space<hbm>>) target(%dma_start3A_440 : memref<2x80xi32, #tpu.memory_space<vmem>>) target_semaphore(%arg11 : memref<!tpu.dma_semaphore, #tpu.memory_space<semaphore_mem>>)
      %add3A_445 = arith.constant 2 : i32
      %add3A_446 = arith.addi %add3A_426, %add3A_445 : i32
      %dma_wait3A_447 = arith.constant 16 : i32
      %dma_wait3A_448 = arith.constant 0 : i32
      %dma_wait3A_449 = tpu.memref_slice %arg5[%dma_wait3A_447, %dma_wait3A_448] : memref<48x80xi32, #tpu.memory_space<vmem>> -> memref<2x80xi32, #tpu.memory_space<vmem>>
      %dma_wait3A_450 = arith.constant 0 : i32
      %dma_wait3A_451 = arith.constant 0 : i32
      %dma_wait3A_452 = tpu.memref_slice %arg3[%add3A, %add3A_446, %dma_wait3A_450, %dma_wait3A_451] : memref<32x125x2x80xi32, #tpu.memory_space<hbm>> -> memref<1x1x2x80xi32, #tpu.memory_space<hbm>>
      %dma_wait3A_453 = tpu.memref_squeeze %dma_wait3A_452 : memref<1x1x2x80xi32, #tpu.memory_space<hbm>> -> memref<2x80xi32, #tpu.memory_space<hbm>>
      %dma_wait3A_454 = arith.constant 16 : i32
      %dma_wait3A_455 = arith.constant 0 : i32
      %dma_wait3A_456 = tpu.memref_slice %arg5[%dma_wait3A_454, %dma_wait3A_455] : memref<48x80xi32, #tpu.memory_space<vmem>> -> memref<2x80xi32, #tpu.memory_space<vmem>>
      %dma_wait3A_457 = arith.constant 0 : i32
      %dma_wait3A_458 = arith.constant 0 : i32
      %dma_wait3A_459 = tpu.memref_slice %arg3[%add3A, %add3A_446, %dma_wait3A_457, %dma_wait3A_458] : memref<32x125x2x80xi32, #tpu.memory_space<hbm>> -> memref<1x1x2x80xi32, #tpu.memory_space<hbm>>
      %dma_wait3A_460 = tpu.memref_squeeze %dma_wait3A_459 : memref<1x1x2x80xi32, #tpu.memory_space<hbm>> -> memref<2x80xi32, #tpu.memory_space<hbm>>
      tpu.wait_dma2 semaphore(%arg9 : memref<!tpu.dma_semaphore, #tpu.memory_space<semaphore_mem>>) src(%dma_wait3A_460 : memref<2x80xi32, #tpu.memory_space<hbm>>) dst(%dma_wait3A_456 : memref<2x80xi32, #tpu.memory_space<vmem>>)
      %dma_start3A_461 = arith.constant 16 : i32
      %dma_start3A_462 = arith.constant 2 : i32
      %dma_start3A_463 = arith.constant 0 : i32
      %dma_start3A_464 = arith.constant 0 : i32
      %dma_start3A_465 = tpu.memref_slice %arg6[%dma_start3A_462, %dma_start3A_463, %dma_start3A_464] : memref<4x80x128xf32, #tpu.memory_space<vmem>> -> memref<1x80x128xf32, #tpu.memory_space<vmem>>
      %dma_start3A_466 = tpu.memref_squeeze %dma_start3A_465 : memref<1x80x128xf32, #tpu.memory_space<vmem>> -> memref<80x128xf32, #tpu.memory_space<vmem>>
      %dma_start3A_467 = arith.constant 0 : i32
      %dma_start3A_468 = tpu.memref_slice %arg5[%dma_start3A_461, %dma_start3A_467] : memref<48x80xi32, #tpu.memory_space<vmem>> -> memref<1x80xi32, #tpu.memory_space<vmem>>
      %dma_start3A_469 = tpu.memref_squeeze %dma_start3A_468 : memref<1x80xi32, #tpu.memory_space<vmem>> -> memref<80xi32, #tpu.memory_space<vmem>>
      %dma_start3A_470 = arith.constant 0 : i32
      %dma_start3A_471 = arith.constant 0 : i32
      %dma_start3A_472 = tpu.memref_slice %arg2[%dma_start3A_470, %dma_start3A_471] : memref<10240x128xf32, #tpu.memory_space<hbm>> -> memref<10240x128xf32, #tpu.memory_space<hbm>>
      tpu.enqueue_indirect_dma source(%dma_start3A_472 : memref<10240x128xf32, #tpu.memory_space<hbm>>) target(%dma_start3A_466 : memref<80x128xf32, #tpu.memory_space<vmem>>) offsets(%dma_start3A_469 : memref<80xi32, #tpu.memory_space<vmem>>) semaphore(%arg15 : memref<!tpu.dma_semaphore, #tpu.memory_space<semaphore_mem>>)
      %dma_wait3A_473 = arith.constant 0 : i32
      %dma_wait3A_474 = arith.constant 0 : i32
      %dma_wait3A_475 = arith.constant 0 : i32
      %dma_wait3A_476 = arith.constant 0 : i32
      %dma_wait3A_477 = tpu.memref_slice %arg6[%dma_wait3A_474, %dma_wait3A_475, %dma_wait3A_476] : memref<4x80x128xf32, #tpu.memory_space<vmem>> -> memref<1x80x128xf32, #tpu.memory_space<vmem>>
      %dma_wait3A_478 = tpu.memref_squeeze %dma_wait3A_477 : memref<1x80x128xf32, #tpu.memory_space<vmem>> -> memref<80x128xf32, #tpu.memory_space<vmem>>
      %dma_wait3A_479 = arith.constant 0 : i32
      %dma_wait3A_480 = tpu.memref_slice %arg5[%dma_wait3A_473, %dma_wait3A_479] : memref<48x80xi32, #tpu.memory_space<vmem>> -> memref<1x80xi32, #tpu.memory_space<vmem>>
      %dma_wait3A_481 = tpu.memref_squeeze %dma_wait3A_480 : memref<1x80xi32, #tpu.memory_space<vmem>> -> memref<80xi32, #tpu.memory_space<vmem>>
      %dma_wait3A_482 = arith.constant 0 : i32
      %dma_wait3A_483 = arith.constant 0 : i32
      %dma_wait3A_484 = tpu.memref_slice %arg2[%dma_wait3A_482, %dma_wait3A_483] : memref<10240x128xf32, #tpu.memory_space<hbm>> -> memref<10240x128xf32, #tpu.memory_space<hbm>>
      tpu.wait_indirect_dma semaphore(%arg13 : memref<!tpu.dma_semaphore, #tpu.memory_space<semaphore_mem>>) src(%dma_wait3A_484 : memref<10240x128xf32, #tpu.memory_space<hbm>>) dst(%dma_wait3A_478 : memref<80x128xf32, #tpu.memory_space<vmem>>)
      %dma_start3A_485 = arith.constant 0 : i32
      %dma_start3A_486 = arith.constant 1 : i32
      %dma_start3A_487 = arith.constant 0 : i32
      %dma_start3A_488 = arith.constant 0 : i32
      %dma_start3A_489 = tpu.memref_slice %arg6[%dma_start3A_485, %dma_start3A_487, %dma_start3A_488] : memref<4x80x128xf32, #tpu.memory_space<vmem>> -> memref<1x80x128xf32, #tpu.memory_space<vmem>>
      %dma_start3A_490 = tpu.memref_squeeze %dma_start3A_489 : memref<1x80x128xf32, #tpu.memory_space<vmem>> -> memref<80x128xf32, #tpu.memory_space<vmem>>
      %dma_start3A_491 = arith.constant 0 : i32
      %dma_start3A_492 = tpu.memref_slice %arg5[%dma_start3A_486, %dma_start3A_491] : memref<48x80xi32, #tpu.memory_space<vmem>> -> memref<1x80xi32, #tpu.memory_space<vmem>>
      %dma_start3A_493 = tpu.memref_squeeze %dma_start3A_492 : memref<1x80xi32, #tpu.memory_space<vmem>> -> memref<80xi32, #tpu.memory_space<vmem>>
      %dma_start3A_494 = arith.constant 0 : i32
      %dma_start3A_495 = arith.constant 0 : i32
      %dma_start3A_496 = tpu.memref_slice %arg21[%dma_start3A_494, %dma_start3A_495] : memref<10240x128xf32, #tpu.memory_space<vmem_shared>> -> memref<10240x128xf32, #tpu.memory_space<vmem_shared>>
      tpu.enqueue_indirect_dma source(%dma_start3A_490 : memref<80x128xf32, #tpu.memory_space<vmem>>) target(%dma_start3A_496 : memref<10240x128xf32, #tpu.memory_space<vmem_shared>>) offsets(%dma_start3A_493 : memref<80xi32, #tpu.memory_space<vmem>>) semaphore(%arg17 : memref<!tpu.dma_semaphore, #tpu.memory_space<semaphore_mem>>) {add = true}
      %add3A_497 = arith.constant 1 : i32
      %add3A_498 = arith.addi %add3A_424, %add3A_497 : i32
      %ge3A_499 = arith.constant 2 : i32
      %ge3A_500 = arith.cmpi sge, %add3A_498, %ge3A_499 : i32
      %convert_element_type3A_501 = arith.extui %ge3A_500 : i1 to i32
      %cond3A_502 = arith.constant 0 : i32
      %cond3A_503 = arith.cmpi ne, %convert_element_type3A_501, %cond3A_502 : i32
      scf.if %cond3A_503 {
        %dma_wait3A_1322 = arith.constant 3 : i32
        %dma_wait3A_1323 = arith.constant 41 : i32
        %dma_wait3A_1324 = arith.constant 0 : i32
        %dma_wait3A_1325 = arith.constant 0 : i32
        %dma_wait3A_1326 = tpu.memref_slice %arg6[%dma_wait3A_1322, %dma_wait3A_1324, %dma_wait3A_1325] : memref<4x80x128xf32, #tpu.memory_space<vmem>> -> memref<1x80x128xf32, #tpu.memory_space<vmem>>
        %dma_wait3A_1327 = tpu.memref_squeeze %dma_wait3A_1326 : memref<1x80x128xf32, #tpu.memory_space<vmem>> -> memref<80x128xf32, #tpu.memory_space<vmem>>
        %dma_wait3A_1328 = arith.constant 0 : i32
        %dma_wait3A_1329 = tpu.memref_slice %arg5[%dma_wait3A_1323, %dma_wait3A_1328] : memref<48x80xi32, #tpu.memory_space<vmem>> -> memref<1x80xi32, #tpu.memory_space<vmem>>
        %dma_wait3A_1330 = tpu.memref_squeeze %dma_wait3A_1329 : memref<1x80xi32, #tpu.memory_space<vmem>> -> memref<80xi32, #tpu.memory_space<vmem>>
        %dma_wait3A_1331 = arith.constant 0 : i32
        %dma_wait3A_1332 = arith.constant 0 : i32
        %dma_wait3A_1333 = tpu.memref_slice %arg21[%dma_wait3A_1331, %dma_wait3A_1332] : memref<10240x128xf32, #tpu.memory_space<vmem_shared>> -> memref<10240x128xf32, #tpu.memory_space<vmem_shared>>
        tpu.wait_indirect_dma semaphore(%arg20 : memref<!tpu.dma_semaphore, #tpu.memory_space<semaphore_mem>>) src(%dma_wait3A_1327 : memref<80x128xf32, #tpu.memory_space<vmem>>) dst(%dma_wait3A_1333 : memref<10240x128xf32, #tpu.memory_space<vmem_shared>>)
      } else {
      }
      %add3A_504 = arith.constant 4 : i32
      %add3A_505 = arith.addi %add3A_498, %add3A_504 : i32
      %dma_start3A_506 = arith.constant 40 : i32
      %dma_start3A_507 = arith.constant 0 : i32
      %dma_start3A_508 = tpu.memref_slice %arg5[%dma_start3A_506, %dma_start3A_507] : memref<48x80xi32, #tpu.memory_space<vmem>> -> memref<2x80xi32, #tpu.memory_space<vmem>>
      %dma_start3A_509 = arith.constant 0 : i32
      %dma_start3A_510 = arith.constant 0 : i32
      %dma_start3A_511 = tpu.memref_slice %arg3[%add3A, %add3A_505, %dma_start3A_509, %dma_start3A_510] : memref<32x125x2x80xi32, #tpu.memory_space<hbm>> -> memref<1x1x2x80xi32, #tpu.memory_space<hbm>>
      %dma_start3A_512 = tpu.memref_squeeze %dma_start3A_511 : memref<1x1x2x80xi32, #tpu.memory_space<hbm>> -> memref<2x80xi32, #tpu.memory_space<hbm>>
      %dma_start3A_513 = arith.constant 40 : i32
      %dma_start3A_514 = arith.constant 0 : i32
      %dma_start3A_515 = tpu.memref_slice %arg5[%dma_start3A_513, %dma_start3A_514] : memref<48x80xi32, #tpu.memory_space<vmem>> -> memref<2x80xi32, #tpu.memory_space<vmem>>
      %dma_start3A_516 = arith.constant 0 : i32
      %dma_start3A_517 = arith.constant 0 : i32
      %dma_start3A_518 = tpu.memref_slice %arg3[%add3A, %add3A_505, %dma_start3A_516, %dma_start3A_517] : memref<32x125x2x80xi32, #tpu.memory_space<hbm>> -> memref<1x1x2x80xi32, #tpu.memory_space<hbm>>
      %dma_start3A_519 = tpu.memref_squeeze %dma_start3A_518 : memref<1x1x2x80xi32, #tpu.memory_space<hbm>> -> memref<2x80xi32, #tpu.memory_space<hbm>>
      tpu.enqueue_dma source(%dma_start3A_519 : memref<2x80xi32, #tpu.memory_space<hbm>>) target(%dma_start3A_515 : memref<2x80xi32, #tpu.memory_space<vmem>>) target_semaphore(%arg12 : memref<!tpu.dma_semaphore, #tpu.memory_space<semaphore_mem>>)
      %add3A_520 = arith.constant 2 : i32
      %add3A_521 = arith.addi %add3A_498, %add3A_520 : i32
      %dma_wait3A_522 = arith.constant 24 : i32
      %dma_wait3A_523 = arith.constant 0 : i32
      %dma_wait3A_524 = tpu.memref_slice %arg5[%dma_wait3A_522, %dma_wait3A_523] : memref<48x80xi32, #tpu.memory_space<vmem>> -> memref<2x80xi32, #tpu.memory_space<vmem>>
      %dma_wait3A_525 = arith.constant 0 : i32
      %dma_wait3A_526 = arith.constant 0 : i32
      %dma_wait3A_527 = tpu.memref_slice %arg3[%add3A, %add3A_521, %dma_wait3A_525, %dma_wait3A_526] : memref<32x125x2x80xi32, #tpu.memory_space<hbm>> -> memref<1x1x2x80xi32, #tpu.memory_space<hbm>>
      %dma_wait3A_528 = tpu.memref_squeeze %dma_wait3A_527 : memref<1x1x2x80xi32, #tpu.memory_space<hbm>> -> memref<2x80xi32, #tpu.memory_space<hbm>>
      %dma_wait3A_529 = arith.constant 24 : i32
      %dma_wait3A_530 = arith.constant 0 : i32
      %dma_wait3A_531 = tpu.memref_slice %arg5[%dma_wait3A_529, %dma_wait3A_530] : memref<48x80xi32, #tpu.memory_space<vmem>> -> memref<2x80xi32, #tpu.memory_space<vmem>>
      %dma_wait3A_532 = arith.constant 0 : i32
      %dma_wait3A_533 = arith.constant 0 : i32
      %dma_wait3A_534 = tpu.memref_slice %arg3[%add3A, %add3A_521, %dma_wait3A_532, %dma_wait3A_533] : memref<32x125x2x80xi32, #tpu.memory_space<hbm>> -> memref<1x1x2x80xi32, #tpu.memory_space<hbm>>
      %dma_wait3A_535 = tpu.memref_squeeze %dma_wait3A_534 : memref<1x1x2x80xi32, #tpu.memory_space<hbm>> -> memref<2x80xi32, #tpu.memory_space<hbm>>
      tpu.wait_dma2 semaphore(%arg10 : memref<!tpu.dma_semaphore, #tpu.memory_space<semaphore_mem>>) src(%dma_wait3A_535 : memref<2x80xi32, #tpu.memory_space<hbm>>) dst(%dma_wait3A_531 : memref<2x80xi32, #tpu.memory_space<vmem>>)
      %dma_start3A_536 = arith.constant 24 : i32
      %dma_start3A_537 = arith.constant 3 : i32
      %dma_start3A_538 = arith.constant 0 : i32
      %dma_start3A_539 = arith.constant 0 : i32
      %dma_start3A_540 = tpu.memref_slice %arg6[%dma_start3A_537, %dma_start3A_538, %dma_start3A_539] : memref<4x80x128xf32, #tpu.memory_space<vmem>> -> memref<1x80x128xf32, #tpu.memory_space<vmem>>
      %dma_start3A_541 = tpu.memref_squeeze %dma_start3A_540 : memref<1x80x128xf32, #tpu.memory_space<vmem>> -> memref<80x128xf32, #tpu.memory_space<vmem>>
      %dma_start3A_542 = arith.constant 0 : i32
      %dma_start3A_543 = tpu.memref_slice %arg5[%dma_start3A_536, %dma_start3A_542] : memref<48x80xi32, #tpu.memory_space<vmem>> -> memref<1x80xi32, #tpu.memory_space<vmem>>
      %dma_start3A_544 = tpu.memref_squeeze %dma_start3A_543 : memref<1x80xi32, #tpu.memory_space<vmem>> -> memref<80xi32, #tpu.memory_space<vmem>>
      %dma_start3A_545 = arith.constant 0 : i32
      %dma_start3A_546 = arith.constant 0 : i32
      %dma_start3A_547 = tpu.memref_slice %arg2[%dma_start3A_545, %dma_start3A_546] : memref<10240x128xf32, #tpu.memory_space<hbm>> -> memref<10240x128xf32, #tpu.memory_space<hbm>>
      tpu.enqueue_indirect_dma source(%dma_start3A_547 : memref<10240x128xf32, #tpu.memory_space<hbm>>) target(%dma_start3A_541 : memref<80x128xf32, #tpu.memory_space<vmem>>) offsets(%dma_start3A_544 : memref<80xi32, #tpu.memory_space<vmem>>) semaphore(%arg16 : memref<!tpu.dma_semaphore, #tpu.memory_space<semaphore_mem>>)
      %dma_wait3A_548 = arith.constant 8 : i32
      %dma_wait3A_549 = arith.constant 1 : i32
      %dma_wait3A_550 = arith.constant 0 : i32
      %dma_wait3A_551 = arith.constant 0 : i32
      %dma_wait3A_552 = tpu.memref_slice %arg6[%dma_wait3A_549, %dma_wait3A_550, %dma_wait3A_551] : memref<4x80x128xf32, #tpu.memory_space<vmem>> -> memref<1x80x128xf32, #tpu.memory_space<vmem>>
      %dma_wait3A_553 = tpu.memref_squeeze %dma_wait3A_552 : memref<1x80x128xf32, #tpu.memory_space<vmem>> -> memref<80x128xf32, #tpu.memory_space<vmem>>
      %dma_wait3A_554 = arith.constant 0 : i32
      %dma_wait3A_555 = tpu.memref_slice %arg5[%dma_wait3A_548, %dma_wait3A_554] : memref<48x80xi32, #tpu.memory_space<vmem>> -> memref<1x80xi32, #tpu.memory_space<vmem>>
      %dma_wait3A_556 = tpu.memref_squeeze %dma_wait3A_555 : memref<1x80xi32, #tpu.memory_space<vmem>> -> memref<80xi32, #tpu.memory_space<vmem>>
      %dma_wait3A_557 = arith.constant 0 : i32
      %dma_wait3A_558 = arith.constant 0 : i32
      %dma_wait3A_559 = tpu.memref_slice %arg2[%dma_wait3A_557, %dma_wait3A_558] : memref<10240x128xf32, #tpu.memory_space<hbm>> -> memref<10240x128xf32, #tpu.memory_space<hbm>>
      tpu.wait_indirect_dma semaphore(%arg14 : memref<!tpu.dma_semaphore, #tpu.memory_space<semaphore_mem>>) src(%dma_wait3A_559 : memref<10240x128xf32, #tpu.memory_space<hbm>>) dst(%dma_wait3A_553 : memref<80x128xf32, #tpu.memory_space<vmem>>)
      %dma_start3A_560 = arith.constant 1 : i32
      %dma_start3A_561 = arith.constant 9 : i32
      %dma_start3A_562 = arith.constant 0 : i32
      %dma_start3A_563 = arith.constant 0 : i32
      %dma_start3A_564 = tpu.memref_slice %arg6[%dma_start3A_560, %dma_start3A_562, %dma_start3A_563] : memref<4x80x128xf32, #tpu.memory_space<vmem>> -> memref<1x80x128xf32, #tpu.memory_space<vmem>>
      %dma_start3A_565 = tpu.memref_squeeze %dma_start3A_564 : memref<1x80x128xf32, #tpu.memory_space<vmem>> -> memref<80x128xf32, #tpu.memory_space<vmem>>
      %dma_start3A_566 = arith.constant 0 : i32
      %dma_start3A_567 = tpu.memref_slice %arg5[%dma_start3A_561, %dma_start3A_566] : memref<48x80xi32, #tpu.memory_space<vmem>> -> memref<1x80xi32, #tpu.memory_space<vmem>>
      %dma_start3A_568 = tpu.memref_squeeze %dma_start3A_567 : memref<1x80xi32, #tpu.memory_space<vmem>> -> memref<80xi32, #tpu.memory_space<vmem>>
      %dma_start3A_569 = arith.constant 0 : i32
      %dma_start3A_570 = arith.constant 0 : i32
      %dma_start3A_571 = tpu.memref_slice %arg21[%dma_start3A_569, %dma_start3A_570] : memref<10240x128xf32, #tpu.memory_space<vmem_shared>> -> memref<10240x128xf32, #tpu.memory_space<vmem_shared>>
      tpu.enqueue_indirect_dma source(%dma_start3A_565 : memref<80x128xf32, #tpu.memory_space<vmem>>) target(%dma_start3A_571 : memref<10240x128xf32, #tpu.memory_space<vmem_shared>>) offsets(%dma_start3A_568 : memref<80xi32, #tpu.memory_space<vmem>>) semaphore(%arg18 : memref<!tpu.dma_semaphore, #tpu.memory_space<semaphore_mem>>) {add = true}
      %add3A_572 = arith.constant 2 : i32
      %add3A_573 = arith.addi %add3A_424, %add3A_572 : i32
      %ge3A_574 = arith.constant 2 : i32
      %ge3A_575 = arith.cmpi sge, %add3A_573, %ge3A_574 : i32
      %convert_element_type3A_576 = arith.extui %ge3A_575 : i1 to i32
      %cond3A_577 = arith.constant 0 : i32
      %cond3A_578 = arith.cmpi ne, %convert_element_type3A_576, %cond3A_577 : i32
      scf.if %cond3A_578 {
        %dma_wait3A_1322 = arith.constant 0 : i32
        %dma_wait3A_1323 = arith.constant 1 : i32
        %dma_wait3A_1324 = arith.constant 0 : i32
        %dma_wait3A_1325 = arith.constant 0 : i32
        %dma_wait3A_1326 = tpu.memref_slice %arg6[%dma_wait3A_1322, %dma_wait3A_1324, %dma_wait3A_1325] : memref<4x80x128xf32, #tpu.memory_space<vmem>> -> memref<1x80x128xf32, #tpu.memory_space<vmem>>
        %dma_wait3A_1327 = tpu.memref_squeeze %dma_wait3A_1326 : memref<1x80x128xf32, #tpu.memory_space<vmem>> -> memref<80x128xf32, #tpu.memory_space<vmem>>
        %dma_wait3A_1328 = arith.constant 0 : i32
        %dma_wait3A_1329 = tpu.memref_slice %arg5[%dma_wait3A_1323, %dma_wait3A_1328] : memref<48x80xi32, #tpu.memory_space<vmem>> -> memref<1x80xi32, #tpu.memory_space<vmem>>
        %dma_wait3A_1330 = tpu.memref_squeeze %dma_wait3A_1329 : memref<1x80xi32, #tpu.memory_space<vmem>> -> memref<80xi32, #tpu.memory_space<vmem>>
        %dma_wait3A_1331 = arith.constant 0 : i32
        %dma_wait3A_1332 = arith.constant 0 : i32
        %dma_wait3A_1333 = tpu.memref_slice %arg21[%dma_wait3A_1331, %dma_wait3A_1332] : memref<10240x128xf32, #tpu.memory_space<vmem_shared>> -> memref<10240x128xf32, #tpu.memory_space<vmem_shared>>
        tpu.wait_indirect_dma semaphore(%arg17 : memref<!tpu.dma_semaphore, #tpu.memory_space<semaphore_mem>>) src(%dma_wait3A_1327 : memref<80x128xf32, #tpu.memory_space<vmem>>) dst(%dma_wait3A_1333 : memref<10240x128xf32, #tpu.memory_space<vmem_shared>>)
      } else {
      }
      %add3A_579 = arith.constant 4 : i32
      %add3A_580 = arith.addi %add3A_573, %add3A_579 : i32
      %dma_start3A_581 = arith.constant 0 : i32
      %dma_start3A_582 = arith.constant 0 : i32
      %dma_start3A_583 = tpu.memref_slice %arg5[%dma_start3A_581, %dma_start3A_582] : memref<48x80xi32, #tpu.memory_space<vmem>> -> memref<2x80xi32, #tpu.memory_space<vmem>>
      %dma_start3A_584 = arith.constant 0 : i32
      %dma_start3A_585 = arith.constant 0 : i32
      %dma_start3A_586 = tpu.memref_slice %arg3[%add3A, %add3A_580, %dma_start3A_584, %dma_start3A_585] : memref<32x125x2x80xi32, #tpu.memory_space<hbm>> -> memref<1x1x2x80xi32, #tpu.memory_space<hbm>>
      %dma_start3A_587 = tpu.memref_squeeze %dma_start3A_586 : memref<1x1x2x80xi32, #tpu.memory_space<hbm>> -> memref<2x80xi32, #tpu.memory_space<hbm>>
      %dma_start3A_588 = arith.constant 0 : i32
      %dma_start3A_589 = arith.constant 0 : i32
      %dma_start3A_590 = tpu.memref_slice %arg5[%dma_start3A_588, %dma_start3A_589] : memref<48x80xi32, #tpu.memory_space<vmem>> -> memref<2x80xi32, #tpu.memory_space<vmem>>
      %dma_start3A_591 = arith.constant 0 : i32
      %dma_start3A_592 = arith.constant 0 : i32
      %dma_start3A_593 = tpu.memref_slice %arg3[%add3A, %add3A_580, %dma_start3A_591, %dma_start3A_592] : memref<32x125x2x80xi32, #tpu.memory_space<hbm>> -> memref<1x1x2x80xi32, #tpu.memory_space<hbm>>
      %dma_start3A_594 = tpu.memref_squeeze %dma_start3A_593 : memref<1x1x2x80xi32, #tpu.memory_space<hbm>> -> memref<2x80xi32, #tpu.memory_space<hbm>>
      tpu.enqueue_dma source(%dma_start3A_594 : memref<2x80xi32, #tpu.memory_space<hbm>>) target(%dma_start3A_590 : memref<2x80xi32, #tpu.memory_space<vmem>>) target_semaphore(%arg7 : memref<!tpu.dma_semaphore, #tpu.memory_space<semaphore_mem>>)
      %add3A_595 = arith.constant 2 : i32
      %add3A_596 = arith.addi %add3A_573, %add3A_595 : i32
      %dma_wait3A_597 = arith.constant 32 : i32
      %dma_wait3A_598 = arith.constant 0 : i32
      %dma_wait3A_599 = tpu.memref_slice %arg5[%dma_wait3A_597, %dma_wait3A_598] : memref<48x80xi32, #tpu.memory_space<vmem>> -> memref<2x80xi32, #tpu.memory_space<vmem>>
      %dma_wait3A_600 = arith.constant 0 : i32
      %dma_wait3A_601 = arith.constant 0 : i32
      %dma_wait3A_602 = tpu.memref_slice %arg3[%add3A, %add3A_596, %dma_wait3A_600, %dma_wait3A_601] : memref<32x125x2x80xi32, #tpu.memory_space<hbm>> -> memref<1x1x2x80xi32, #tpu.memory_space<hbm>>
      %dma_wait3A_603 = tpu.memref_squeeze %dma_wait3A_602 : memref<1x1x2x80xi32, #tpu.memory_space<hbm>> -> memref<2x80xi32, #tpu.memory_space<hbm>>
      %dma_wait3A_604 = arith.constant 32 : i32
      %dma_wait3A_605 = arith.constant 0 : i32
      %dma_wait3A_606 = tpu.memref_slice %arg5[%dma_wait3A_604, %dma_wait3A_605] : memref<48x80xi32, #tpu.memory_space<vmem>> -> memref<2x80xi32, #tpu.memory_space<vmem>>
      %dma_wait3A_607 = arith.constant 0 : i32
      %dma_wait3A_608 = arith.constant 0 : i32
      %dma_wait3A_609 = tpu.memref_slice %arg3[%add3A, %add3A_596, %dma_wait3A_607, %dma_wait3A_608] : memref<32x125x2x80xi32, #tpu.memory_space<hbm>> -> memref<1x1x2x80xi32, #tpu.memory_space<hbm>>
      %dma_wait3A_610 = tpu.memref_squeeze %dma_wait3A_609 : memref<1x1x2x80xi32, #tpu.memory_space<hbm>> -> memref<2x80xi32, #tpu.memory_space<hbm>>
      tpu.wait_dma2 semaphore(%arg11 : memref<!tpu.dma_semaphore, #tpu.memory_space<semaphore_mem>>) src(%dma_wait3A_610 : memref<2x80xi32, #tpu.memory_space<hbm>>) dst(%dma_wait3A_606 : memref<2x80xi32, #tpu.memory_space<vmem>>)
      %dma_start3A_611 = arith.constant 32 : i32
      %dma_start3A_612 = arith.constant 0 : i32
      %dma_start3A_613 = arith.constant 0 : i32
      %dma_start3A_614 = arith.constant 0 : i32
      %dma_start3A_615 = tpu.memref_slice %arg6[%dma_start3A_612, %dma_start3A_613, %dma_start3A_614] : memref<4x80x128xf32, #tpu.memory_space<vmem>> -> memref<1x80x128xf32, #tpu.memory_space<vmem>>
      %dma_start3A_616 = tpu.memref_squeeze %dma_start3A_615 : memref<1x80x128xf32, #tpu.memory_space<vmem>> -> memref<80x128xf32, #tpu.memory_space<vmem>>
      %dma_start3A_617 = arith.constant 0 : i32
      %dma_start3A_618 = tpu.memref_slice %arg5[%dma_start3A_611, %dma_start3A_617] : memref<48x80xi32, #tpu.memory_space<vmem>> -> memref<1x80xi32, #tpu.memory_space<vmem>>
      %dma_start3A_619 = tpu.memref_squeeze %dma_start3A_618 : memref<1x80xi32, #tpu.memory_space<vmem>> -> memref<80xi32, #tpu.memory_space<vmem>>
      %dma_start3A_620 = arith.constant 0 : i32
      %dma_start3A_621 = arith.constant 0 : i32
      %dma_start3A_622 = tpu.memref_slice %arg2[%dma_start3A_620, %dma_start3A_621] : memref<10240x128xf32, #tpu.memory_space<hbm>> -> memref<10240x128xf32, #tpu.memory_space<hbm>>
      tpu.enqueue_indirect_dma source(%dma_start3A_622 : memref<10240x128xf32, #tpu.memory_space<hbm>>) target(%dma_start3A_616 : memref<80x128xf32, #tpu.memory_space<vmem>>) offsets(%dma_start3A_619 : memref<80xi32, #tpu.memory_space<vmem>>) semaphore(%arg13 : memref<!tpu.dma_semaphore, #tpu.memory_space<semaphore_mem>>)
      %dma_wait3A_623 = arith.constant 16 : i32
      %dma_wait3A_624 = arith.constant 2 : i32
      %dma_wait3A_625 = arith.constant 0 : i32
      %dma_wait3A_626 = arith.constant 0 : i32
      %dma_wait3A_627 = tpu.memref_slice %arg6[%dma_wait3A_624, %dma_wait3A_625, %dma_wait3A_626] : memref<4x80x128xf32, #tpu.memory_space<vmem>> -> memref<1x80x128xf32, #tpu.memory_space<vmem>>
      %dma_wait3A_628 = tpu.memref_squeeze %dma_wait3A_627 : memref<1x80x128xf32, #tpu.memory_space<vmem>> -> memref<80x128xf32, #tpu.memory_space<vmem>>
      %dma_wait3A_629 = arith.constant 0 : i32
      %dma_wait3A_630 = tpu.memref_slice %arg5[%dma_wait3A_623, %dma_wait3A_629] : memref<48x80xi32, #tpu.memory_space<vmem>> -> memref<1x80xi32, #tpu.memory_space<vmem>>
      %dma_wait3A_631 = tpu.memref_squeeze %dma_wait3A_630 : memref<1x80xi32, #tpu.memory_space<vmem>> -> memref<80xi32, #tpu.memory_space<vmem>>
      %dma_wait3A_632 = arith.constant 0 : i32
      %dma_wait3A_633 = arith.constant 0 : i32
      %dma_wait3A_634 = tpu.memref_slice %arg2[%dma_wait3A_632, %dma_wait3A_633] : memref<10240x128xf32, #tpu.memory_space<hbm>> -> memref<10240x128xf32, #tpu.memory_space<hbm>>
      tpu.wait_indirect_dma semaphore(%arg15 : memref<!tpu.dma_semaphore, #tpu.memory_space<semaphore_mem>>) src(%dma_wait3A_634 : memref<10240x128xf32, #tpu.memory_space<hbm>>) dst(%dma_wait3A_628 : memref<80x128xf32, #tpu.memory_space<vmem>>)
      %dma_start3A_635 = arith.constant 2 : i32
      %dma_start3A_636 = arith.constant 17 : i32
      %dma_start3A_637 = arith.constant 0 : i32
      %dma_start3A_638 = arith.constant 0 : i32
      %dma_start3A_639 = tpu.memref_slice %arg6[%dma_start3A_635, %dma_start3A_637, %dma_start3A_638] : memref<4x80x128xf32, #tpu.memory_space<vmem>> -> memref<1x80x128xf32, #tpu.memory_space<vmem>>
      %dma_start3A_640 = tpu.memref_squeeze %dma_start3A_639 : memref<1x80x128xf32, #tpu.memory_space<vmem>> -> memref<80x128xf32, #tpu.memory_space<vmem>>
      %dma_start3A_641 = arith.constant 0 : i32
      %dma_start3A_642 = tpu.memref_slice %arg5[%dma_start3A_636, %dma_start3A_641] : memref<48x80xi32, #tpu.memory_space<vmem>> -> memref<1x80xi32, #tpu.memory_space<vmem>>
      %dma_start3A_643 = tpu.memref_squeeze %dma_start3A_642 : memref<1x80xi32, #tpu.memory_space<vmem>> -> memref<80xi32, #tpu.memory_space<vmem>>
      %dma_start3A_644 = arith.constant 0 : i32
      %dma_start3A_645 = arith.constant 0 : i32
      %dma_start3A_646 = tpu.memref_slice %arg21[%dma_start3A_644, %dma_start3A_645] : memref<10240x128xf32, #tpu.memory_space<vmem_shared>> -> memref<10240x128xf32, #tpu.memory_space<vmem_shared>>
      tpu.enqueue_indirect_dma source(%dma_start3A_640 : memref<80x128xf32, #tpu.memory_space<vmem>>) target(%dma_start3A_646 : memref<10240x128xf32, #tpu.memory_space<vmem_shared>>) offsets(%dma_start3A_643 : memref<80xi32, #tpu.memory_space<vmem>>) semaphore(%arg19 : memref<!tpu.dma_semaphore, #tpu.memory_space<semaphore_mem>>) {add = true}
      %add3A_647 = arith.constant 3 : i32
      %add3A_648 = arith.addi %add3A_424, %add3A_647 : i32
      %ge3A_649 = arith.constant 2 : i32
      %ge3A_650 = arith.cmpi sge, %add3A_648, %ge3A_649 : i32
      %convert_element_type3A_651 = arith.extui %ge3A_650 : i1 to i32
      %cond3A_652 = arith.constant 0 : i32
      %cond3A_653 = arith.cmpi ne, %convert_element_type3A_651, %cond3A_652 : i32
      scf.if %cond3A_653 {
        %dma_wait3A_1322 = arith.constant 1 : i32
        %dma_wait3A_1323 = arith.constant 9 : i32
        %dma_wait3A_1324 = arith.constant 0 : i32
        %dma_wait3A_1325 = arith.constant 0 : i32
        %dma_wait3A_1326 = tpu.memref_slice %arg6[%dma_wait3A_1322, %dma_wait3A_1324, %dma_wait3A_1325] : memref<4x80x128xf32, #tpu.memory_space<vmem>> -> memref<1x80x128xf32, #tpu.memory_space<vmem>>
        %dma_wait3A_1327 = tpu.memref_squeeze %dma_wait3A_1326 : memref<1x80x128xf32, #tpu.memory_space<vmem>> -> memref<80x128xf32, #tpu.memory_space<vmem>>
        %dma_wait3A_1328 = arith.constant 0 : i32
        %dma_wait3A_1329 = tpu.memref_slice %arg5[%dma_wait3A_1323, %dma_wait3A_1328] : memref<48x80xi32, #tpu.memory_space<vmem>> -> memref<1x80xi32, #tpu.memory_space<vmem>>
        %dma_wait3A_1330 = tpu.memref_squeeze %dma_wait3A_1329 : memref<1x80xi32, #tpu.memory_space<vmem>> -> memref<80xi32, #tpu.memory_space<vmem>>
        %dma_wait3A_1331 = arith.constant 0 : i32
        %dma_wait3A_1332 = arith.constant 0 : i32
        %dma_wait3A_1333 = tpu.memref_slice %arg21[%dma_wait3A_1331, %dma_wait3A_1332] : memref<10240x128xf32, #tpu.memory_space<vmem_shared>> -> memref<10240x128xf32, #tpu.memory_space<vmem_shared>>
        tpu.wait_indirect_dma semaphore(%arg18 : memref<!tpu.dma_semaphore, #tpu.memory_space<semaphore_mem>>) src(%dma_wait3A_1327 : memref<80x128xf32, #tpu.memory_space<vmem>>) dst(%dma_wait3A_1333 : memref<10240x128xf32, #tpu.memory_space<vmem_shared>>)
      } else {
      }
      %add3A_654 = arith.constant 4 : i32
      %add3A_655 = arith.addi %add3A_648, %add3A_654 : i32
      %dma_start3A_656 = arith.constant 8 : i32
      %dma_start3A_657 = arith.constant 0 : i32
      %dma_start3A_658 = tpu.memref_slice %arg5[%dma_start3A_656, %dma_start3A_657] : memref<48x80xi32, #tpu.memory_space<vmem>> -> memref<2x80xi32, #tpu.memory_space<vmem>>
      %dma_start3A_659 = arith.constant 0 : i32
      %dma_start3A_660 = arith.constant 0 : i32
      %dma_start3A_661 = tpu.memref_slice %arg3[%add3A, %add3A_655, %dma_start3A_659, %dma_start3A_660] : memref<32x125x2x80xi32, #tpu.memory_space<hbm>> -> memref<1x1x2x80xi32, #tpu.memory_space<hbm>>
      %dma_start3A_662 = tpu.memref_squeeze %dma_start3A_661 : memref<1x1x2x80xi32, #tpu.memory_space<hbm>> -> memref<2x80xi32, #tpu.memory_space<hbm>>
      %dma_start3A_663 = arith.constant 8 : i32
      %dma_start3A_664 = arith.constant 0 : i32
      %dma_start3A_665 = tpu.memref_slice %arg5[%dma_start3A_663, %dma_start3A_664] : memref<48x80xi32, #tpu.memory_space<vmem>> -> memref<2x80xi32, #tpu.memory_space<vmem>>
      %dma_start3A_666 = arith.constant 0 : i32
      %dma_start3A_667 = arith.constant 0 : i32
      %dma_start3A_668 = tpu.memref_slice %arg3[%add3A, %add3A_655, %dma_start3A_666, %dma_start3A_667] : memref<32x125x2x80xi32, #tpu.memory_space<hbm>> -> memref<1x1x2x80xi32, #tpu.memory_space<hbm>>
      %dma_start3A_669 = tpu.memref_squeeze %dma_start3A_668 : memref<1x1x2x80xi32, #tpu.memory_space<hbm>> -> memref<2x80xi32, #tpu.memory_space<hbm>>
      tpu.enqueue_dma source(%dma_start3A_669 : memref<2x80xi32, #tpu.memory_space<hbm>>) target(%dma_start3A_665 : memref<2x80xi32, #tpu.memory_space<vmem>>) target_semaphore(%arg8 : memref<!tpu.dma_semaphore, #tpu.memory_space<semaphore_mem>>)
      %add3A_670 = arith.constant 2 : i32
      %add3A_671 = arith.addi %add3A_648, %add3A_670 : i32
      %dma_wait3A_672 = arith.constant 40 : i32
      %dma_wait3A_673 = arith.constant 0 : i32
      %dma_wait3A_674 = tpu.memref_slice %arg5[%dma_wait3A_672, %dma_wait3A_673] : memref<48x80xi32, #tpu.memory_space<vmem>> -> memref<2x80xi32, #tpu.memory_space<vmem>>
      %dma_wait3A_675 = arith.constant 0 : i32
      %dma_wait3A_676 = arith.constant 0 : i32
      %dma_wait3A_677 = tpu.memref_slice %arg3[%add3A, %add3A_671, %dma_wait3A_675, %dma_wait3A_676] : memref<32x125x2x80xi32, #tpu.memory_space<hbm>> -> memref<1x1x2x80xi32, #tpu.memory_space<hbm>>
      %dma_wait3A_678 = tpu.memref_squeeze %dma_wait3A_677 : memref<1x1x2x80xi32, #tpu.memory_space<hbm>> -> memref<2x80xi32, #tpu.memory_space<hbm>>
      %dma_wait3A_679 = arith.constant 40 : i32
      %dma_wait3A_680 = arith.constant 0 : i32
      %dma_wait3A_681 = tpu.memref_slice %arg5[%dma_wait3A_679, %dma_wait3A_680] : memref<48x80xi32, #tpu.memory_space<vmem>> -> memref<2x80xi32, #tpu.memory_space<vmem>>
      %dma_wait3A_682 = arith.constant 0 : i32
      %dma_wait3A_683 = arith.constant 0 : i32
      %dma_wait3A_684 = tpu.memref_slice %arg3[%add3A, %add3A_671, %dma_wait3A_682, %dma_wait3A_683] : memref<32x125x2x80xi32, #tpu.memory_space<hbm>> -> memref<1x1x2x80xi32, #tpu.memory_space<hbm>>
      %dma_wait3A_685 = tpu.memref_squeeze %dma_wait3A_684 : memref<1x1x2x80xi32, #tpu.memory_space<hbm>> -> memref<2x80xi32, #tpu.memory_space<hbm>>
      tpu.wait_dma2 semaphore(%arg12 : memref<!tpu.dma_semaphore, #tpu.memory_space<semaphore_mem>>) src(%dma_wait3A_685 : memref<2x80xi32, #tpu.memory_space<hbm>>) dst(%dma_wait3A_681 : memref<2x80xi32, #tpu.memory_space<vmem>>)
      %dma_start3A_686 = arith.constant 40 : i32
      %dma_start3A_687 = arith.constant 1 : i32
      %dma_start3A_688 = arith.constant 0 : i32
      %dma_start3A_689 = arith.constant 0 : i32
      %dma_start3A_690 = tpu.memref_slice %arg6[%dma_start3A_687, %dma_start3A_688, %dma_start3A_689] : memref<4x80x128xf32, #tpu.memory_space<vmem>> -> memref<1x80x128xf32, #tpu.memory_space<vmem>>
      %dma_start3A_691 = tpu.memref_squeeze %dma_start3A_690 : memref<1x80x128xf32, #tpu.memory_space<vmem>> -> memref<80x128xf32, #tpu.memory_space<vmem>>
      %dma_start3A_692 = arith.constant 0 : i32
      %dma_start3A_693 = tpu.memref_slice %arg5[%dma_start3A_686, %dma_start3A_692] : memref<48x80xi32, #tpu.memory_space<vmem>> -> memref<1x80xi32, #tpu.memory_space<vmem>>
      %dma_start3A_694 = tpu.memref_squeeze %dma_start3A_693 : memref<1x80xi32, #tpu.memory_space<vmem>> -> memref<80xi32, #tpu.memory_space<vmem>>
      %dma_start3A_695 = arith.constant 0 : i32
      %dma_start3A_696 = arith.constant 0 : i32
      %dma_start3A_697 = tpu.memref_slice %arg2[%dma_start3A_695, %dma_start3A_696] : memref<10240x128xf32, #tpu.memory_space<hbm>> -> memref<10240x128xf32, #tpu.memory_space<hbm>>
      tpu.enqueue_indirect_dma source(%dma_start3A_697 : memref<10240x128xf32, #tpu.memory_space<hbm>>) target(%dma_start3A_691 : memref<80x128xf32, #tpu.memory_space<vmem>>) offsets(%dma_start3A_694 : memref<80xi32, #tpu.memory_space<vmem>>) semaphore(%arg14 : memref<!tpu.dma_semaphore, #tpu.memory_space<semaphore_mem>>)
      %dma_wait3A_698 = arith.constant 24 : i32
      %dma_wait3A_699 = arith.constant 3 : i32
      %dma_wait3A_700 = arith.constant 0 : i32
      %dma_wait3A_701 = arith.constant 0 : i32
      %dma_wait3A_702 = tpu.memref_slice %arg6[%dma_wait3A_699, %dma_wait3A_700, %dma_wait3A_701] : memref<4x80x128xf32, #tpu.memory_space<vmem>> -> memref<1x80x128xf32, #tpu.memory_space<vmem>>
      %dma_wait3A_703 = tpu.memref_squeeze %dma_wait3A_702 : memref<1x80x128xf32, #tpu.memory_space<vmem>> -> memref<80x128xf32, #tpu.memory_space<vmem>>
      %dma_wait3A_704 = arith.constant 0 : i32
      %dma_wait3A_705 = tpu.memref_slice %arg5[%dma_wait3A_698, %dma_wait3A_704] : memref<48x80xi32, #tpu.memory_space<vmem>> -> memref<1x80xi32, #tpu.memory_space<vmem>>
      %dma_wait3A_706 = tpu.memref_squeeze %dma_wait3A_705 : memref<1x80xi32, #tpu.memory_space<vmem>> -> memref<80xi32, #tpu.memory_space<vmem>>
      %dma_wait3A_707 = arith.constant 0 : i32
      %dma_wait3A_708 = arith.constant 0 : i32
      %dma_wait3A_709 = tpu.memref_slice %arg2[%dma_wait3A_707, %dma_wait3A_708] : memref<10240x128xf32, #tpu.memory_space<hbm>> -> memref<10240x128xf32, #tpu.memory_space<hbm>>
      tpu.wait_indirect_dma semaphore(%arg16 : memref<!tpu.dma_semaphore, #tpu.memory_space<semaphore_mem>>) src(%dma_wait3A_709 : memref<10240x128xf32, #tpu.memory_space<hbm>>) dst(%dma_wait3A_703 : memref<80x128xf32, #tpu.memory_space<vmem>>)
      %dma_start3A_710 = arith.constant 3 : i32
      %dma_start3A_711 = arith.constant 25 : i32
      %dma_start3A_712 = arith.constant 0 : i32
      %dma_start3A_713 = arith.constant 0 : i32
      %dma_start3A_714 = tpu.memref_slice %arg6[%dma_start3A_710, %dma_start3A_712, %dma_start3A_713] : memref<4x80x128xf32, #tpu.memory_space<vmem>> -> memref<1x80x128xf32, #tpu.memory_space<vmem>>
      %dma_start3A_715 = tpu.memref_squeeze %dma_start3A_714 : memref<1x80x128xf32, #tpu.memory_space<vmem>> -> memref<80x128xf32, #tpu.memory_space<vmem>>
      %dma_start3A_716 = arith.constant 0 : i32
      %dma_start3A_717 = tpu.memref_slice %arg5[%dma_start3A_711, %dma_start3A_716] : memref<48x80xi32, #tpu.memory_space<vmem>> -> memref<1x80xi32, #tpu.memory_space<vmem>>
      %dma_start3A_718 = tpu.memref_squeeze %dma_start3A_717 : memref<1x80xi32, #tpu.memory_space<vmem>> -> memref<80xi32, #tpu.memory_space<vmem>>
      %dma_start3A_719 = arith.constant 0 : i32
      %dma_start3A_720 = arith.constant 0 : i32
      %dma_start3A_721 = tpu.memref_slice %arg21[%dma_start3A_719, %dma_start3A_720] : memref<10240x128xf32, #tpu.memory_space<vmem_shared>> -> memref<10240x128xf32, #tpu.memory_space<vmem_shared>>
      tpu.enqueue_indirect_dma source(%dma_start3A_715 : memref<80x128xf32, #tpu.memory_space<vmem>>) target(%dma_start3A_721 : memref<10240x128xf32, #tpu.memory_space<vmem_shared>>) offsets(%dma_start3A_718 : memref<80xi32, #tpu.memory_space<vmem>>) semaphore(%arg20 : memref<!tpu.dma_semaphore, #tpu.memory_space<semaphore_mem>>) {add = true}
      %add3A_722 = arith.constant 4 : i32
      %add3A_723 = arith.addi %add3A_424, %add3A_722 : i32
      %ge3A_724 = arith.constant 2 : i32
      %ge3A_725 = arith.cmpi sge, %add3A_723, %ge3A_724 : i32
      %convert_element_type3A_726 = arith.extui %ge3A_725 : i1 to i32
      %cond3A_727 = arith.constant 0 : i32
      %cond3A_728 = arith.cmpi ne, %convert_element_type3A_726, %cond3A_727 : i32
      scf.if %cond3A_728 {
        %dma_wait3A_1322 = arith.constant 2 : i32
        %dma_wait3A_1323 = arith.constant 17 : i32
        %dma_wait3A_1324 = arith.constant 0 : i32
        %dma_wait3A_1325 = arith.constant 0 : i32
        %dma_wait3A_1326 = tpu.memref_slice %arg6[%dma_wait3A_1322, %dma_wait3A_1324, %dma_wait3A_1325] : memref<4x80x128xf32, #tpu.memory_space<vmem>> -> memref<1x80x128xf32, #tpu.memory_space<vmem>>
        %dma_wait3A_1327 = tpu.memref_squeeze %dma_wait3A_1326 : memref<1x80x128xf32, #tpu.memory_space<vmem>> -> memref<80x128xf32, #tpu.memory_space<vmem>>
        %dma_wait3A_1328 = arith.constant 0 : i32
        %dma_wait3A_1329 = tpu.memref_slice %arg5[%dma_wait3A_1323, %dma_wait3A_1328] : memref<48x80xi32, #tpu.memory_space<vmem>> -> memref<1x80xi32, #tpu.memory_space<vmem>>
        %dma_wait3A_1330 = tpu.memref_squeeze %dma_wait3A_1329 : memref<1x80xi32, #tpu.memory_space<vmem>> -> memref<80xi32, #tpu.memory_space<vmem>>
        %dma_wait3A_1331 = arith.constant 0 : i32
        %dma_wait3A_1332 = arith.constant 0 : i32
        %dma_wait3A_1333 = tpu.memref_slice %arg21[%dma_wait3A_1331, %dma_wait3A_1332] : memref<10240x128xf32, #tpu.memory_space<vmem_shared>> -> memref<10240x128xf32, #tpu.memory_space<vmem_shared>>
        tpu.wait_indirect_dma semaphore(%arg19 : memref<!tpu.dma_semaphore, #tpu.memory_space<semaphore_mem>>) src(%dma_wait3A_1327 : memref<80x128xf32, #tpu.memory_space<vmem>>) dst(%dma_wait3A_1333 : memref<10240x128xf32, #tpu.memory_space<vmem_shared>>)
      } else {
      }
      %add3A_729 = arith.constant 4 : i32
      %add3A_730 = arith.addi %add3A_723, %add3A_729 : i32
      %dma_start3A_731 = arith.constant 16 : i32
      %dma_start3A_732 = arith.constant 0 : i32
      %dma_start3A_733 = tpu.memref_slice %arg5[%dma_start3A_731, %dma_start3A_732] : memref<48x80xi32, #tpu.memory_space<vmem>> -> memref<2x80xi32, #tpu.memory_space<vmem>>
      %dma_start3A_734 = arith.constant 0 : i32
      %dma_start3A_735 = arith.constant 0 : i32
      %dma_start3A_736 = tpu.memref_slice %arg3[%add3A, %add3A_730, %dma_start3A_734, %dma_start3A_735] : memref<32x125x2x80xi32, #tpu.memory_space<hbm>> -> memref<1x1x2x80xi32, #tpu.memory_space<hbm>>
      %dma_start3A_737 = tpu.memref_squeeze %dma_start3A_736 : memref<1x1x2x80xi32, #tpu.memory_space<hbm>> -> memref<2x80xi32, #tpu.memory_space<hbm>>
      %dma_start3A_738 = arith.constant 16 : i32
      %dma_start3A_739 = arith.constant 0 : i32
      %dma_start3A_740 = tpu.memref_slice %arg5[%dma_start3A_738, %dma_start3A_739] : memref<48x80xi32, #tpu.memory_space<vmem>> -> memref<2x80xi32, #tpu.memory_space<vmem>>
      %dma_start3A_741 = arith.constant 0 : i32
      %dma_start3A_742 = arith.constant 0 : i32
      %dma_start3A_743 = tpu.memref_slice %arg3[%add3A, %add3A_730, %dma_start3A_741, %dma_start3A_742] : memref<32x125x2x80xi32, #tpu.memory_space<hbm>> -> memref<1x1x2x80xi32, #tpu.memory_space<hbm>>
      %dma_start3A_744 = tpu.memref_squeeze %dma_start3A_743 : memref<1x1x2x80xi32, #tpu.memory_space<hbm>> -> memref<2x80xi32, #tpu.memory_space<hbm>>
      tpu.enqueue_dma source(%dma_start3A_744 : memref<2x80xi32, #tpu.memory_space<hbm>>) target(%dma_start3A_740 : memref<2x80xi32, #tpu.memory_space<vmem>>) target_semaphore(%arg9 : memref<!tpu.dma_semaphore, #tpu.memory_space<semaphore_mem>>)
      %add3A_745 = arith.constant 2 : i32
      %add3A_746 = arith.addi %add3A_723, %add3A_745 : i32
      %dma_wait3A_747 = arith.constant 0 : i32
      %dma_wait3A_748 = arith.constant 0 : i32
      %dma_wait3A_749 = tpu.memref_slice %arg5[%dma_wait3A_747, %dma_wait3A_748] : memref<48x80xi32, #tpu.memory_space<vmem>> -> memref<2x80xi32, #tpu.memory_space<vmem>>
      %dma_wait3A_750 = arith.constant 0 : i32
      %dma_wait3A_751 = arith.constant 0 : i32
      %dma_wait3A_752 = tpu.memref_slice %arg3[%add3A, %add3A_746, %dma_wait3A_750, %dma_wait3A_751] : memref<32x125x2x80xi32, #tpu.memory_space<hbm>> -> memref<1x1x2x80xi32, #tpu.memory_space<hbm>>
      %dma_wait3A_753 = tpu.memref_squeeze %dma_wait3A_752 : memref<1x1x2x80xi32, #tpu.memory_space<hbm>> -> memref<2x80xi32, #tpu.memory_space<hbm>>
      %dma_wait3A_754 = arith.constant 0 : i32
      %dma_wait3A_755 = arith.constant 0 : i32
      %dma_wait3A_756 = tpu.memref_slice %arg5[%dma_wait3A_754, %dma_wait3A_755] : memref<48x80xi32, #tpu.memory_space<vmem>> -> memref<2x80xi32, #tpu.memory_space<vmem>>
      %dma_wait3A_757 = arith.constant 0 : i32
      %dma_wait3A_758 = arith.constant 0 : i32
      %dma_wait3A_759 = tpu.memref_slice %arg3[%add3A, %add3A_746, %dma_wait3A_757, %dma_wait3A_758] : memref<32x125x2x80xi32, #tpu.memory_space<hbm>> -> memref<1x1x2x80xi32, #tpu.memory_space<hbm>>
      %dma_wait3A_760 = tpu.memref_squeeze %dma_wait3A_759 : memref<1x1x2x80xi32, #tpu.memory_space<hbm>> -> memref<2x80xi32, #tpu.memory_space<hbm>>
      tpu.wait_dma2 semaphore(%arg7 : memref<!tpu.dma_semaphore, #tpu.memory_space<semaphore_mem>>) src(%dma_wait3A_760 : memref<2x80xi32, #tpu.memory_space<hbm>>) dst(%dma_wait3A_756 : memref<2x80xi32, #tpu.memory_space<vmem>>)
      %dma_start3A_761 = arith.constant 0 : i32
      %dma_start3A_762 = arith.constant 2 : i32
      %dma_start3A_763 = arith.constant 0 : i32
      %dma_start3A_764 = arith.constant 0 : i32
      %dma_start3A_765 = tpu.memref_slice %arg6[%dma_start3A_762, %dma_start3A_763, %dma_start3A_764] : memref<4x80x128xf32, #tpu.memory_space<vmem>> -> memref<1x80x128xf32, #tpu.memory_space<vmem>>
      %dma_start3A_766 = tpu.memref_squeeze %dma_start3A_765 : memref<1x80x128xf32, #tpu.memory_space<vmem>> -> memref<80x128xf32, #tpu.memory_space<vmem>>
      %dma_start3A_767 = arith.constant 0 : i32
      %dma_start3A_768 = tpu.memref_slice %arg5[%dma_start3A_761, %dma_start3A_767] : memref<48x80xi32, #tpu.memory_space<vmem>> -> memref<1x80xi32, #tpu.memory_space<vmem>>
      %dma_start3A_769 = tpu.memref_squeeze %dma_start3A_768 : memref<1x80xi32, #tpu.memory_space<vmem>> -> memref<80xi32, #tpu.memory_space<vmem>>
      %dma_start3A_770 = arith.constant 0 : i32
      %dma_start3A_771 = arith.constant 0 : i32
      %dma_start3A_772 = tpu.memref_slice %arg2[%dma_start3A_770, %dma_start3A_771] : memref<10240x128xf32, #tpu.memory_space<hbm>> -> memref<10240x128xf32, #tpu.memory_space<hbm>>
      tpu.enqueue_indirect_dma source(%dma_start3A_772 : memref<10240x128xf32, #tpu.memory_space<hbm>>) target(%dma_start3A_766 : memref<80x128xf32, #tpu.memory_space<vmem>>) offsets(%dma_start3A_769 : memref<80xi32, #tpu.memory_space<vmem>>) semaphore(%arg15 : memref<!tpu.dma_semaphore, #tpu.memory_space<semaphore_mem>>)
      %dma_wait3A_773 = arith.constant 32 : i32
      %dma_wait3A_774 = arith.constant 0 : i32
      %dma_wait3A_775 = arith.constant 0 : i32
      %dma_wait3A_776 = arith.constant 0 : i32
      %dma_wait3A_777 = tpu.memref_slice %arg6[%dma_wait3A_774, %dma_wait3A_775, %dma_wait3A_776] : memref<4x80x128xf32, #tpu.memory_space<vmem>> -> memref<1x80x128xf32, #tpu.memory_space<vmem>>
      %dma_wait3A_778 = tpu.memref_squeeze %dma_wait3A_777 : memref<1x80x128xf32, #tpu.memory_space<vmem>> -> memref<80x128xf32, #tpu.memory_space<vmem>>
      %dma_wait3A_779 = arith.constant 0 : i32
      %dma_wait3A_780 = tpu.memref_slice %arg5[%dma_wait3A_773, %dma_wait3A_779] : memref<48x80xi32, #tpu.memory_space<vmem>> -> memref<1x80xi32, #tpu.memory_space<vmem>>
      %dma_wait3A_781 = tpu.memref_squeeze %dma_wait3A_780 : memref<1x80xi32, #tpu.memory_space<vmem>> -> memref<80xi32, #tpu.memory_space<vmem>>
      %dma_wait3A_782 = arith.constant 0 : i32
      %dma_wait3A_783 = arith.constant 0 : i32
      %dma_wait3A_784 = tpu.memref_slice %arg2[%dma_wait3A_782, %dma_wait3A_783] : memref<10240x128xf32, #tpu.memory_space<hbm>> -> memref<10240x128xf32, #tpu.memory_space<hbm>>
      tpu.wait_indirect_dma semaphore(%arg13 : memref<!tpu.dma_semaphore, #tpu.memory_space<semaphore_mem>>) src(%dma_wait3A_784 : memref<10240x128xf32, #tpu.memory_space<hbm>>) dst(%dma_wait3A_778 : memref<80x128xf32, #tpu.memory_space<vmem>>)
      %dma_start3A_785 = arith.constant 0 : i32
      %dma_start3A_786 = arith.constant 33 : i32
      %dma_start3A_787 = arith.constant 0 : i32
      %dma_start3A_788 = arith.constant 0 : i32
      %dma_start3A_789 = tpu.memref_slice %arg6[%dma_start3A_785, %dma_start3A_787, %dma_start3A_788] : memref<4x80x128xf32, #tpu.memory_space<vmem>> -> memref<1x80x128xf32, #tpu.memory_space<vmem>>
      %dma_start3A_790 = tpu.memref_squeeze %dma_start3A_789 : memref<1x80x128xf32, #tpu.memory_space<vmem>> -> memref<80x128xf32, #tpu.memory_space<vmem>>
      %dma_start3A_791 = arith.constant 0 : i32
      %dma_start3A_792 = tpu.memref_slice %arg5[%dma_start3A_786, %dma_start3A_791] : memref<48x80xi32, #tpu.memory_space<vmem>> -> memref<1x80xi32, #tpu.memory_space<vmem>>
      %dma_start3A_793 = tpu.memref_squeeze %dma_start3A_792 : memref<1x80xi32, #tpu.memory_space<vmem>> -> memref<80xi32, #tpu.memory_space<vmem>>
      %dma_start3A_794 = arith.constant 0 : i32
      %dma_start3A_795 = arith.constant 0 : i32
      %dma_start3A_796 = tpu.memref_slice %arg21[%dma_start3A_794, %dma_start3A_795] : memref<10240x128xf32, #tpu.memory_space<vmem_shared>> -> memref<10240x128xf32, #tpu.memory_space<vmem_shared>>
      tpu.enqueue_indirect_dma source(%dma_start3A_790 : memref<80x128xf32, #tpu.memory_space<vmem>>) target(%dma_start3A_796 : memref<10240x128xf32, #tpu.memory_space<vmem_shared>>) offsets(%dma_start3A_793 : memref<80xi32, #tpu.memory_space<vmem>>) semaphore(%arg17 : memref<!tpu.dma_semaphore, #tpu.memory_space<semaphore_mem>>) {add = true}
      %add3A_797 = arith.constant 5 : i32
      %add3A_798 = arith.addi %add3A_424, %add3A_797 : i32
      %ge3A_799 = arith.constant 2 : i32
      %ge3A_800 = arith.cmpi sge, %add3A_798, %ge3A_799 : i32
      %convert_element_type3A_801 = arith.extui %ge3A_800 : i1 to i32
      %cond3A_802 = arith.constant 0 : i32
      %cond3A_803 = arith.cmpi ne, %convert_element_type3A_801, %cond3A_802 : i32
      scf.if %cond3A_803 {
        %dma_wait3A_1322 = arith.constant 3 : i32
        %dma_wait3A_1323 = arith.constant 25 : i32
        %dma_wait3A_1324 = arith.constant 0 : i32
        %dma_wait3A_1325 = arith.constant 0 : i32
        %dma_wait3A_1326 = tpu.memref_slice %arg6[%dma_wait3A_1322, %dma_wait3A_1324, %dma_wait3A_1325] : memref<4x80x128xf32, #tpu.memory_space<vmem>> -> memref<1x80x128xf32, #tpu.memory_space<vmem>>
        %dma_wait3A_1327 = tpu.memref_squeeze %dma_wait3A_1326 : memref<1x80x128xf32, #tpu.memory_space<vmem>> -> memref<80x128xf32, #tpu.memory_space<vmem>>
        %dma_wait3A_1328 = arith.constant 0 : i32
        %dma_wait3A_1329 = tpu.memref_slice %arg5[%dma_wait3A_1323, %dma_wait3A_1328] : memref<48x80xi32, #tpu.memory_space<vmem>> -> memref<1x80xi32, #tpu.memory_space<vmem>>
        %dma_wait3A_1330 = tpu.memref_squeeze %dma_wait3A_1329 : memref<1x80xi32, #tpu.memory_space<vmem>> -> memref<80xi32, #tpu.memory_space<vmem>>
        %dma_wait3A_1331 = arith.constant 0 : i32
        %dma_wait3A_1332 = arith.constant 0 : i32
        %dma_wait3A_1333 = tpu.memref_slice %arg21[%dma_wait3A_1331, %dma_wait3A_1332] : memref<10240x128xf32, #tpu.memory_space<vmem_shared>> -> memref<10240x128xf32, #tpu.memory_space<vmem_shared>>
        tpu.wait_indirect_dma semaphore(%arg20 : memref<!tpu.dma_semaphore, #tpu.memory_space<semaphore_mem>>) src(%dma_wait3A_1327 : memref<80x128xf32, #tpu.memory_space<vmem>>) dst(%dma_wait3A_1333 : memref<10240x128xf32, #tpu.memory_space<vmem_shared>>)
      } else {
      }
      %add3A_804 = arith.constant 4 : i32
      %add3A_805 = arith.addi %add3A_798, %add3A_804 : i32
      %dma_start3A_806 = arith.constant 24 : i32
      %dma_start3A_807 = arith.constant 0 : i32
      %dma_start3A_808 = tpu.memref_slice %arg5[%dma_start3A_806, %dma_start3A_807] : memref<48x80xi32, #tpu.memory_space<vmem>> -> memref<2x80xi32, #tpu.memory_space<vmem>>
      %dma_start3A_809 = arith.constant 0 : i32
      %dma_start3A_810 = arith.constant 0 : i32
      %dma_start3A_811 = tpu.memref_slice %arg3[%add3A, %add3A_805, %dma_start3A_809, %dma_start3A_810] : memref<32x125x2x80xi32, #tpu.memory_space<hbm>> -> memref<1x1x2x80xi32, #tpu.memory_space<hbm>>
      %dma_start3A_812 = tpu.memref_squeeze %dma_start3A_811 : memref<1x1x2x80xi32, #tpu.memory_space<hbm>> -> memref<2x80xi32, #tpu.memory_space<hbm>>
      %dma_start3A_813 = arith.constant 24 : i32
      %dma_start3A_814 = arith.constant 0 : i32
      %dma_start3A_815 = tpu.memref_slice %arg5[%dma_start3A_813, %dma_start3A_814] : memref<48x80xi32, #tpu.memory_space<vmem>> -> memref<2x80xi32, #tpu.memory_space<vmem>>
      %dma_start3A_816 = arith.constant 0 : i32
      %dma_start3A_817 = arith.constant 0 : i32
      %dma_start3A_818 = tpu.memref_slice %arg3[%add3A, %add3A_805, %dma_start3A_816, %dma_start3A_817] : memref<32x125x2x80xi32, #tpu.memory_space<hbm>> -> memref<1x1x2x80xi32, #tpu.memory_space<hbm>>
      %dma_start3A_819 = tpu.memref_squeeze %dma_start3A_818 : memref<1x1x2x80xi32, #tpu.memory_space<hbm>> -> memref<2x80xi32, #tpu.memory_space<hbm>>
      tpu.enqueue_dma source(%dma_start3A_819 : memref<2x80xi32, #tpu.memory_space<hbm>>) target(%dma_start3A_815 : memref<2x80xi32, #tpu.memory_space<vmem>>) target_semaphore(%arg10 : memref<!tpu.dma_semaphore, #tpu.memory_space<semaphore_mem>>)
      %add3A_820 = arith.constant 2 : i32
      %add3A_821 = arith.addi %add3A_798, %add3A_820 : i32
      %dma_wait3A_822 = arith.constant 8 : i32
      %dma_wait3A_823 = arith.constant 0 : i32
      %dma_wait3A_824 = tpu.memref_slice %arg5[%dma_wait3A_822, %dma_wait3A_823] : memref<48x80xi32, #tpu.memory_space<vmem>> -> memref<2x80xi32, #tpu.memory_space<vmem>>
      %dma_wait3A_825 = arith.constant 0 : i32
      %dma_wait3A_826 = arith.constant 0 : i32
      %dma_wait3A_827 = tpu.memref_slice %arg3[%add3A, %add3A_821, %dma_wait3A_825, %dma_wait3A_826] : memref<32x125x2x80xi32, #tpu.memory_space<hbm>> -> memref<1x1x2x80xi32, #tpu.memory_space<hbm>>
      %dma_wait3A_828 = tpu.memref_squeeze %dma_wait3A_827 : memref<1x1x2x80xi32, #tpu.memory_space<hbm>> -> memref<2x80xi32, #tpu.memory_space<hbm>>
      %dma_wait3A_829 = arith.constant 8 : i32
      %dma_wait3A_830 = arith.constant 0 : i32
      %dma_wait3A_831 = tpu.memref_slice %arg5[%dma_wait3A_829, %dma_wait3A_830] : memref<48x80xi32, #tpu.memory_space<vmem>> -> memref<2x80xi32, #tpu.memory_space<vmem>>
      %dma_wait3A_832 = arith.constant 0 : i32
      %dma_wait3A_833 = arith.constant 0 : i32
      %dma_wait3A_834 = tpu.memref_slice %arg3[%add3A, %add3A_821, %dma_wait3A_832, %dma_wait3A_833] : memref<32x125x2x80xi32, #tpu.memory_space<hbm>> -> memref<1x1x2x80xi32, #tpu.memory_space<hbm>>
      %dma_wait3A_835 = tpu.memref_squeeze %dma_wait3A_834 : memref<1x1x2x80xi32, #tpu.memory_space<hbm>> -> memref<2x80xi32, #tpu.memory_space<hbm>>
      tpu.wait_dma2 semaphore(%arg8 : memref<!tpu.dma_semaphore, #tpu.memory_space<semaphore_mem>>) src(%dma_wait3A_835 : memref<2x80xi32, #tpu.memory_space<hbm>>) dst(%dma_wait3A_831 : memref<2x80xi32, #tpu.memory_space<vmem>>)
      %dma_start3A_836 = arith.constant 8 : i32
      %dma_start3A_837 = arith.constant 3 : i32
      %dma_start3A_838 = arith.constant 0 : i32
      %dma_start3A_839 = arith.constant 0 : i32
      %dma_start3A_840 = tpu.memref_slice %arg6[%dma_start3A_837, %dma_start3A_838, %dma_start3A_839] : memref<4x80x128xf32, #tpu.memory_space<vmem>> -> memref<1x80x128xf32, #tpu.memory_space<vmem>>
      %dma_start3A_841 = tpu.memref_squeeze %dma_start3A_840 : memref<1x80x128xf32, #tpu.memory_space<vmem>> -> memref<80x128xf32, #tpu.memory_space<vmem>>
      %dma_start3A_842 = arith.constant 0 : i32
      %dma_start3A_843 = tpu.memref_slice %arg5[%dma_start3A_836, %dma_start3A_842] : memref<48x80xi32, #tpu.memory_space<vmem>> -> memref<1x80xi32, #tpu.memory_space<vmem>>
      %dma_start3A_844 = tpu.memref_squeeze %dma_start3A_843 : memref<1x80xi32, #tpu.memory_space<vmem>> -> memref<80xi32, #tpu.memory_space<vmem>>
      %dma_start3A_845 = arith.constant 0 : i32
      %dma_start3A_846 = arith.constant 0 : i32
      %dma_start3A_847 = tpu.memref_slice %arg2[%dma_start3A_845, %dma_start3A_846] : memref<10240x128xf32, #tpu.memory_space<hbm>> -> memref<10240x128xf32, #tpu.memory_space<hbm>>
      tpu.enqueue_indirect_dma source(%dma_start3A_847 : memref<10240x128xf32, #tpu.memory_space<hbm>>) target(%dma_start3A_841 : memref<80x128xf32, #tpu.memory_space<vmem>>) offsets(%dma_start3A_844 : memref<80xi32, #tpu.memory_space<vmem>>) semaphore(%arg16 : memref<!tpu.dma_semaphore, #tpu.memory_space<semaphore_mem>>)
      %dma_wait3A_848 = arith.constant 40 : i32
      %dma_wait3A_849 = arith.constant 1 : i32
      %dma_wait3A_850 = arith.constant 0 : i32
      %dma_wait3A_851 = arith.constant 0 : i32
      %dma_wait3A_852 = tpu.memref_slice %arg6[%dma_wait3A_849, %dma_wait3A_850, %dma_wait3A_851] : memref<4x80x128xf32, #tpu.memory_space<vmem>> -> memref<1x80x128xf32, #tpu.memory_space<vmem>>
      %dma_wait3A_853 = tpu.memref_squeeze %dma_wait3A_852 : memref<1x80x128xf32, #tpu.memory_space<vmem>> -> memref<80x128xf32, #tpu.memory_space<vmem>>
      %dma_wait3A_854 = arith.constant 0 : i32
      %dma_wait3A_855 = tpu.memref_slice %arg5[%dma_wait3A_848, %dma_wait3A_854] : memref<48x80xi32, #tpu.memory_space<vmem>> -> memref<1x80xi32, #tpu.memory_space<vmem>>
      %dma_wait3A_856 = tpu.memref_squeeze %dma_wait3A_855 : memref<1x80xi32, #tpu.memory_space<vmem>> -> memref<80xi32, #tpu.memory_space<vmem>>
      %dma_wait3A_857 = arith.constant 0 : i32
      %dma_wait3A_858 = arith.constant 0 : i32
      %dma_wait3A_859 = tpu.memref_slice %arg2[%dma_wait3A_857, %dma_wait3A_858] : memref<10240x128xf32, #tpu.memory_space<hbm>> -> memref<10240x128xf32, #tpu.memory_space<hbm>>
      tpu.wait_indirect_dma semaphore(%arg14 : memref<!tpu.dma_semaphore, #tpu.memory_space<semaphore_mem>>) src(%dma_wait3A_859 : memref<10240x128xf32, #tpu.memory_space<hbm>>) dst(%dma_wait3A_853 : memref<80x128xf32, #tpu.memory_space<vmem>>)
      %dma_start3A_860 = arith.constant 1 : i32
      %dma_start3A_861 = arith.constant 41 : i32
      %dma_start3A_862 = arith.constant 0 : i32
      %dma_start3A_863 = arith.constant 0 : i32
      %dma_start3A_864 = tpu.memref_slice %arg6[%dma_start3A_860, %dma_start3A_862, %dma_start3A_863] : memref<4x80x128xf32, #tpu.memory_space<vmem>> -> memref<1x80x128xf32, #tpu.memory_space<vmem>>
      %dma_start3A_865 = tpu.memref_squeeze %dma_start3A_864 : memref<1x80x128xf32, #tpu.memory_space<vmem>> -> memref<80x128xf32, #tpu.memory_space<vmem>>
      %dma_start3A_866 = arith.constant 0 : i32
      %dma_start3A_867 = tpu.memref_slice %arg5[%dma_start3A_861, %dma_start3A_866] : memref<48x80xi32, #tpu.memory_space<vmem>> -> memref<1x80xi32, #tpu.memory_space<vmem>>
      %dma_start3A_868 = tpu.memref_squeeze %dma_start3A_867 : memref<1x80xi32, #tpu.memory_space<vmem>> -> memref<80xi32, #tpu.memory_space<vmem>>
      %dma_start3A_869 = arith.constant 0 : i32
      %dma_start3A_870 = arith.constant 0 : i32
      %dma_start3A_871 = tpu.memref_slice %arg21[%dma_start3A_869, %dma_start3A_870] : memref<10240x128xf32, #tpu.memory_space<vmem_shared>> -> memref<10240x128xf32, #tpu.memory_space<vmem_shared>>
      tpu.enqueue_indirect_dma source(%dma_start3A_865 : memref<80x128xf32, #tpu.memory_space<vmem>>) target(%dma_start3A_871 : memref<10240x128xf32, #tpu.memory_space<vmem_shared>>) offsets(%dma_start3A_868 : memref<80xi32, #tpu.memory_space<vmem>>) semaphore(%arg18 : memref<!tpu.dma_semaphore, #tpu.memory_space<semaphore_mem>>) {add = true}
      %add3A_872 = arith.constant 6 : i32
      %add3A_873 = arith.addi %add3A_424, %add3A_872 : i32
      %ge3A_874 = arith.constant 2 : i32
      %ge3A_875 = arith.cmpi sge, %add3A_873, %ge3A_874 : i32
      %convert_element_type3A_876 = arith.extui %ge3A_875 : i1 to i32
      %cond3A_877 = arith.constant 0 : i32
      %cond3A_878 = arith.cmpi ne, %convert_element_type3A_876, %cond3A_877 : i32
      scf.if %cond3A_878 {
        %dma_wait3A_1322 = arith.constant 0 : i32
        %dma_wait3A_1323 = arith.constant 33 : i32
        %dma_wait3A_1324 = arith.constant 0 : i32
        %dma_wait3A_1325 = arith.constant 0 : i32
        %dma_wait3A_1326 = tpu.memref_slice %arg6[%dma_wait3A_1322, %dma_wait3A_1324, %dma_wait3A_1325] : memref<4x80x128xf32, #tpu.memory_space<vmem>> -> memref<1x80x128xf32, #tpu.memory_space<vmem>>
        %dma_wait3A_1327 = tpu.memref_squeeze %dma_wait3A_1326 : memref<1x80x128xf32, #tpu.memory_space<vmem>> -> memref<80x128xf32, #tpu.memory_space<vmem>>
        %dma_wait3A_1328 = arith.constant 0 : i32
        %dma_wait3A_1329 = tpu.memref_slice %arg5[%dma_wait3A_1323, %dma_wait3A_1328] : memref<48x80xi32, #tpu.memory_space<vmem>> -> memref<1x80xi32, #tpu.memory_space<vmem>>
        %dma_wait3A_1330 = tpu.memref_squeeze %dma_wait3A_1329 : memref<1x80xi32, #tpu.memory_space<vmem>> -> memref<80xi32, #tpu.memory_space<vmem>>
        %dma_wait3A_1331 = arith.constant 0 : i32
        %dma_wait3A_1332 = arith.constant 0 : i32
        %dma_wait3A_1333 = tpu.memref_slice %arg21[%dma_wait3A_1331, %dma_wait3A_1332] : memref<10240x128xf32, #tpu.memory_space<vmem_shared>> -> memref<10240x128xf32, #tpu.memory_space<vmem_shared>>
        tpu.wait_indirect_dma semaphore(%arg17 : memref<!tpu.dma_semaphore, #tpu.memory_space<semaphore_mem>>) src(%dma_wait3A_1327 : memref<80x128xf32, #tpu.memory_space<vmem>>) dst(%dma_wait3A_1333 : memref<10240x128xf32, #tpu.memory_space<vmem_shared>>)
      } else {
      }
      %add3A_879 = arith.constant 4 : i32
      %add3A_880 = arith.addi %add3A_873, %add3A_879 : i32
      %dma_start3A_881 = arith.constant 32 : i32
      %dma_start3A_882 = arith.constant 0 : i32
      %dma_start3A_883 = tpu.memref_slice %arg5[%dma_start3A_881, %dma_start3A_882] : memref<48x80xi32, #tpu.memory_space<vmem>> -> memref<2x80xi32, #tpu.memory_space<vmem>>
      %dma_start3A_884 = arith.constant 0 : i32
      %dma_start3A_885 = arith.constant 0 : i32
      %dma_start3A_886 = tpu.memref_slice %arg3[%add3A, %add3A_880, %dma_start3A_884, %dma_start3A_885] : memref<32x125x2x80xi32, #tpu.memory_space<hbm>> -> memref<1x1x2x80xi32, #tpu.memory_space<hbm>>
      %dma_start3A_887 = tpu.memref_squeeze %dma_start3A_886 : memref<1x1x2x80xi32, #tpu.memory_space<hbm>> -> memref<2x80xi32, #tpu.memory_space<hbm>>
      %dma_start3A_888 = arith.constant 32 : i32
      %dma_start3A_889 = arith.constant 0 : i32
      %dma_start3A_890 = tpu.memref_slice %arg5[%dma_start3A_888, %dma_start3A_889] : memref<48x80xi32, #tpu.memory_space<vmem>> -> memref<2x80xi32, #tpu.memory_space<vmem>>
      %dma_start3A_891 = arith.constant 0 : i32
      %dma_start3A_892 = arith.constant 0 : i32
      %dma_start3A_893 = tpu.memref_slice %arg3[%add3A, %add3A_880, %dma_start3A_891, %dma_start3A_892] : memref<32x125x2x80xi32, #tpu.memory_space<hbm>> -> memref<1x1x2x80xi32, #tpu.memory_space<hbm>>
      %dma_start3A_894 = tpu.memref_squeeze %dma_start3A_893 : memref<1x1x2x80xi32, #tpu.memory_space<hbm>> -> memref<2x80xi32, #tpu.memory_space<hbm>>
      tpu.enqueue_dma source(%dma_start3A_894 : memref<2x80xi32, #tpu.memory_space<hbm>>) target(%dma_start3A_890 : memref<2x80xi32, #tpu.memory_space<vmem>>) target_semaphore(%arg11 : memref<!tpu.dma_semaphore, #tpu.memory_space<semaphore_mem>>)
      %add3A_895 = arith.constant 2 : i32
      %add3A_896 = arith.addi %add3A_873, %add3A_895 : i32
      %dma_wait3A_897 = arith.constant 16 : i32
      %dma_wait3A_898 = arith.constant 0 : i32
      %dma_wait3A_899 = tpu.memref_slice %arg5[%dma_wait3A_897, %dma_wait3A_898] : memref<48x80xi32, #tpu.memory_space<vmem>> -> memref<2x80xi32, #tpu.memory_space<vmem>>
      %dma_wait3A_900 = arith.constant 0 : i32
      %dma_wait3A_901 = arith.constant 0 : i32
      %dma_wait3A_902 = tpu.memref_slice %arg3[%add3A, %add3A_896, %dma_wait3A_900, %dma_wait3A_901] : memref<32x125x2x80xi32, #tpu.memory_space<hbm>> -> memref<1x1x2x80xi32, #tpu.memory_space<hbm>>
      %dma_wait3A_903 = tpu.memref_squeeze %dma_wait3A_902 : memref<1x1x2x80xi32, #tpu.memory_space<hbm>> -> memref<2x80xi32, #tpu.memory_space<hbm>>
      %dma_wait3A_904 = arith.constant 16 : i32
      %dma_wait3A_905 = arith.constant 0 : i32
      %dma_wait3A_906 = tpu.memref_slice %arg5[%dma_wait3A_904, %dma_wait3A_905] : memref<48x80xi32, #tpu.memory_space<vmem>> -> memref<2x80xi32, #tpu.memory_space<vmem>>
      %dma_wait3A_907 = arith.constant 0 : i32
      %dma_wait3A_908 = arith.constant 0 : i32
      %dma_wait3A_909 = tpu.memref_slice %arg3[%add3A, %add3A_896, %dma_wait3A_907, %dma_wait3A_908] : memref<32x125x2x80xi32, #tpu.memory_space<hbm>> -> memref<1x1x2x80xi32, #tpu.memory_space<hbm>>
      %dma_wait3A_910 = tpu.memref_squeeze %dma_wait3A_909 : memref<1x1x2x80xi32, #tpu.memory_space<hbm>> -> memref<2x80xi32, #tpu.memory_space<hbm>>
      tpu.wait_dma2 semaphore(%arg9 : memref<!tpu.dma_semaphore, #tpu.memory_space<semaphore_mem>>) src(%dma_wait3A_910 : memref<2x80xi32, #tpu.memory_space<hbm>>) dst(%dma_wait3A_906 : memref<2x80xi32, #tpu.memory_space<vmem>>)
      %dma_start3A_911 = arith.constant 16 : i32
      %dma_start3A_912 = arith.constant 0 : i32
      %dma_start3A_913 = arith.constant 0 : i32
      %dma_start3A_914 = arith.constant 0 : i32
      %dma_start3A_915 = tpu.memref_slice %arg6[%dma_start3A_912, %dma_start3A_913, %dma_start3A_914] : memref<4x80x128xf32, #tpu.memory_space<vmem>> -> memref<1x80x128xf32, #tpu.memory_space<vmem>>
      %dma_start3A_916 = tpu.memref_squeeze %dma_start3A_915 : memref<1x80x128xf32, #tpu.memory_space<vmem>> -> memref<80x128xf32, #tpu.memory_space<vmem>>
      %dma_start3A_917 = arith.constant 0 : i32
      %dma_start3A_918 = tpu.memref_slice %arg5[%dma_start3A_911, %dma_start3A_917] : memref<48x80xi32, #tpu.memory_space<vmem>> -> memref<1x80xi32, #tpu.memory_space<vmem>>
      %dma_start3A_919 = tpu.memref_squeeze %dma_start3A_918 : memref<1x80xi32, #tpu.memory_space<vmem>> -> memref<80xi32, #tpu.memory_space<vmem>>
      %dma_start3A_920 = arith.constant 0 : i32
      %dma_start3A_921 = arith.constant 0 : i32
      %dma_start3A_922 = tpu.memref_slice %arg2[%dma_start3A_920, %dma_start3A_921] : memref<10240x128xf32, #tpu.memory_space<hbm>> -> memref<10240x128xf32, #tpu.memory_space<hbm>>
      tpu.enqueue_indirect_dma source(%dma_start3A_922 : memref<10240x128xf32, #tpu.memory_space<hbm>>) target(%dma_start3A_916 : memref<80x128xf32, #tpu.memory_space<vmem>>) offsets(%dma_start3A_919 : memref<80xi32, #tpu.memory_space<vmem>>) semaphore(%arg13 : memref<!tpu.dma_semaphore, #tpu.memory_space<semaphore_mem>>)
      %dma_wait3A_923 = arith.constant 0 : i32
      %dma_wait3A_924 = arith.constant 2 : i32
      %dma_wait3A_925 = arith.constant 0 : i32
      %dma_wait3A_926 = arith.constant 0 : i32
      %dma_wait3A_927 = tpu.memref_slice %arg6[%dma_wait3A_924, %dma_wait3A_925, %dma_wait3A_926] : memref<4x80x128xf32, #tpu.memory_space<vmem>> -> memref<1x80x128xf32, #tpu.memory_space<vmem>>
      %dma_wait3A_928 = tpu.memref_squeeze %dma_wait3A_927 : memref<1x80x128xf32, #tpu.memory_space<vmem>> -> memref<80x128xf32, #tpu.memory_space<vmem>>
      %dma_wait3A_929 = arith.constant 0 : i32
      %dma_wait3A_930 = tpu.memref_slice %arg5[%dma_wait3A_923, %dma_wait3A_929] : memref<48x80xi32, #tpu.memory_space<vmem>> -> memref<1x80xi32, #tpu.memory_space<vmem>>
      %dma_wait3A_931 = tpu.memref_squeeze %dma_wait3A_930 : memref<1x80xi32, #tpu.memory_space<vmem>> -> memref<80xi32, #tpu.memory_space<vmem>>
      %dma_wait3A_932 = arith.constant 0 : i32
      %dma_wait3A_933 = arith.constant 0 : i32
      %dma_wait3A_934 = tpu.memref_slice %arg2[%dma_wait3A_932, %dma_wait3A_933] : memref<10240x128xf32, #tpu.memory_space<hbm>> -> memref<10240x128xf32, #tpu.memory_space<hbm>>
      tpu.wait_indirect_dma semaphore(%arg15 : memref<!tpu.dma_semaphore, #tpu.memory_space<semaphore_mem>>) src(%dma_wait3A_934 : memref<10240x128xf32, #tpu.memory_space<hbm>>) dst(%dma_wait3A_928 : memref<80x128xf32, #tpu.memory_space<vmem>>)
      %dma_start3A_935 = arith.constant 2 : i32
      %dma_start3A_936 = arith.constant 1 : i32
      %dma_start3A_937 = arith.constant 0 : i32
      %dma_start3A_938 = arith.constant 0 : i32
      %dma_start3A_939 = tpu.memref_slice %arg6[%dma_start3A_935, %dma_start3A_937, %dma_start3A_938] : memref<4x80x128xf32, #tpu.memory_space<vmem>> -> memref<1x80x128xf32, #tpu.memory_space<vmem>>
      %dma_start3A_940 = tpu.memref_squeeze %dma_start3A_939 : memref<1x80x128xf32, #tpu.memory_space<vmem>> -> memref<80x128xf32, #tpu.memory_space<vmem>>
      %dma_start3A_941 = arith.constant 0 : i32
      %dma_start3A_942 = tpu.memref_slice %arg5[%dma_start3A_936, %dma_start3A_941] : memref<48x80xi32, #tpu.memory_space<vmem>> -> memref<1x80xi32, #tpu.memory_space<vmem>>
      %dma_start3A_943 = tpu.memref_squeeze %dma_start3A_942 : memref<1x80xi32, #tpu.memory_space<vmem>> -> memref<80xi32, #tpu.memory_space<vmem>>
      %dma_start3A_944 = arith.constant 0 : i32
      %dma_start3A_945 = arith.constant 0 : i32
      %dma_start3A_946 = tpu.memref_slice %arg21[%dma_start3A_944, %dma_start3A_945] : memref<10240x128xf32, #tpu.memory_space<vmem_shared>> -> memref<10240x128xf32, #tpu.memory_space<vmem_shared>>
      tpu.enqueue_indirect_dma source(%dma_start3A_940 : memref<80x128xf32, #tpu.memory_space<vmem>>) target(%dma_start3A_946 : memref<10240x128xf32, #tpu.memory_space<vmem_shared>>) offsets(%dma_start3A_943 : memref<80xi32, #tpu.memory_space<vmem>>) semaphore(%arg19 : memref<!tpu.dma_semaphore, #tpu.memory_space<semaphore_mem>>) {add = true}
      %add3A_947 = arith.constant 7 : i32
      %add3A_948 = arith.addi %add3A_424, %add3A_947 : i32
      %ge3A_949 = arith.constant 2 : i32
      %ge3A_950 = arith.cmpi sge, %add3A_948, %ge3A_949 : i32
      %convert_element_type3A_951 = arith.extui %ge3A_950 : i1 to i32
      %cond3A_952 = arith.constant 0 : i32
      %cond3A_953 = arith.cmpi ne, %convert_element_type3A_951, %cond3A_952 : i32
      scf.if %cond3A_953 {
        %dma_wait3A_1322 = arith.constant 1 : i32
        %dma_wait3A_1323 = arith.constant 41 : i32
        %dma_wait3A_1324 = arith.constant 0 : i32
        %dma_wait3A_1325 = arith.constant 0 : i32
        %dma_wait3A_1326 = tpu.memref_slice %arg6[%dma_wait3A_1322, %dma_wait3A_1324, %dma_wait3A_1325] : memref<4x80x128xf32, #tpu.memory_space<vmem>> -> memref<1x80x128xf32, #tpu.memory_space<vmem>>
        %dma_wait3A_1327 = tpu.memref_squeeze %dma_wait3A_1326 : memref<1x80x128xf32, #tpu.memory_space<vmem>> -> memref<80x128xf32, #tpu.memory_space<vmem>>
        %dma_wait3A_1328 = arith.constant 0 : i32
        %dma_wait3A_1329 = tpu.memref_slice %arg5[%dma_wait3A_1323, %dma_wait3A_1328] : memref<48x80xi32, #tpu.memory_space<vmem>> -> memref<1x80xi32, #tpu.memory_space<vmem>>
        %dma_wait3A_1330 = tpu.memref_squeeze %dma_wait3A_1329 : memref<1x80xi32, #tpu.memory_space<vmem>> -> memref<80xi32, #tpu.memory_space<vmem>>
        %dma_wait3A_1331 = arith.constant 0 : i32
        %dma_wait3A_1332 = arith.constant 0 : i32
        %dma_wait3A_1333 = tpu.memref_slice %arg21[%dma_wait3A_1331, %dma_wait3A_1332] : memref<10240x128xf32, #tpu.memory_space<vmem_shared>> -> memref<10240x128xf32, #tpu.memory_space<vmem_shared>>
        tpu.wait_indirect_dma semaphore(%arg18 : memref<!tpu.dma_semaphore, #tpu.memory_space<semaphore_mem>>) src(%dma_wait3A_1327 : memref<80x128xf32, #tpu.memory_space<vmem>>) dst(%dma_wait3A_1333 : memref<10240x128xf32, #tpu.memory_space<vmem_shared>>)
      } else {
      }
      %add3A_954 = arith.constant 4 : i32
      %add3A_955 = arith.addi %add3A_948, %add3A_954 : i32
      %dma_start3A_956 = arith.constant 40 : i32
      %dma_start3A_957 = arith.constant 0 : i32
      %dma_start3A_958 = tpu.memref_slice %arg5[%dma_start3A_956, %dma_start3A_957] : memref<48x80xi32, #tpu.memory_space<vmem>> -> memref<2x80xi32, #tpu.memory_space<vmem>>
      %dma_start3A_959 = arith.constant 0 : i32
      %dma_start3A_960 = arith.constant 0 : i32
      %dma_start3A_961 = tpu.memref_slice %arg3[%add3A, %add3A_955, %dma_start3A_959, %dma_start3A_960] : memref<32x125x2x80xi32, #tpu.memory_space<hbm>> -> memref<1x1x2x80xi32, #tpu.memory_space<hbm>>
      %dma_start3A_962 = tpu.memref_squeeze %dma_start3A_961 : memref<1x1x2x80xi32, #tpu.memory_space<hbm>> -> memref<2x80xi32, #tpu.memory_space<hbm>>
      %dma_start3A_963 = arith.constant 40 : i32
      %dma_start3A_964 = arith.constant 0 : i32
      %dma_start3A_965 = tpu.memref_slice %arg5[%dma_start3A_963, %dma_start3A_964] : memref<48x80xi32, #tpu.memory_space<vmem>> -> memref<2x80xi32, #tpu.memory_space<vmem>>
      %dma_start3A_966 = arith.constant 0 : i32
      %dma_start3A_967 = arith.constant 0 : i32
      %dma_start3A_968 = tpu.memref_slice %arg3[%add3A, %add3A_955, %dma_start3A_966, %dma_start3A_967] : memref<32x125x2x80xi32, #tpu.memory_space<hbm>> -> memref<1x1x2x80xi32, #tpu.memory_space<hbm>>
      %dma_start3A_969 = tpu.memref_squeeze %dma_start3A_968 : memref<1x1x2x80xi32, #tpu.memory_space<hbm>> -> memref<2x80xi32, #tpu.memory_space<hbm>>
      tpu.enqueue_dma source(%dma_start3A_969 : memref<2x80xi32, #tpu.memory_space<hbm>>) target(%dma_start3A_965 : memref<2x80xi32, #tpu.memory_space<vmem>>) target_semaphore(%arg12 : memref<!tpu.dma_semaphore, #tpu.memory_space<semaphore_mem>>)
      %add3A_970 = arith.constant 2 : i32
      %add3A_971 = arith.addi %add3A_948, %add3A_970 : i32
      %dma_wait3A_972 = arith.constant 24 : i32
      %dma_wait3A_973 = arith.constant 0 : i32
      %dma_wait3A_974 = tpu.memref_slice %arg5[%dma_wait3A_972, %dma_wait3A_973] : memref<48x80xi32, #tpu.memory_space<vmem>> -> memref<2x80xi32, #tpu.memory_space<vmem>>
      %dma_wait3A_975 = arith.constant 0 : i32
      %dma_wait3A_976 = arith.constant 0 : i32
      %dma_wait3A_977 = tpu.memref_slice %arg3[%add3A, %add3A_971, %dma_wait3A_975, %dma_wait3A_976] : memref<32x125x2x80xi32, #tpu.memory_space<hbm>> -> memref<1x1x2x80xi32, #tpu.memory_space<hbm>>
      %dma_wait3A_978 = tpu.memref_squeeze %dma_wait3A_977 : memref<1x1x2x80xi32, #tpu.memory_space<hbm>> -> memref<2x80xi32, #tpu.memory_space<hbm>>
      %dma_wait3A_979 = arith.constant 24 : i32
      %dma_wait3A_980 = arith.constant 0 : i32
      %dma_wait3A_981 = tpu.memref_slice %arg5[%dma_wait3A_979, %dma_wait3A_980] : memref<48x80xi32, #tpu.memory_space<vmem>> -> memref<2x80xi32, #tpu.memory_space<vmem>>
      %dma_wait3A_982 = arith.constant 0 : i32
      %dma_wait3A_983 = arith.constant 0 : i32
      %dma_wait3A_984 = tpu.memref_slice %arg3[%add3A, %add3A_971, %dma_wait3A_982, %dma_wait3A_983] : memref<32x125x2x80xi32, #tpu.memory_space<hbm>> -> memref<1x1x2x80xi32, #tpu.memory_space<hbm>>
      %dma_wait3A_985 = tpu.memref_squeeze %dma_wait3A_984 : memref<1x1x2x80xi32, #tpu.memory_space<hbm>> -> memref<2x80xi32, #tpu.memory_space<hbm>>
      tpu.wait_dma2 semaphore(%arg10 : memref<!tpu.dma_semaphore, #tpu.memory_space<semaphore_mem>>) src(%dma_wait3A_985 : memref<2x80xi32, #tpu.memory_space<hbm>>) dst(%dma_wait3A_981 : memref<2x80xi32, #tpu.memory_space<vmem>>)
      %dma_start3A_986 = arith.constant 24 : i32
      %dma_start3A_987 = arith.constant 1 : i32
      %dma_start3A_988 = arith.constant 0 : i32
      %dma_start3A_989 = arith.constant 0 : i32
      %dma_start3A_990 = tpu.memref_slice %arg6[%dma_start3A_987, %dma_start3A_988, %dma_start3A_989] : memref<4x80x128xf32, #tpu.memory_space<vmem>> -> memref<1x80x128xf32, #tpu.memory_space<vmem>>
      %dma_start3A_991 = tpu.memref_squeeze %dma_start3A_990 : memref<1x80x128xf32, #tpu.memory_space<vmem>> -> memref<80x128xf32, #tpu.memory_space<vmem>>
      %dma_start3A_992 = arith.constant 0 : i32
      %dma_start3A_993 = tpu.memref_slice %arg5[%dma_start3A_986, %dma_start3A_992] : memref<48x80xi32, #tpu.memory_space<vmem>> -> memref<1x80xi32, #tpu.memory_space<vmem>>
      %dma_start3A_994 = tpu.memref_squeeze %dma_start3A_993 : memref<1x80xi32, #tpu.memory_space<vmem>> -> memref<80xi32, #tpu.memory_space<vmem>>
      %dma_start3A_995 = arith.constant 0 : i32
      %dma_start3A_996 = arith.constant 0 : i32
      %dma_start3A_997 = tpu.memref_slice %arg2[%dma_start3A_995, %dma_start3A_996] : memref<10240x128xf32, #tpu.memory_space<hbm>> -> memref<10240x128xf32, #tpu.memory_space<hbm>>
      tpu.enqueue_indirect_dma source(%dma_start3A_997 : memref<10240x128xf32, #tpu.memory_space<hbm>>) target(%dma_start3A_991 : memref<80x128xf32, #tpu.memory_space<vmem>>) offsets(%dma_start3A_994 : memref<80xi32, #tpu.memory_space<vmem>>) semaphore(%arg14 : memref<!tpu.dma_semaphore, #tpu.memory_space<semaphore_mem>>)
      %dma_wait3A_998 = arith.constant 8 : i32
      %dma_wait3A_999 = arith.constant 3 : i32
      %dma_wait3A_1000 = arith.constant 0 : i32
      %dma_wait3A_1001 = arith.constant 0 : i32
      %dma_wait3A_1002 = tpu.memref_slice %arg6[%dma_wait3A_999, %dma_wait3A_1000, %dma_wait3A_1001] : memref<4x80x128xf32, #tpu.memory_space<vmem>> -> memref<1x80x128xf32, #tpu.memory_space<vmem>>
      %dma_wait3A_1003 = tpu.memref_squeeze %dma_wait3A_1002 : memref<1x80x128xf32, #tpu.memory_space<vmem>> -> memref<80x128xf32, #tpu.memory_space<vmem>>
      %dma_wait3A_1004 = arith.constant 0 : i32
      %dma_wait3A_1005 = tpu.memref_slice %arg5[%dma_wait3A_998, %dma_wait3A_1004] : memref<48x80xi32, #tpu.memory_space<vmem>> -> memref<1x80xi32, #tpu.memory_space<vmem>>
      %dma_wait3A_1006 = tpu.memref_squeeze %dma_wait3A_1005 : memref<1x80xi32, #tpu.memory_space<vmem>> -> memref<80xi32, #tpu.memory_space<vmem>>
      %dma_wait3A_1007 = arith.constant 0 : i32
      %dma_wait3A_1008 = arith.constant 0 : i32
      %dma_wait3A_1009 = tpu.memref_slice %arg2[%dma_wait3A_1007, %dma_wait3A_1008] : memref<10240x128xf32, #tpu.memory_space<hbm>> -> memref<10240x128xf32, #tpu.memory_space<hbm>>
      tpu.wait_indirect_dma semaphore(%arg16 : memref<!tpu.dma_semaphore, #tpu.memory_space<semaphore_mem>>) src(%dma_wait3A_1009 : memref<10240x128xf32, #tpu.memory_space<hbm>>) dst(%dma_wait3A_1003 : memref<80x128xf32, #tpu.memory_space<vmem>>)
      %dma_start3A_1010 = arith.constant 3 : i32
      %dma_start3A_1011 = arith.constant 9 : i32
      %dma_start3A_1012 = arith.constant 0 : i32
      %dma_start3A_1013 = arith.constant 0 : i32
      %dma_start3A_1014 = tpu.memref_slice %arg6[%dma_start3A_1010, %dma_start3A_1012, %dma_start3A_1013] : memref<4x80x128xf32, #tpu.memory_space<vmem>> -> memref<1x80x128xf32, #tpu.memory_space<vmem>>
      %dma_start3A_1015 = tpu.memref_squeeze %dma_start3A_1014 : memref<1x80x128xf32, #tpu.memory_space<vmem>> -> memref<80x128xf32, #tpu.memory_space<vmem>>
      %dma_start3A_1016 = arith.constant 0 : i32
      %dma_start3A_1017 = tpu.memref_slice %arg5[%dma_start3A_1011, %dma_start3A_1016] : memref<48x80xi32, #tpu.memory_space<vmem>> -> memref<1x80xi32, #tpu.memory_space<vmem>>
      %dma_start3A_1018 = tpu.memref_squeeze %dma_start3A_1017 : memref<1x80xi32, #tpu.memory_space<vmem>> -> memref<80xi32, #tpu.memory_space<vmem>>
      %dma_start3A_1019 = arith.constant 0 : i32
      %dma_start3A_1020 = arith.constant 0 : i32
      %dma_start3A_1021 = tpu.memref_slice %arg21[%dma_start3A_1019, %dma_start3A_1020] : memref<10240x128xf32, #tpu.memory_space<vmem_shared>> -> memref<10240x128xf32, #tpu.memory_space<vmem_shared>>
      tpu.enqueue_indirect_dma source(%dma_start3A_1015 : memref<80x128xf32, #tpu.memory_space<vmem>>) target(%dma_start3A_1021 : memref<10240x128xf32, #tpu.memory_space<vmem_shared>>) offsets(%dma_start3A_1018 : memref<80xi32, #tpu.memory_space<vmem>>) semaphore(%arg20 : memref<!tpu.dma_semaphore, #tpu.memory_space<semaphore_mem>>) {add = true}
      %add3A_1022 = arith.constant 8 : i32
      %add3A_1023 = arith.addi %add3A_424, %add3A_1022 : i32
      %ge3A_1024 = arith.constant 2 : i32
      %ge3A_1025 = arith.cmpi sge, %add3A_1023, %ge3A_1024 : i32
      %convert_element_type3A_1026 = arith.extui %ge3A_1025 : i1 to i32
      %cond3A_1027 = arith.constant 0 : i32
      %cond3A_1028 = arith.cmpi ne, %convert_element_type3A_1026, %cond3A_1027 : i32
      scf.if %cond3A_1028 {
        %dma_wait3A_1322 = arith.constant 2 : i32
        %dma_wait3A_1323 = arith.constant 1 : i32
        %dma_wait3A_1324 = arith.constant 0 : i32
        %dma_wait3A_1325 = arith.constant 0 : i32
        %dma_wait3A_1326 = tpu.memref_slice %arg6[%dma_wait3A_1322, %dma_wait3A_1324, %dma_wait3A_1325] : memref<4x80x128xf32, #tpu.memory_space<vmem>> -> memref<1x80x128xf32, #tpu.memory_space<vmem>>
        %dma_wait3A_1327 = tpu.memref_squeeze %dma_wait3A_1326 : memref<1x80x128xf32, #tpu.memory_space<vmem>> -> memref<80x128xf32, #tpu.memory_space<vmem>>
        %dma_wait3A_1328 = arith.constant 0 : i32
        %dma_wait3A_1329 = tpu.memref_slice %arg5[%dma_wait3A_1323, %dma_wait3A_1328] : memref<48x80xi32, #tpu.memory_space<vmem>> -> memref<1x80xi32, #tpu.memory_space<vmem>>
        %dma_wait3A_1330 = tpu.memref_squeeze %dma_wait3A_1329 : memref<1x80xi32, #tpu.memory_space<vmem>> -> memref<80xi32, #tpu.memory_space<vmem>>
        %dma_wait3A_1331 = arith.constant 0 : i32
        %dma_wait3A_1332 = arith.constant 0 : i32
        %dma_wait3A_1333 = tpu.memref_slice %arg21[%dma_wait3A_1331, %dma_wait3A_1332] : memref<10240x128xf32, #tpu.memory_space<vmem_shared>> -> memref<10240x128xf32, #tpu.memory_space<vmem_shared>>
        tpu.wait_indirect_dma semaphore(%arg19 : memref<!tpu.dma_semaphore, #tpu.memory_space<semaphore_mem>>) src(%dma_wait3A_1327 : memref<80x128xf32, #tpu.memory_space<vmem>>) dst(%dma_wait3A_1333 : memref<10240x128xf32, #tpu.memory_space<vmem_shared>>)
      } else {
      }
      %add3A_1029 = arith.constant 4 : i32
      %add3A_1030 = arith.addi %add3A_1023, %add3A_1029 : i32
      %dma_start3A_1031 = arith.constant 0 : i32
      %dma_start3A_1032 = arith.constant 0 : i32
      %dma_start3A_1033 = tpu.memref_slice %arg5[%dma_start3A_1031, %dma_start3A_1032] : memref<48x80xi32, #tpu.memory_space<vmem>> -> memref<2x80xi32, #tpu.memory_space<vmem>>
      %dma_start3A_1034 = arith.constant 0 : i32
      %dma_start3A_1035 = arith.constant 0 : i32
      %dma_start3A_1036 = tpu.memref_slice %arg3[%add3A, %add3A_1030, %dma_start3A_1034, %dma_start3A_1035] : memref<32x125x2x80xi32, #tpu.memory_space<hbm>> -> memref<1x1x2x80xi32, #tpu.memory_space<hbm>>
      %dma_start3A_1037 = tpu.memref_squeeze %dma_start3A_1036 : memref<1x1x2x80xi32, #tpu.memory_space<hbm>> -> memref<2x80xi32, #tpu.memory_space<hbm>>
      %dma_start3A_1038 = arith.constant 0 : i32
      %dma_start3A_1039 = arith.constant 0 : i32
      %dma_start3A_1040 = tpu.memref_slice %arg5[%dma_start3A_1038, %dma_start3A_1039] : memref<48x80xi32, #tpu.memory_space<vmem>> -> memref<2x80xi32, #tpu.memory_space<vmem>>
      %dma_start3A_1041 = arith.constant 0 : i32
      %dma_start3A_1042 = arith.constant 0 : i32
      %dma_start3A_1043 = tpu.memref_slice %arg3[%add3A, %add3A_1030, %dma_start3A_1041, %dma_start3A_1042] : memref<32x125x2x80xi32, #tpu.memory_space<hbm>> -> memref<1x1x2x80xi32, #tpu.memory_space<hbm>>
      %dma_start3A_1044 = tpu.memref_squeeze %dma_start3A_1043 : memref<1x1x2x80xi32, #tpu.memory_space<hbm>> -> memref<2x80xi32, #tpu.memory_space<hbm>>
      tpu.enqueue_dma source(%dma_start3A_1044 : memref<2x80xi32, #tpu.memory_space<hbm>>) target(%dma_start3A_1040 : memref<2x80xi32, #tpu.memory_space<vmem>>) target_semaphore(%arg7 : memref<!tpu.dma_semaphore, #tpu.memory_space<semaphore_mem>>)
      %add3A_1045 = arith.constant 2 : i32
      %add3A_1046 = arith.addi %add3A_1023, %add3A_1045 : i32
      %dma_wait3A_1047 = arith.constant 32 : i32
      %dma_wait3A_1048 = arith.constant 0 : i32
      %dma_wait3A_1049 = tpu.memref_slice %arg5[%dma_wait3A_1047, %dma_wait3A_1048] : memref<48x80xi32, #tpu.memory_space<vmem>> -> memref<2x80xi32, #tpu.memory_space<vmem>>
      %dma_wait3A_1050 = arith.constant 0 : i32
      %dma_wait3A_1051 = arith.constant 0 : i32
      %dma_wait3A_1052 = tpu.memref_slice %arg3[%add3A, %add3A_1046, %dma_wait3A_1050, %dma_wait3A_1051] : memref<32x125x2x80xi32, #tpu.memory_space<hbm>> -> memref<1x1x2x80xi32, #tpu.memory_space<hbm>>
      %dma_wait3A_1053 = tpu.memref_squeeze %dma_wait3A_1052 : memref<1x1x2x80xi32, #tpu.memory_space<hbm>> -> memref<2x80xi32, #tpu.memory_space<hbm>>
      %dma_wait3A_1054 = arith.constant 32 : i32
      %dma_wait3A_1055 = arith.constant 0 : i32
      %dma_wait3A_1056 = tpu.memref_slice %arg5[%dma_wait3A_1054, %dma_wait3A_1055] : memref<48x80xi32, #tpu.memory_space<vmem>> -> memref<2x80xi32, #tpu.memory_space<vmem>>
      %dma_wait3A_1057 = arith.constant 0 : i32
      %dma_wait3A_1058 = arith.constant 0 : i32
      %dma_wait3A_1059 = tpu.memref_slice %arg3[%add3A, %add3A_1046, %dma_wait3A_1057, %dma_wait3A_1058] : memref<32x125x2x80xi32, #tpu.memory_space<hbm>> -> memref<1x1x2x80xi32, #tpu.memory_space<hbm>>
      %dma_wait3A_1060 = tpu.memref_squeeze %dma_wait3A_1059 : memref<1x1x2x80xi32, #tpu.memory_space<hbm>> -> memref<2x80xi32, #tpu.memory_space<hbm>>
      tpu.wait_dma2 semaphore(%arg11 : memref<!tpu.dma_semaphore, #tpu.memory_space<semaphore_mem>>) src(%dma_wait3A_1060 : memref<2x80xi32, #tpu.memory_space<hbm>>) dst(%dma_wait3A_1056 : memref<2x80xi32, #tpu.memory_space<vmem>>)
      %dma_start3A_1061 = arith.constant 32 : i32
      %dma_start3A_1062 = arith.constant 2 : i32
      %dma_start3A_1063 = arith.constant 0 : i32
      %dma_start3A_1064 = arith.constant 0 : i32
      %dma_start3A_1065 = tpu.memref_slice %arg6[%dma_start3A_1062, %dma_start3A_1063, %dma_start3A_1064] : memref<4x80x128xf32, #tpu.memory_space<vmem>> -> memref<1x80x128xf32, #tpu.memory_space<vmem>>
      %dma_start3A_1066 = tpu.memref_squeeze %dma_start3A_1065 : memref<1x80x128xf32, #tpu.memory_space<vmem>> -> memref<80x128xf32, #tpu.memory_space<vmem>>
      %dma_start3A_1067 = arith.constant 0 : i32
      %dma_start3A_1068 = tpu.memref_slice %arg5[%dma_start3A_1061, %dma_start3A_1067] : memref<48x80xi32, #tpu.memory_space<vmem>> -> memref<1x80xi32, #tpu.memory_space<vmem>>
      %dma_start3A_1069 = tpu.memref_squeeze %dma_start3A_1068 : memref<1x80xi32, #tpu.memory_space<vmem>> -> memref<80xi32, #tpu.memory_space<vmem>>
      %dma_start3A_1070 = arith.constant 0 : i32
      %dma_start3A_1071 = arith.constant 0 : i32
      %dma_start3A_1072 = tpu.memref_slice %arg2[%dma_start3A_1070, %dma_start3A_1071] : memref<10240x128xf32, #tpu.memory_space<hbm>> -> memref<10240x128xf32, #tpu.memory_space<hbm>>
      tpu.enqueue_indirect_dma source(%dma_start3A_1072 : memref<10240x128xf32, #tpu.memory_space<hbm>>) target(%dma_start3A_1066 : memref<80x128xf32, #tpu.memory_space<vmem>>) offsets(%dma_start3A_1069 : memref<80xi32, #tpu.memory_space<vmem>>) semaphore(%arg15 : memref<!tpu.dma_semaphore, #tpu.memory_space<semaphore_mem>>)
      %dma_wait3A_1073 = arith.constant 16 : i32
      %dma_wait3A_1074 = arith.constant 0 : i32
      %dma_wait3A_1075 = arith.constant 0 : i32
      %dma_wait3A_1076 = arith.constant 0 : i32
      %dma_wait3A_1077 = tpu.memref_slice %arg6[%dma_wait3A_1074, %dma_wait3A_1075, %dma_wait3A_1076] : memref<4x80x128xf32, #tpu.memory_space<vmem>> -> memref<1x80x128xf32, #tpu.memory_space<vmem>>
      %dma_wait3A_1078 = tpu.memref_squeeze %dma_wait3A_1077 : memref<1x80x128xf32, #tpu.memory_space<vmem>> -> memref<80x128xf32, #tpu.memory_space<vmem>>
      %dma_wait3A_1079 = arith.constant 0 : i32
      %dma_wait3A_1080 = tpu.memref_slice %arg5[%dma_wait3A_1073, %dma_wait3A_1079] : memref<48x80xi32, #tpu.memory_space<vmem>> -> memref<1x80xi32, #tpu.memory_space<vmem>>
      %dma_wait3A_1081 = tpu.memref_squeeze %dma_wait3A_1080 : memref<1x80xi32, #tpu.memory_space<vmem>> -> memref<80xi32, #tpu.memory_space<vmem>>
      %dma_wait3A_1082 = arith.constant 0 : i32
      %dma_wait3A_1083 = arith.constant 0 : i32
      %dma_wait3A_1084 = tpu.memref_slice %arg2[%dma_wait3A_1082, %dma_wait3A_1083] : memref<10240x128xf32, #tpu.memory_space<hbm>> -> memref<10240x128xf32, #tpu.memory_space<hbm>>
      tpu.wait_indirect_dma semaphore(%arg13 : memref<!tpu.dma_semaphore, #tpu.memory_space<semaphore_mem>>) src(%dma_wait3A_1084 : memref<10240x128xf32, #tpu.memory_space<hbm>>) dst(%dma_wait3A_1078 : memref<80x128xf32, #tpu.memory_space<vmem>>)
      %dma_start3A_1085 = arith.constant 0 : i32
      %dma_start3A_1086 = arith.constant 17 : i32
      %dma_start3A_1087 = arith.constant 0 : i32
      %dma_start3A_1088 = arith.constant 0 : i32
      %dma_start3A_1089 = tpu.memref_slice %arg6[%dma_start3A_1085, %dma_start3A_1087, %dma_start3A_1088] : memref<4x80x128xf32, #tpu.memory_space<vmem>> -> memref<1x80x128xf32, #tpu.memory_space<vmem>>
      %dma_start3A_1090 = tpu.memref_squeeze %dma_start3A_1089 : memref<1x80x128xf32, #tpu.memory_space<vmem>> -> memref<80x128xf32, #tpu.memory_space<vmem>>
      %dma_start3A_1091 = arith.constant 0 : i32
      %dma_start3A_1092 = tpu.memref_slice %arg5[%dma_start3A_1086, %dma_start3A_1091] : memref<48x80xi32, #tpu.memory_space<vmem>> -> memref<1x80xi32, #tpu.memory_space<vmem>>
      %dma_start3A_1093 = tpu.memref_squeeze %dma_start3A_1092 : memref<1x80xi32, #tpu.memory_space<vmem>> -> memref<80xi32, #tpu.memory_space<vmem>>
      %dma_start3A_1094 = arith.constant 0 : i32
      %dma_start3A_1095 = arith.constant 0 : i32
      %dma_start3A_1096 = tpu.memref_slice %arg21[%dma_start3A_1094, %dma_start3A_1095] : memref<10240x128xf32, #tpu.memory_space<vmem_shared>> -> memref<10240x128xf32, #tpu.memory_space<vmem_shared>>
      tpu.enqueue_indirect_dma source(%dma_start3A_1090 : memref<80x128xf32, #tpu.memory_space<vmem>>) target(%dma_start3A_1096 : memref<10240x128xf32, #tpu.memory_space<vmem_shared>>) offsets(%dma_start3A_1093 : memref<80xi32, #tpu.memory_space<vmem>>) semaphore(%arg17 : memref<!tpu.dma_semaphore, #tpu.memory_space<semaphore_mem>>) {add = true}
      %add3A_1097 = arith.constant 9 : i32
      %add3A_1098 = arith.addi %add3A_424, %add3A_1097 : i32
      %ge3A_1099 = arith.constant 2 : i32
      %ge3A_1100 = arith.cmpi sge, %add3A_1098, %ge3A_1099 : i32
      %convert_element_type3A_1101 = arith.extui %ge3A_1100 : i1 to i32
      %cond3A_1102 = arith.constant 0 : i32
      %cond3A_1103 = arith.cmpi ne, %convert_element_type3A_1101, %cond3A_1102 : i32
      scf.if %cond3A_1103 {
        %dma_wait3A_1322 = arith.constant 3 : i32
        %dma_wait3A_1323 = arith.constant 9 : i32
        %dma_wait3A_1324 = arith.constant 0 : i32
        %dma_wait3A_1325 = arith.constant 0 : i32
        %dma_wait3A_1326 = tpu.memref_slice %arg6[%dma_wait3A_1322, %dma_wait3A_1324, %dma_wait3A_1325] : memref<4x80x128xf32, #tpu.memory_space<vmem>> -> memref<1x80x128xf32, #tpu.memory_space<vmem>>
        %dma_wait3A_1327 = tpu.memref_squeeze %dma_wait3A_1326 : memref<1x80x128xf32, #tpu.memory_space<vmem>> -> memref<80x128xf32, #tpu.memory_space<vmem>>
        %dma_wait3A_1328 = arith.constant 0 : i32
        %dma_wait3A_1329 = tpu.memref_slice %arg5[%dma_wait3A_1323, %dma_wait3A_1328] : memref<48x80xi32, #tpu.memory_space<vmem>> -> memref<1x80xi32, #tpu.memory_space<vmem>>
        %dma_wait3A_1330 = tpu.memref_squeeze %dma_wait3A_1329 : memref<1x80xi32, #tpu.memory_space<vmem>> -> memref<80xi32, #tpu.memory_space<vmem>>
        %dma_wait3A_1331 = arith.constant 0 : i32
        %dma_wait3A_1332 = arith.constant 0 : i32
        %dma_wait3A_1333 = tpu.memref_slice %arg21[%dma_wait3A_1331, %dma_wait3A_1332] : memref<10240x128xf32, #tpu.memory_space<vmem_shared>> -> memref<10240x128xf32, #tpu.memory_space<vmem_shared>>
        tpu.wait_indirect_dma semaphore(%arg20 : memref<!tpu.dma_semaphore, #tpu.memory_space<semaphore_mem>>) src(%dma_wait3A_1327 : memref<80x128xf32, #tpu.memory_space<vmem>>) dst(%dma_wait3A_1333 : memref<10240x128xf32, #tpu.memory_space<vmem_shared>>)
      } else {
      }
      %add3A_1104 = arith.constant 4 : i32
      %add3A_1105 = arith.addi %add3A_1098, %add3A_1104 : i32
      %dma_start3A_1106 = arith.constant 8 : i32
      %dma_start3A_1107 = arith.constant 0 : i32
      %dma_start3A_1108 = tpu.memref_slice %arg5[%dma_start3A_1106, %dma_start3A_1107] : memref<48x80xi32, #tpu.memory_space<vmem>> -> memref<2x80xi32, #tpu.memory_space<vmem>>
      %dma_start3A_1109 = arith.constant 0 : i32
      %dma_start3A_1110 = arith.constant 0 : i32
      %dma_start3A_1111 = tpu.memref_slice %arg3[%add3A, %add3A_1105, %dma_start3A_1109, %dma_start3A_1110] : memref<32x125x2x80xi32, #tpu.memory_space<hbm>> -> memref<1x1x2x80xi32, #tpu.memory_space<hbm>>
      %dma_start3A_1112 = tpu.memref_squeeze %dma_start3A_1111 : memref<1x1x2x80xi32, #tpu.memory_space<hbm>> -> memref<2x80xi32, #tpu.memory_space<hbm>>
      %dma_start3A_1113 = arith.constant 8 : i32
      %dma_start3A_1114 = arith.constant 0 : i32
      %dma_start3A_1115 = tpu.memref_slice %arg5[%dma_start3A_1113, %dma_start3A_1114] : memref<48x80xi32, #tpu.memory_space<vmem>> -> memref<2x80xi32, #tpu.memory_space<vmem>>
      %dma_start3A_1116 = arith.constant 0 : i32
      %dma_start3A_1117 = arith.constant 0 : i32
      %dma_start3A_1118 = tpu.memref_slice %arg3[%add3A, %add3A_1105, %dma_start3A_1116, %dma_start3A_1117] : memref<32x125x2x80xi32, #tpu.memory_space<hbm>> -> memref<1x1x2x80xi32, #tpu.memory_space<hbm>>
      %dma_start3A_1119 = tpu.memref_squeeze %dma_start3A_1118 : memref<1x1x2x80xi32, #tpu.memory_space<hbm>> -> memref<2x80xi32, #tpu.memory_space<hbm>>
      tpu.enqueue_dma source(%dma_start3A_1119 : memref<2x80xi32, #tpu.memory_space<hbm>>) target(%dma_start3A_1115 : memref<2x80xi32, #tpu.memory_space<vmem>>) target_semaphore(%arg8 : memref<!tpu.dma_semaphore, #tpu.memory_space<semaphore_mem>>)
      %add3A_1120 = arith.constant 2 : i32
      %add3A_1121 = arith.addi %add3A_1098, %add3A_1120 : i32
      %dma_wait3A_1122 = arith.constant 40 : i32
      %dma_wait3A_1123 = arith.constant 0 : i32
      %dma_wait3A_1124 = tpu.memref_slice %arg5[%dma_wait3A_1122, %dma_wait3A_1123] : memref<48x80xi32, #tpu.memory_space<vmem>> -> memref<2x80xi32, #tpu.memory_space<vmem>>
      %dma_wait3A_1125 = arith.constant 0 : i32
      %dma_wait3A_1126 = arith.constant 0 : i32
      %dma_wait3A_1127 = tpu.memref_slice %arg3[%add3A, %add3A_1121, %dma_wait3A_1125, %dma_wait3A_1126] : memref<32x125x2x80xi32, #tpu.memory_space<hbm>> -> memref<1x1x2x80xi32, #tpu.memory_space<hbm>>
      %dma_wait3A_1128 = tpu.memref_squeeze %dma_wait3A_1127 : memref<1x1x2x80xi32, #tpu.memory_space<hbm>> -> memref<2x80xi32, #tpu.memory_space<hbm>>
      %dma_wait3A_1129 = arith.constant 40 : i32
      %dma_wait3A_1130 = arith.constant 0 : i32
      %dma_wait3A_1131 = tpu.memref_slice %arg5[%dma_wait3A_1129, %dma_wait3A_1130] : memref<48x80xi32, #tpu.memory_space<vmem>> -> memref<2x80xi32, #tpu.memory_space<vmem>>
      %dma_wait3A_1132 = arith.constant 0 : i32
      %dma_wait3A_1133 = arith.constant 0 : i32
      %dma_wait3A_1134 = tpu.memref_slice %arg3[%add3A, %add3A_1121, %dma_wait3A_1132, %dma_wait3A_1133] : memref<32x125x2x80xi32, #tpu.memory_space<hbm>> -> memref<1x1x2x80xi32, #tpu.memory_space<hbm>>
      %dma_wait3A_1135 = tpu.memref_squeeze %dma_wait3A_1134 : memref<1x1x2x80xi32, #tpu.memory_space<hbm>> -> memref<2x80xi32, #tpu.memory_space<hbm>>
      tpu.wait_dma2 semaphore(%arg12 : memref<!tpu.dma_semaphore, #tpu.memory_space<semaphore_mem>>) src(%dma_wait3A_1135 : memref<2x80xi32, #tpu.memory_space<hbm>>) dst(%dma_wait3A_1131 : memref<2x80xi32, #tpu.memory_space<vmem>>)
      %dma_start3A_1136 = arith.constant 40 : i32
      %dma_start3A_1137 = arith.constant 3 : i32
      %dma_start3A_1138 = arith.constant 0 : i32
      %dma_start3A_1139 = arith.constant 0 : i32
      %dma_start3A_1140 = tpu.memref_slice %arg6[%dma_start3A_1137, %dma_start3A_1138, %dma_start3A_1139] : memref<4x80x128xf32, #tpu.memory_space<vmem>> -> memref<1x80x128xf32, #tpu.memory_space<vmem>>
      %dma_start3A_1141 = tpu.memref_squeeze %dma_start3A_1140 : memref<1x80x128xf32, #tpu.memory_space<vmem>> -> memref<80x128xf32, #tpu.memory_space<vmem>>
      %dma_start3A_1142 = arith.constant 0 : i32
      %dma_start3A_1143 = tpu.memref_slice %arg5[%dma_start3A_1136, %dma_start3A_1142] : memref<48x80xi32, #tpu.memory_space<vmem>> -> memref<1x80xi32, #tpu.memory_space<vmem>>
      %dma_start3A_1144 = tpu.memref_squeeze %dma_start3A_1143 : memref<1x80xi32, #tpu.memory_space<vmem>> -> memref<80xi32, #tpu.memory_space<vmem>>
      %dma_start3A_1145 = arith.constant 0 : i32
      %dma_start3A_1146 = arith.constant 0 : i32
      %dma_start3A_1147 = tpu.memref_slice %arg2[%dma_start3A_1145, %dma_start3A_1146] : memref<10240x128xf32, #tpu.memory_space<hbm>> -> memref<10240x128xf32, #tpu.memory_space<hbm>>
      tpu.enqueue_indirect_dma source(%dma_start3A_1147 : memref<10240x128xf32, #tpu.memory_space<hbm>>) target(%dma_start3A_1141 : memref<80x128xf32, #tpu.memory_space<vmem>>) offsets(%dma_start3A_1144 : memref<80xi32, #tpu.memory_space<vmem>>) semaphore(%arg16 : memref<!tpu.dma_semaphore, #tpu.memory_space<semaphore_mem>>)
      %dma_wait3A_1148 = arith.constant 24 : i32
      %dma_wait3A_1149 = arith.constant 1 : i32
      %dma_wait3A_1150 = arith.constant 0 : i32
      %dma_wait3A_1151 = arith.constant 0 : i32
      %dma_wait3A_1152 = tpu.memref_slice %arg6[%dma_wait3A_1149, %dma_wait3A_1150, %dma_wait3A_1151] : memref<4x80x128xf32, #tpu.memory_space<vmem>> -> memref<1x80x128xf32, #tpu.memory_space<vmem>>
      %dma_wait3A_1153 = tpu.memref_squeeze %dma_wait3A_1152 : memref<1x80x128xf32, #tpu.memory_space<vmem>> -> memref<80x128xf32, #tpu.memory_space<vmem>>
      %dma_wait3A_1154 = arith.constant 0 : i32
      %dma_wait3A_1155 = tpu.memref_slice %arg5[%dma_wait3A_1148, %dma_wait3A_1154] : memref<48x80xi32, #tpu.memory_space<vmem>> -> memref<1x80xi32, #tpu.memory_space<vmem>>
      %dma_wait3A_1156 = tpu.memref_squeeze %dma_wait3A_1155 : memref<1x80xi32, #tpu.memory_space<vmem>> -> memref<80xi32, #tpu.memory_space<vmem>>
      %dma_wait3A_1157 = arith.constant 0 : i32
      %dma_wait3A_1158 = arith.constant 0 : i32
      %dma_wait3A_1159 = tpu.memref_slice %arg2[%dma_wait3A_1157, %dma_wait3A_1158] : memref<10240x128xf32, #tpu.memory_space<hbm>> -> memref<10240x128xf32, #tpu.memory_space<hbm>>
      tpu.wait_indirect_dma semaphore(%arg14 : memref<!tpu.dma_semaphore, #tpu.memory_space<semaphore_mem>>) src(%dma_wait3A_1159 : memref<10240x128xf32, #tpu.memory_space<hbm>>) dst(%dma_wait3A_1153 : memref<80x128xf32, #tpu.memory_space<vmem>>)
      %dma_start3A_1160 = arith.constant 1 : i32
      %dma_start3A_1161 = arith.constant 25 : i32
      %dma_start3A_1162 = arith.constant 0 : i32
      %dma_start3A_1163 = arith.constant 0 : i32
      %dma_start3A_1164 = tpu.memref_slice %arg6[%dma_start3A_1160, %dma_start3A_1162, %dma_start3A_1163] : memref<4x80x128xf32, #tpu.memory_space<vmem>> -> memref<1x80x128xf32, #tpu.memory_space<vmem>>
      %dma_start3A_1165 = tpu.memref_squeeze %dma_start3A_1164 : memref<1x80x128xf32, #tpu.memory_space<vmem>> -> memref<80x128xf32, #tpu.memory_space<vmem>>
      %dma_start3A_1166 = arith.constant 0 : i32
      %dma_start3A_1167 = tpu.memref_slice %arg5[%dma_start3A_1161, %dma_start3A_1166] : memref<48x80xi32, #tpu.memory_space<vmem>> -> memref<1x80xi32, #tpu.memory_space<vmem>>
      %dma_start3A_1168 = tpu.memref_squeeze %dma_start3A_1167 : memref<1x80xi32, #tpu.memory_space<vmem>> -> memref<80xi32, #tpu.memory_space<vmem>>
      %dma_start3A_1169 = arith.constant 0 : i32
      %dma_start3A_1170 = arith.constant 0 : i32
      %dma_start3A_1171 = tpu.memref_slice %arg21[%dma_start3A_1169, %dma_start3A_1170] : memref<10240x128xf32, #tpu.memory_space<vmem_shared>> -> memref<10240x128xf32, #tpu.memory_space<vmem_shared>>
      tpu.enqueue_indirect_dma source(%dma_start3A_1165 : memref<80x128xf32, #tpu.memory_space<vmem>>) target(%dma_start3A_1171 : memref<10240x128xf32, #tpu.memory_space<vmem_shared>>) offsets(%dma_start3A_1168 : memref<80xi32, #tpu.memory_space<vmem>>) semaphore(%arg18 : memref<!tpu.dma_semaphore, #tpu.memory_space<semaphore_mem>>) {add = true}
      %add3A_1172 = arith.constant 10 : i32
      %add3A_1173 = arith.addi %add3A_424, %add3A_1172 : i32
      %ge3A_1174 = arith.constant 2 : i32
      %ge3A_1175 = arith.cmpi sge, %add3A_1173, %ge3A_1174 : i32
      %convert_element_type3A_1176 = arith.extui %ge3A_1175 : i1 to i32
      %cond3A_1177 = arith.constant 0 : i32
      %cond3A_1178 = arith.cmpi ne, %convert_element_type3A_1176, %cond3A_1177 : i32
      scf.if %cond3A_1178 {
        %dma_wait3A_1322 = arith.constant 0 : i32
        %dma_wait3A_1323 = arith.constant 17 : i32
        %dma_wait3A_1324 = arith.constant 0 : i32
        %dma_wait3A_1325 = arith.constant 0 : i32
        %dma_wait3A_1326 = tpu.memref_slice %arg6[%dma_wait3A_1322, %dma_wait3A_1324, %dma_wait3A_1325] : memref<4x80x128xf32, #tpu.memory_space<vmem>> -> memref<1x80x128xf32, #tpu.memory_space<vmem>>
        %dma_wait3A_1327 = tpu.memref_squeeze %dma_wait3A_1326 : memref<1x80x128xf32, #tpu.memory_space<vmem>> -> memref<80x128xf32, #tpu.memory_space<vmem>>
        %dma_wait3A_1328 = arith.constant 0 : i32
        %dma_wait3A_1329 = tpu.memref_slice %arg5[%dma_wait3A_1323, %dma_wait3A_1328] : memref<48x80xi32, #tpu.memory_space<vmem>> -> memref<1x80xi32, #tpu.memory_space<vmem>>
        %dma_wait3A_1330 = tpu.memref_squeeze %dma_wait3A_1329 : memref<1x80xi32, #tpu.memory_space<vmem>> -> memref<80xi32, #tpu.memory_space<vmem>>
        %dma_wait3A_1331 = arith.constant 0 : i32
        %dma_wait3A_1332 = arith.constant 0 : i32
        %dma_wait3A_1333 = tpu.memref_slice %arg21[%dma_wait3A_1331, %dma_wait3A_1332] : memref<10240x128xf32, #tpu.memory_space<vmem_shared>> -> memref<10240x128xf32, #tpu.memory_space<vmem_shared>>
        tpu.wait_indirect_dma semaphore(%arg17 : memref<!tpu.dma_semaphore, #tpu.memory_space<semaphore_mem>>) src(%dma_wait3A_1327 : memref<80x128xf32, #tpu.memory_space<vmem>>) dst(%dma_wait3A_1333 : memref<10240x128xf32, #tpu.memory_space<vmem_shared>>)
      } else {
      }
      %add3A_1179 = arith.constant 4 : i32
      %add3A_1180 = arith.addi %add3A_1173, %add3A_1179 : i32
      %dma_start3A_1181 = arith.constant 16 : i32
      %dma_start3A_1182 = arith.constant 0 : i32
      %dma_start3A_1183 = tpu.memref_slice %arg5[%dma_start3A_1181, %dma_start3A_1182] : memref<48x80xi32, #tpu.memory_space<vmem>> -> memref<2x80xi32, #tpu.memory_space<vmem>>
      %dma_start3A_1184 = arith.constant 0 : i32
      %dma_start3A_1185 = arith.constant 0 : i32
      %dma_start3A_1186 = tpu.memref_slice %arg3[%add3A, %add3A_1180, %dma_start3A_1184, %dma_start3A_1185] : memref<32x125x2x80xi32, #tpu.memory_space<hbm>> -> memref<1x1x2x80xi32, #tpu.memory_space<hbm>>
      %dma_start3A_1187 = tpu.memref_squeeze %dma_start3A_1186 : memref<1x1x2x80xi32, #tpu.memory_space<hbm>> -> memref<2x80xi32, #tpu.memory_space<hbm>>
      %dma_start3A_1188 = arith.constant 16 : i32
      %dma_start3A_1189 = arith.constant 0 : i32
      %dma_start3A_1190 = tpu.memref_slice %arg5[%dma_start3A_1188, %dma_start3A_1189] : memref<48x80xi32, #tpu.memory_space<vmem>> -> memref<2x80xi32, #tpu.memory_space<vmem>>
      %dma_start3A_1191 = arith.constant 0 : i32
      %dma_start3A_1192 = arith.constant 0 : i32
      %dma_start3A_1193 = tpu.memref_slice %arg3[%add3A, %add3A_1180, %dma_start3A_1191, %dma_start3A_1192] : memref<32x125x2x80xi32, #tpu.memory_space<hbm>> -> memref<1x1x2x80xi32, #tpu.memory_space<hbm>>
      %dma_start3A_1194 = tpu.memref_squeeze %dma_start3A_1193 : memref<1x1x2x80xi32, #tpu.memory_space<hbm>> -> memref<2x80xi32, #tpu.memory_space<hbm>>
      tpu.enqueue_dma source(%dma_start3A_1194 : memref<2x80xi32, #tpu.memory_space<hbm>>) target(%dma_start3A_1190 : memref<2x80xi32, #tpu.memory_space<vmem>>) target_semaphore(%arg9 : memref<!tpu.dma_semaphore, #tpu.memory_space<semaphore_mem>>)
      %add3A_1195 = arith.constant 2 : i32
      %add3A_1196 = arith.addi %add3A_1173, %add3A_1195 : i32
      %dma_wait3A_1197 = arith.constant 0 : i32
      %dma_wait3A_1198 = arith.constant 0 : i32
      %dma_wait3A_1199 = tpu.memref_slice %arg5[%dma_wait3A_1197, %dma_wait3A_1198] : memref<48x80xi32, #tpu.memory_space<vmem>> -> memref<2x80xi32, #tpu.memory_space<vmem>>
      %dma_wait3A_1200 = arith.constant 0 : i32
      %dma_wait3A_1201 = arith.constant 0 : i32
      %dma_wait3A_1202 = tpu.memref_slice %arg3[%add3A, %add3A_1196, %dma_wait3A_1200, %dma_wait3A_1201] : memref<32x125x2x80xi32, #tpu.memory_space<hbm>> -> memref<1x1x2x80xi32, #tpu.memory_space<hbm>>
      %dma_wait3A_1203 = tpu.memref_squeeze %dma_wait3A_1202 : memref<1x1x2x80xi32, #tpu.memory_space<hbm>> -> memref<2x80xi32, #tpu.memory_space<hbm>>
      %dma_wait3A_1204 = arith.constant 0 : i32
      %dma_wait3A_1205 = arith.constant 0 : i32
      %dma_wait3A_1206 = tpu.memref_slice %arg5[%dma_wait3A_1204, %dma_wait3A_1205] : memref<48x80xi32, #tpu.memory_space<vmem>> -> memref<2x80xi32, #tpu.memory_space<vmem>>
      %dma_wait3A_1207 = arith.constant 0 : i32
      %dma_wait3A_1208 = arith.constant 0 : i32
      %dma_wait3A_1209 = tpu.memref_slice %arg3[%add3A, %add3A_1196, %dma_wait3A_1207, %dma_wait3A_1208] : memref<32x125x2x80xi32, #tpu.memory_space<hbm>> -> memref<1x1x2x80xi32, #tpu.memory_space<hbm>>
      %dma_wait3A_1210 = tpu.memref_squeeze %dma_wait3A_1209 : memref<1x1x2x80xi32, #tpu.memory_space<hbm>> -> memref<2x80xi32, #tpu.memory_space<hbm>>
      tpu.wait_dma2 semaphore(%arg7 : memref<!tpu.dma_semaphore, #tpu.memory_space<semaphore_mem>>) src(%dma_wait3A_1210 : memref<2x80xi32, #tpu.memory_space<hbm>>) dst(%dma_wait3A_1206 : memref<2x80xi32, #tpu.memory_space<vmem>>)
      %dma_start3A_1211 = arith.constant 0 : i32
      %dma_start3A_1212 = arith.constant 0 : i32
      %dma_start3A_1213 = arith.constant 0 : i32
      %dma_start3A_1214 = arith.constant 0 : i32
      %dma_start3A_1215 = tpu.memref_slice %arg6[%dma_start3A_1212, %dma_start3A_1213, %dma_start3A_1214] : memref<4x80x128xf32, #tpu.memory_space<vmem>> -> memref<1x80x128xf32, #tpu.memory_space<vmem>>
      %dma_start3A_1216 = tpu.memref_squeeze %dma_start3A_1215 : memref<1x80x128xf32, #tpu.memory_space<vmem>> -> memref<80x128xf32, #tpu.memory_space<vmem>>
      %dma_start3A_1217 = arith.constant 0 : i32
      %dma_start3A_1218 = tpu.memref_slice %arg5[%dma_start3A_1211, %dma_start3A_1217] : memref<48x80xi32, #tpu.memory_space<vmem>> -> memref<1x80xi32, #tpu.memory_space<vmem>>
      %dma_start3A_1219 = tpu.memref_squeeze %dma_start3A_1218 : memref<1x80xi32, #tpu.memory_space<vmem>> -> memref<80xi32, #tpu.memory_space<vmem>>
      %dma_start3A_1220 = arith.constant 0 : i32
      %dma_start3A_1221 = arith.constant 0 : i32
      %dma_start3A_1222 = tpu.memref_slice %arg2[%dma_start3A_1220, %dma_start3A_1221] : memref<10240x128xf32, #tpu.memory_space<hbm>> -> memref<10240x128xf32, #tpu.memory_space<hbm>>
      tpu.enqueue_indirect_dma source(%dma_start3A_1222 : memref<10240x128xf32, #tpu.memory_space<hbm>>) target(%dma_start3A_1216 : memref<80x128xf32, #tpu.memory_space<vmem>>) offsets(%dma_start3A_1219 : memref<80xi32, #tpu.memory_space<vmem>>) semaphore(%arg13 : memref<!tpu.dma_semaphore, #tpu.memory_space<semaphore_mem>>)
      %dma_wait3A_1223 = arith.constant 32 : i32
      %dma_wait3A_1224 = arith.constant 2 : i32
      %dma_wait3A_1225 = arith.constant 0 : i32
      %dma_wait3A_1226 = arith.constant 0 : i32
      %dma_wait3A_1227 = tpu.memref_slice %arg6[%dma_wait3A_1224, %dma_wait3A_1225, %dma_wait3A_1226] : memref<4x80x128xf32, #tpu.memory_space<vmem>> -> memref<1x80x128xf32, #tpu.memory_space<vmem>>
      %dma_wait3A_1228 = tpu.memref_squeeze %dma_wait3A_1227 : memref<1x80x128xf32, #tpu.memory_space<vmem>> -> memref<80x128xf32, #tpu.memory_space<vmem>>
      %dma_wait3A_1229 = arith.constant 0 : i32
      %dma_wait3A_1230 = tpu.memref_slice %arg5[%dma_wait3A_1223, %dma_wait3A_1229] : memref<48x80xi32, #tpu.memory_space<vmem>> -> memref<1x80xi32, #tpu.memory_space<vmem>>
      %dma_wait3A_1231 = tpu.memref_squeeze %dma_wait3A_1230 : memref<1x80xi32, #tpu.memory_space<vmem>> -> memref<80xi32, #tpu.memory_space<vmem>>
      %dma_wait3A_1232 = arith.constant 0 : i32
      %dma_wait3A_1233 = arith.constant 0 : i32
      %dma_wait3A_1234 = tpu.memref_slice %arg2[%dma_wait3A_1232, %dma_wait3A_1233] : memref<10240x128xf32, #tpu.memory_space<hbm>> -> memref<10240x128xf32, #tpu.memory_space<hbm>>
      tpu.wait_indirect_dma semaphore(%arg15 : memref<!tpu.dma_semaphore, #tpu.memory_space<semaphore_mem>>) src(%dma_wait3A_1234 : memref<10240x128xf32, #tpu.memory_space<hbm>>) dst(%dma_wait3A_1228 : memref<80x128xf32, #tpu.memory_space<vmem>>)
      %dma_start3A_1235 = arith.constant 2 : i32
      %dma_start3A_1236 = arith.constant 33 : i32
      %dma_start3A_1237 = arith.constant 0 : i32
      %dma_start3A_1238 = arith.constant 0 : i32
      %dma_start3A_1239 = tpu.memref_slice %arg6[%dma_start3A_1235, %dma_start3A_1237, %dma_start3A_1238] : memref<4x80x128xf32, #tpu.memory_space<vmem>> -> memref<1x80x128xf32, #tpu.memory_space<vmem>>
      %dma_start3A_1240 = tpu.memref_squeeze %dma_start3A_1239 : memref<1x80x128xf32, #tpu.memory_space<vmem>> -> memref<80x128xf32, #tpu.memory_space<vmem>>
      %dma_start3A_1241 = arith.constant 0 : i32
      %dma_start3A_1242 = tpu.memref_slice %arg5[%dma_start3A_1236, %dma_start3A_1241] : memref<48x80xi32, #tpu.memory_space<vmem>> -> memref<1x80xi32, #tpu.memory_space<vmem>>
      %dma_start3A_1243 = tpu.memref_squeeze %dma_start3A_1242 : memref<1x80xi32, #tpu.memory_space<vmem>> -> memref<80xi32, #tpu.memory_space<vmem>>
      %dma_start3A_1244 = arith.constant 0 : i32
      %dma_start3A_1245 = arith.constant 0 : i32
      %dma_start3A_1246 = tpu.memref_slice %arg21[%dma_start3A_1244, %dma_start3A_1245] : memref<10240x128xf32, #tpu.memory_space<vmem_shared>> -> memref<10240x128xf32, #tpu.memory_space<vmem_shared>>
      tpu.enqueue_indirect_dma source(%dma_start3A_1240 : memref<80x128xf32, #tpu.memory_space<vmem>>) target(%dma_start3A_1246 : memref<10240x128xf32, #tpu.memory_space<vmem_shared>>) offsets(%dma_start3A_1243 : memref<80xi32, #tpu.memory_space<vmem>>) semaphore(%arg19 : memref<!tpu.dma_semaphore, #tpu.memory_space<semaphore_mem>>) {add = true}
      %add3A_1247 = arith.constant 11 : i32
      %add3A_1248 = arith.addi %add3A_424, %add3A_1247 : i32
      %ge3A_1249 = arith.constant 2 : i32
      %ge3A_1250 = arith.cmpi sge, %add3A_1248, %ge3A_1249 : i32
      %convert_element_type3A_1251 = arith.extui %ge3A_1250 : i1 to i32
      %cond3A_1252 = arith.constant 0 : i32
      %cond3A_1253 = arith.cmpi ne, %convert_element_type3A_1251, %cond3A_1252 : i32
      scf.if %cond3A_1253 {
        %dma_wait3A_1322 = arith.constant 1 : i32
        %dma_wait3A_1323 = arith.constant 25 : i32
        %dma_wait3A_1324 = arith.constant 0 : i32
        %dma_wait3A_1325 = arith.constant 0 : i32
        %dma_wait3A_1326 = tpu.memref_slice %arg6[%dma_wait3A_1322, %dma_wait3A_1324, %dma_wait3A_1325] : memref<4x80x128xf32, #tpu.memory_space<vmem>> -> memref<1x80x128xf32, #tpu.memory_space<vmem>>
        %dma_wait3A_1327 = tpu.memref_squeeze %dma_wait3A_1326 : memref<1x80x128xf32, #tpu.memory_space<vmem>> -> memref<80x128xf32, #tpu.memory_space<vmem>>
        %dma_wait3A_1328 = arith.constant 0 : i32
        %dma_wait3A_1329 = tpu.memref_slice %arg5[%dma_wait3A_1323, %dma_wait3A_1328] : memref<48x80xi32, #tpu.memory_space<vmem>> -> memref<1x80xi32, #tpu.memory_space<vmem>>
        %dma_wait3A_1330 = tpu.memref_squeeze %dma_wait3A_1329 : memref<1x80xi32, #tpu.memory_space<vmem>> -> memref<80xi32, #tpu.memory_space<vmem>>
        %dma_wait3A_1331 = arith.constant 0 : i32
        %dma_wait3A_1332 = arith.constant 0 : i32
        %dma_wait3A_1333 = tpu.memref_slice %arg21[%dma_wait3A_1331, %dma_wait3A_1332] : memref<10240x128xf32, #tpu.memory_space<vmem_shared>> -> memref<10240x128xf32, #tpu.memory_space<vmem_shared>>
        tpu.wait_indirect_dma semaphore(%arg18 : memref<!tpu.dma_semaphore, #tpu.memory_space<semaphore_mem>>) src(%dma_wait3A_1327 : memref<80x128xf32, #tpu.memory_space<vmem>>) dst(%dma_wait3A_1333 : memref<10240x128xf32, #tpu.memory_space<vmem_shared>>)
      } else {
      }
      %add3A_1254 = arith.constant 4 : i32
      %add3A_1255 = arith.addi %add3A_1248, %add3A_1254 : i32
      %dma_start3A_1256 = arith.constant 24 : i32
      %dma_start3A_1257 = arith.constant 0 : i32
      %dma_start3A_1258 = tpu.memref_slice %arg5[%dma_start3A_1256, %dma_start3A_1257] : memref<48x80xi32, #tpu.memory_space<vmem>> -> memref<2x80xi32, #tpu.memory_space<vmem>>
      %dma_start3A_1259 = arith.constant 0 : i32
      %dma_start3A_1260 = arith.constant 0 : i32
      %dma_start3A_1261 = tpu.memref_slice %arg3[%add3A, %add3A_1255, %dma_start3A_1259, %dma_start3A_1260] : memref<32x125x2x80xi32, #tpu.memory_space<hbm>> -> memref<1x1x2x80xi32, #tpu.memory_space<hbm>>
      %dma_start3A_1262 = tpu.memref_squeeze %dma_start3A_1261 : memref<1x1x2x80xi32, #tpu.memory_space<hbm>> -> memref<2x80xi32, #tpu.memory_space<hbm>>
      %dma_start3A_1263 = arith.constant 24 : i32
      %dma_start3A_1264 = arith.constant 0 : i32
      %dma_start3A_1265 = tpu.memref_slice %arg5[%dma_start3A_1263, %dma_start3A_1264] : memref<48x80xi32, #tpu.memory_space<vmem>> -> memref<2x80xi32, #tpu.memory_space<vmem>>
      %dma_start3A_1266 = arith.constant 0 : i32
      %dma_start3A_1267 = arith.constant 0 : i32
      %dma_start3A_1268 = tpu.memref_slice %arg3[%add3A, %add3A_1255, %dma_start3A_1266, %dma_start3A_1267] : memref<32x125x2x80xi32, #tpu.memory_space<hbm>> -> memref<1x1x2x80xi32, #tpu.memory_space<hbm>>
      %dma_start3A_1269 = tpu.memref_squeeze %dma_start3A_1268 : memref<1x1x2x80xi32, #tpu.memory_space<hbm>> -> memref<2x80xi32, #tpu.memory_space<hbm>>
      tpu.enqueue_dma source(%dma_start3A_1269 : memref<2x80xi32, #tpu.memory_space<hbm>>) target(%dma_start3A_1265 : memref<2x80xi32, #tpu.memory_space<vmem>>) target_semaphore(%arg10 : memref<!tpu.dma_semaphore, #tpu.memory_space<semaphore_mem>>)
      %add3A_1270 = arith.constant 2 : i32
      %add3A_1271 = arith.addi %add3A_1248, %add3A_1270 : i32
      %dma_wait3A_1272 = arith.constant 8 : i32
      %dma_wait3A_1273 = arith.constant 0 : i32
      %dma_wait3A_1274 = tpu.memref_slice %arg5[%dma_wait3A_1272, %dma_wait3A_1273] : memref<48x80xi32, #tpu.memory_space<vmem>> -> memref<2x80xi32, #tpu.memory_space<vmem>>
      %dma_wait3A_1275 = arith.constant 0 : i32
      %dma_wait3A_1276 = arith.constant 0 : i32
      %dma_wait3A_1277 = tpu.memref_slice %arg3[%add3A, %add3A_1271, %dma_wait3A_1275, %dma_wait3A_1276] : memref<32x125x2x80xi32, #tpu.memory_space<hbm>> -> memref<1x1x2x80xi32, #tpu.memory_space<hbm>>
      %dma_wait3A_1278 = tpu.memref_squeeze %dma_wait3A_1277 : memref<1x1x2x80xi32, #tpu.memory_space<hbm>> -> memref<2x80xi32, #tpu.memory_space<hbm>>
      %dma_wait3A_1279 = arith.constant 8 : i32
      %dma_wait3A_1280 = arith.constant 0 : i32
      %dma_wait3A_1281 = tpu.memref_slice %arg5[%dma_wait3A_1279, %dma_wait3A_1280] : memref<48x80xi32, #tpu.memory_space<vmem>> -> memref<2x80xi32, #tpu.memory_space<vmem>>
      %dma_wait3A_1282 = arith.constant 0 : i32
      %dma_wait3A_1283 = arith.constant 0 : i32
      %dma_wait3A_1284 = tpu.memref_slice %arg3[%add3A, %add3A_1271, %dma_wait3A_1282, %dma_wait3A_1283] : memref<32x125x2x80xi32, #tpu.memory_space<hbm>> -> memref<1x1x2x80xi32, #tpu.memory_space<hbm>>
      %dma_wait3A_1285 = tpu.memref_squeeze %dma_wait3A_1284 : memref<1x1x2x80xi32, #tpu.memory_space<hbm>> -> memref<2x80xi32, #tpu.memory_space<hbm>>
      tpu.wait_dma2 semaphore(%arg8 : memref<!tpu.dma_semaphore, #tpu.memory_space<semaphore_mem>>) src(%dma_wait3A_1285 : memref<2x80xi32, #tpu.memory_space<hbm>>) dst(%dma_wait3A_1281 : memref<2x80xi32, #tpu.memory_space<vmem>>)
      %dma_start3A_1286 = arith.constant 8 : i32
      %dma_start3A_1287 = arith.constant 1 : i32
      %dma_start3A_1288 = arith.constant 0 : i32
      %dma_start3A_1289 = arith.constant 0 : i32
      %dma_start3A_1290 = tpu.memref_slice %arg6[%dma_start3A_1287, %dma_start3A_1288, %dma_start3A_1289] : memref<4x80x128xf32, #tpu.memory_space<vmem>> -> memref<1x80x128xf32, #tpu.memory_space<vmem>>
      %dma_start3A_1291 = tpu.memref_squeeze %dma_start3A_1290 : memref<1x80x128xf32, #tpu.memory_space<vmem>> -> memref<80x128xf32, #tpu.memory_space<vmem>>
      %dma_start3A_1292 = arith.constant 0 : i32
      %dma_start3A_1293 = tpu.memref_slice %arg5[%dma_start3A_1286, %dma_start3A_1292] : memref<48x80xi32, #tpu.memory_space<vmem>> -> memref<1x80xi32, #tpu.memory_space<vmem>>
      %dma_start3A_1294 = tpu.memref_squeeze %dma_start3A_1293 : memref<1x80xi32, #tpu.memory_space<vmem>> -> memref<80xi32, #tpu.memory_space<vmem>>
      %dma_start3A_1295 = arith.constant 0 : i32
      %dma_start3A_1296 = arith.constant 0 : i32
      %dma_start3A_1297 = tpu.memref_slice %arg2[%dma_start3A_1295, %dma_start3A_1296] : memref<10240x128xf32, #tpu.memory_space<hbm>> -> memref<10240x128xf32, #tpu.memory_space<hbm>>
      tpu.enqueue_indirect_dma source(%dma_start3A_1297 : memref<10240x128xf32, #tpu.memory_space<hbm>>) target(%dma_start3A_1291 : memref<80x128xf32, #tpu.memory_space<vmem>>) offsets(%dma_start3A_1294 : memref<80xi32, #tpu.memory_space<vmem>>) semaphore(%arg14 : memref<!tpu.dma_semaphore, #tpu.memory_space<semaphore_mem>>)
      %dma_wait3A_1298 = arith.constant 40 : i32
      %dma_wait3A_1299 = arith.constant 3 : i32
      %dma_wait3A_1300 = arith.constant 0 : i32
      %dma_wait3A_1301 = arith.constant 0 : i32
      %dma_wait3A_1302 = tpu.memref_slice %arg6[%dma_wait3A_1299, %dma_wait3A_1300, %dma_wait3A_1301] : memref<4x80x128xf32, #tpu.memory_space<vmem>> -> memref<1x80x128xf32, #tpu.memory_space<vmem>>
      %dma_wait3A_1303 = tpu.memref_squeeze %dma_wait3A_1302 : memref<1x80x128xf32, #tpu.memory_space<vmem>> -> memref<80x128xf32, #tpu.memory_space<vmem>>
      %dma_wait3A_1304 = arith.constant 0 : i32
      %dma_wait3A_1305 = tpu.memref_slice %arg5[%dma_wait3A_1298, %dma_wait3A_1304] : memref<48x80xi32, #tpu.memory_space<vmem>> -> memref<1x80xi32, #tpu.memory_space<vmem>>
      %dma_wait3A_1306 = tpu.memref_squeeze %dma_wait3A_1305 : memref<1x80xi32, #tpu.memory_space<vmem>> -> memref<80xi32, #tpu.memory_space<vmem>>
      %dma_wait3A_1307 = arith.constant 0 : i32
      %dma_wait3A_1308 = arith.constant 0 : i32
      %dma_wait3A_1309 = tpu.memref_slice %arg2[%dma_wait3A_1307, %dma_wait3A_1308] : memref<10240x128xf32, #tpu.memory_space<hbm>> -> memref<10240x128xf32, #tpu.memory_space<hbm>>
      tpu.wait_indirect_dma semaphore(%arg16 : memref<!tpu.dma_semaphore, #tpu.memory_space<semaphore_mem>>) src(%dma_wait3A_1309 : memref<10240x128xf32, #tpu.memory_space<hbm>>) dst(%dma_wait3A_1303 : memref<80x128xf32, #tpu.memory_space<vmem>>)
      %dma_start3A_1310 = arith.constant 3 : i32
      %dma_start3A_1311 = arith.constant 41 : i32
      %dma_start3A_1312 = arith.constant 0 : i32
      %dma_start3A_1313 = arith.constant 0 : i32
      %dma_start3A_1314 = tpu.memref_slice %arg6[%dma_start3A_1310, %dma_start3A_1312, %dma_start3A_1313] : memref<4x80x128xf32, #tpu.memory_space<vmem>> -> memref<1x80x128xf32, #tpu.memory_space<vmem>>
      %dma_start3A_1315 = tpu.memref_squeeze %dma_start3A_1314 : memref<1x80x128xf32, #tpu.memory_space<vmem>> -> memref<80x128xf32, #tpu.memory_space<vmem>>
      %dma_start3A_1316 = arith.constant 0 : i32
      %dma_start3A_1317 = tpu.memref_slice %arg5[%dma_start3A_1311, %dma_start3A_1316] : memref<48x80xi32, #tpu.memory_space<vmem>> -> memref<1x80xi32, #tpu.memory_space<vmem>>
      %dma_start3A_1318 = tpu.memref_squeeze %dma_start3A_1317 : memref<1x80xi32, #tpu.memory_space<vmem>> -> memref<80xi32, #tpu.memory_space<vmem>>
      %dma_start3A_1319 = arith.constant 0 : i32
      %dma_start3A_1320 = arith.constant 0 : i32
      %dma_start3A_1321 = tpu.memref_slice %arg21[%dma_start3A_1319, %dma_start3A_1320] : memref<10240x128xf32, #tpu.memory_space<vmem_shared>> -> memref<10240x128xf32, #tpu.memory_space<vmem_shared>>
      tpu.enqueue_indirect_dma source(%dma_start3A_1315 : memref<80x128xf32, #tpu.memory_space<vmem>>) target(%dma_start3A_1321 : memref<10240x128xf32, #tpu.memory_space<vmem_shared>>) offsets(%dma_start3A_1318 : memref<80xi32, #tpu.memory_space<vmem>>) semaphore(%arg20 : memref<!tpu.dma_semaphore, #tpu.memory_space<semaphore_mem>>) {add = true}
    }
    %scan3A_118 = arith.constant 10 : i32
    %dma_wait3A_119 = arith.constant 2 : i32
    %dma_wait3A_120 = arith.constant 33 : i32
    %dma_wait3A_121 = arith.constant 0 : i32
    %dma_wait3A_122 = arith.constant 0 : i32
    %dma_wait3A_123 = tpu.memref_slice %arg6[%dma_wait3A_119, %dma_wait3A_121, %dma_wait3A_122] : memref<4x80x128xf32, #tpu.memory_space<vmem>> -> memref<1x80x128xf32, #tpu.memory_space<vmem>>
    %dma_wait3A_124 = tpu.memref_squeeze %dma_wait3A_123 : memref<1x80x128xf32, #tpu.memory_space<vmem>> -> memref<80x128xf32, #tpu.memory_space<vmem>>
    %dma_wait3A_125 = arith.constant 0 : i32
    %dma_wait3A_126 = tpu.memref_slice %arg5[%dma_wait3A_120, %dma_wait3A_125] : memref<48x80xi32, #tpu.memory_space<vmem>> -> memref<1x80xi32, #tpu.memory_space<vmem>>
    %dma_wait3A_127 = tpu.memref_squeeze %dma_wait3A_126 : memref<1x80xi32, #tpu.memory_space<vmem>> -> memref<80xi32, #tpu.memory_space<vmem>>
    %dma_wait3A_128 = arith.constant 0 : i32
    %dma_wait3A_129 = arith.constant 0 : i32
    %dma_wait3A_130 = tpu.memref_slice %arg21[%dma_wait3A_128, %dma_wait3A_129] : memref<10240x128xf32, #tpu.memory_space<vmem_shared>> -> memref<10240x128xf32, #tpu.memory_space<vmem_shared>>
    tpu.wait_indirect_dma semaphore(%arg19 : memref<!tpu.dma_semaphore, #tpu.memory_space<semaphore_mem>>) src(%dma_wait3A_124 : memref<80x128xf32, #tpu.memory_space<vmem>>) dst(%dma_wait3A_130 : memref<10240x128xf32, #tpu.memory_space<vmem_shared>>)
    %dma_start3A_131 = arith.constant 124 : i32
    %dma_start3A_132 = arith.constant 32 : i32
    %dma_start3A_133 = arith.constant 0 : i32
    %dma_start3A_134 = tpu.memref_slice %arg5[%dma_start3A_132, %dma_start3A_133] : memref<48x80xi32, #tpu.memory_space<vmem>> -> memref<2x80xi32, #tpu.memory_space<vmem>>
    %dma_start3A_135 = arith.constant 0 : i32
    %dma_start3A_136 = arith.constant 0 : i32
    %dma_start3A_137 = tpu.memref_slice %arg3[%add3A, %dma_start3A_131, %dma_start3A_135, %dma_start3A_136] : memref<32x125x2x80xi32, #tpu.memory_space<hbm>> -> memref<1x1x2x80xi32, #tpu.memory_space<hbm>>
    %dma_start3A_138 = tpu.memref_squeeze %dma_start3A_137 : memref<1x1x2x80xi32, #tpu.memory_space<hbm>> -> memref<2x80xi32, #tpu.memory_space<hbm>>
    %dma_start3A_139 = arith.constant 32 : i32
    %dma_start3A_140 = arith.constant 0 : i32
    %dma_start3A_141 = tpu.memref_slice %arg5[%dma_start3A_139, %dma_start3A_140] : memref<48x80xi32, #tpu.memory_space<vmem>> -> memref<2x80xi32, #tpu.memory_space<vmem>>
    %dma_start3A_142 = arith.constant 0 : i32
    %dma_start3A_143 = arith.constant 0 : i32
    %dma_start3A_144 = tpu.memref_slice %arg3[%add3A, %dma_start3A_131, %dma_start3A_142, %dma_start3A_143] : memref<32x125x2x80xi32, #tpu.memory_space<hbm>> -> memref<1x1x2x80xi32, #tpu.memory_space<hbm>>
    %dma_start3A_145 = tpu.memref_squeeze %dma_start3A_144 : memref<1x1x2x80xi32, #tpu.memory_space<hbm>> -> memref<2x80xi32, #tpu.memory_space<hbm>>
    tpu.enqueue_dma source(%dma_start3A_145 : memref<2x80xi32, #tpu.memory_space<hbm>>) target(%dma_start3A_141 : memref<2x80xi32, #tpu.memory_space<vmem>>) target_semaphore(%arg11 : memref<!tpu.dma_semaphore, #tpu.memory_space<semaphore_mem>>)
    %dma_wait3A_146 = arith.constant 122 : i32
    %dma_wait3A_147 = arith.constant 16 : i32
    %dma_wait3A_148 = arith.constant 0 : i32
    %dma_wait3A_149 = tpu.memref_slice %arg5[%dma_wait3A_147, %dma_wait3A_148] : memref<48x80xi32, #tpu.memory_space<vmem>> -> memref<2x80xi32, #tpu.memory_space<vmem>>
    %dma_wait3A_150 = arith.constant 0 : i32
    %dma_wait3A_151 = arith.constant 0 : i32
    %dma_wait3A_152 = tpu.memref_slice %arg3[%add3A, %dma_wait3A_146, %dma_wait3A_150, %dma_wait3A_151] : memref<32x125x2x80xi32, #tpu.memory_space<hbm>> -> memref<1x1x2x80xi32, #tpu.memory_space<hbm>>
    %dma_wait3A_153 = tpu.memref_squeeze %dma_wait3A_152 : memref<1x1x2x80xi32, #tpu.memory_space<hbm>> -> memref<2x80xi32, #tpu.memory_space<hbm>>
    %dma_wait3A_154 = arith.constant 16 : i32
    %dma_wait3A_155 = arith.constant 0 : i32
    %dma_wait3A_156 = tpu.memref_slice %arg5[%dma_wait3A_154, %dma_wait3A_155] : memref<48x80xi32, #tpu.memory_space<vmem>> -> memref<2x80xi32, #tpu.memory_space<vmem>>
    %dma_wait3A_157 = arith.constant 0 : i32
    %dma_wait3A_158 = arith.constant 0 : i32
    %dma_wait3A_159 = tpu.memref_slice %arg3[%add3A, %dma_wait3A_146, %dma_wait3A_157, %dma_wait3A_158] : memref<32x125x2x80xi32, #tpu.memory_space<hbm>> -> memref<1x1x2x80xi32, #tpu.memory_space<hbm>>
    %dma_wait3A_160 = tpu.memref_squeeze %dma_wait3A_159 : memref<1x1x2x80xi32, #tpu.memory_space<hbm>> -> memref<2x80xi32, #tpu.memory_space<hbm>>
    tpu.wait_dma2 semaphore(%arg9 : memref<!tpu.dma_semaphore, #tpu.memory_space<semaphore_mem>>) src(%dma_wait3A_160 : memref<2x80xi32, #tpu.memory_space<hbm>>) dst(%dma_wait3A_156 : memref<2x80xi32, #tpu.memory_space<vmem>>)
    %dma_start3A_161 = arith.constant 16 : i32
    %dma_start3A_162 = arith.constant 2 : i32
    %dma_start3A_163 = arith.constant 0 : i32
    %dma_start3A_164 = arith.constant 0 : i32
    %dma_start3A_165 = tpu.memref_slice %arg6[%dma_start3A_162, %dma_start3A_163, %dma_start3A_164] : memref<4x80x128xf32, #tpu.memory_space<vmem>> -> memref<1x80x128xf32, #tpu.memory_space<vmem>>
    %dma_start3A_166 = tpu.memref_squeeze %dma_start3A_165 : memref<1x80x128xf32, #tpu.memory_space<vmem>> -> memref<80x128xf32, #tpu.memory_space<vmem>>
    %dma_start3A_167 = arith.constant 0 : i32
    %dma_start3A_168 = tpu.memref_slice %arg5[%dma_start3A_161, %dma_start3A_167] : memref<48x80xi32, #tpu.memory_space<vmem>> -> memref<1x80xi32, #tpu.memory_space<vmem>>
    %dma_start3A_169 = tpu.memref_squeeze %dma_start3A_168 : memref<1x80xi32, #tpu.memory_space<vmem>> -> memref<80xi32, #tpu.memory_space<vmem>>
    %dma_start3A_170 = arith.constant 0 : i32
    %dma_start3A_171 = arith.constant 0 : i32
    %dma_start3A_172 = tpu.memref_slice %arg2[%dma_start3A_170, %dma_start3A_171] : memref<10240x128xf32, #tpu.memory_space<hbm>> -> memref<10240x128xf32, #tpu.memory_space<hbm>>
    tpu.enqueue_indirect_dma source(%dma_start3A_172 : memref<10240x128xf32, #tpu.memory_space<hbm>>) target(%dma_start3A_166 : memref<80x128xf32, #tpu.memory_space<vmem>>) offsets(%dma_start3A_169 : memref<80xi32, #tpu.memory_space<vmem>>) semaphore(%arg15 : memref<!tpu.dma_semaphore, #tpu.memory_space<semaphore_mem>>)
    %dma_wait3A_173 = arith.constant 0 : i32
    %dma_wait3A_174 = arith.constant 0 : i32
    %dma_wait3A_175 = arith.constant 0 : i32
    %dma_wait3A_176 = arith.constant 0 : i32
    %dma_wait3A_177 = tpu.memref_slice %arg6[%dma_wait3A_174, %dma_wait3A_175, %dma_wait3A_176] : memref<4x80x128xf32, #tpu.memory_space<vmem>> -> memref<1x80x128xf32, #tpu.memory_space<vmem>>
    %dma_wait3A_178 = tpu.memref_squeeze %dma_wait3A_177 : memref<1x80x128xf32, #tpu.memory_space<vmem>> -> memref<80x128xf32, #tpu.memory_space<vmem>>
    %dma_wait3A_179 = arith.constant 0 : i32
    %dma_wait3A_180 = tpu.memref_slice %arg5[%dma_wait3A_173, %dma_wait3A_179] : memref<48x80xi32, #tpu.memory_space<vmem>> -> memref<1x80xi32, #tpu.memory_space<vmem>>
    %dma_wait3A_181 = tpu.memref_squeeze %dma_wait3A_180 : memref<1x80xi32, #tpu.memory_space<vmem>> -> memref<80xi32, #tpu.memory_space<vmem>>
    %dma_wait3A_182 = arith.constant 0 : i32
    %dma_wait3A_183 = arith.constant 0 : i32
    %dma_wait3A_184 = tpu.memref_slice %arg2[%dma_wait3A_182, %dma_wait3A_183] : memref<10240x128xf32, #tpu.memory_space<hbm>> -> memref<10240x128xf32, #tpu.memory_space<hbm>>
    tpu.wait_indirect_dma semaphore(%arg13 : memref<!tpu.dma_semaphore, #tpu.memory_space<semaphore_mem>>) src(%dma_wait3A_184 : memref<10240x128xf32, #tpu.memory_space<hbm>>) dst(%dma_wait3A_178 : memref<80x128xf32, #tpu.memory_space<vmem>>)
    %dma_start3A_185 = arith.constant 0 : i32
    %dma_start3A_186 = arith.constant 1 : i32
    %dma_start3A_187 = arith.constant 0 : i32
    %dma_start3A_188 = arith.constant 0 : i32
    %dma_start3A_189 = tpu.memref_slice %arg6[%dma_start3A_185, %dma_start3A_187, %dma_start3A_188] : memref<4x80x128xf32, #tpu.memory_space<vmem>> -> memref<1x80x128xf32, #tpu.memory_space<vmem>>
    %dma_start3A_190 = tpu.memref_squeeze %dma_start3A_189 : memref<1x80x128xf32, #tpu.memory_space<vmem>> -> memref<80x128xf32, #tpu.memory_space<vmem>>
    %dma_start3A_191 = arith.constant 0 : i32
    %dma_start3A_192 = tpu.memref_slice %arg5[%dma_start3A_186, %dma_start3A_191] : memref<48x80xi32, #tpu.memory_space<vmem>> -> memref<1x80xi32, #tpu.memory_space<vmem>>
    %dma_start3A_193 = tpu.memref_squeeze %dma_start3A_192 : memref<1x80xi32, #tpu.memory_space<vmem>> -> memref<80xi32, #tpu.memory_space<vmem>>
    %dma_start3A_194 = arith.constant 0 : i32
    %dma_start3A_195 = arith.constant 0 : i32
    %dma_start3A_196 = tpu.memref_slice %arg21[%dma_start3A_194, %dma_start3A_195] : memref<10240x128xf32, #tpu.memory_space<vmem_shared>> -> memref<10240x128xf32, #tpu.memory_space<vmem_shared>>
    tpu.enqueue_indirect_dma source(%dma_start3A_190 : memref<80x128xf32, #tpu.memory_space<vmem>>) target(%dma_start3A_196 : memref<10240x128xf32, #tpu.memory_space<vmem_shared>>) offsets(%dma_start3A_193 : memref<80xi32, #tpu.memory_space<vmem>>) semaphore(%arg17 : memref<!tpu.dma_semaphore, #tpu.memory_space<semaphore_mem>>) {add = true}
    %dma_wait3A_197 = arith.constant 3 : i32
    %dma_wait3A_198 = arith.constant 41 : i32
    %dma_wait3A_199 = arith.constant 0 : i32
    %dma_wait3A_200 = arith.constant 0 : i32
    %dma_wait3A_201 = tpu.memref_slice %arg6[%dma_wait3A_197, %dma_wait3A_199, %dma_wait3A_200] : memref<4x80x128xf32, #tpu.memory_space<vmem>> -> memref<1x80x128xf32, #tpu.memory_space<vmem>>
    %dma_wait3A_202 = tpu.memref_squeeze %dma_wait3A_201 : memref<1x80x128xf32, #tpu.memory_space<vmem>> -> memref<80x128xf32, #tpu.memory_space<vmem>>
    %dma_wait3A_203 = arith.constant 0 : i32
    %dma_wait3A_204 = tpu.memref_slice %arg5[%dma_wait3A_198, %dma_wait3A_203] : memref<48x80xi32, #tpu.memory_space<vmem>> -> memref<1x80xi32, #tpu.memory_space<vmem>>
    %dma_wait3A_205 = tpu.memref_squeeze %dma_wait3A_204 : memref<1x80xi32, #tpu.memory_space<vmem>> -> memref<80xi32, #tpu.memory_space<vmem>>
    %dma_wait3A_206 = arith.constant 0 : i32
    %dma_wait3A_207 = arith.constant 0 : i32
    %dma_wait3A_208 = tpu.memref_slice %arg21[%dma_wait3A_206, %dma_wait3A_207] : memref<10240x128xf32, #tpu.memory_space<vmem_shared>> -> memref<10240x128xf32, #tpu.memory_space<vmem_shared>>
    tpu.wait_indirect_dma semaphore(%arg20 : memref<!tpu.dma_semaphore, #tpu.memory_space<semaphore_mem>>) src(%dma_wait3A_202 : memref<80x128xf32, #tpu.memory_space<vmem>>) dst(%dma_wait3A_208 : memref<10240x128xf32, #tpu.memory_space<vmem_shared>>)
    %dma_wait3A_209 = arith.constant 123 : i32
    %dma_wait3A_210 = arith.constant 24 : i32
    %dma_wait3A_211 = arith.constant 0 : i32
    %dma_wait3A_212 = tpu.memref_slice %arg5[%dma_wait3A_210, %dma_wait3A_211] : memref<48x80xi32, #tpu.memory_space<vmem>> -> memref<2x80xi32, #tpu.memory_space<vmem>>
    %dma_wait3A_213 = arith.constant 0 : i32
    %dma_wait3A_214 = arith.constant 0 : i32
    %dma_wait3A_215 = tpu.memref_slice %arg3[%add3A, %dma_wait3A_209, %dma_wait3A_213, %dma_wait3A_214] : memref<32x125x2x80xi32, #tpu.memory_space<hbm>> -> memref<1x1x2x80xi32, #tpu.memory_space<hbm>>
    %dma_wait3A_216 = tpu.memref_squeeze %dma_wait3A_215 : memref<1x1x2x80xi32, #tpu.memory_space<hbm>> -> memref<2x80xi32, #tpu.memory_space<hbm>>
    %dma_wait3A_217 = arith.constant 24 : i32
    %dma_wait3A_218 = arith.constant 0 : i32
    %dma_wait3A_219 = tpu.memref_slice %arg5[%dma_wait3A_217, %dma_wait3A_218] : memref<48x80xi32, #tpu.memory_space<vmem>> -> memref<2x80xi32, #tpu.memory_space<vmem>>
    %dma_wait3A_220 = arith.constant 0 : i32
    %dma_wait3A_221 = arith.constant 0 : i32
    %dma_wait3A_222 = tpu.memref_slice %arg3[%add3A, %dma_wait3A_209, %dma_wait3A_220, %dma_wait3A_221] : memref<32x125x2x80xi32, #tpu.memory_space<hbm>> -> memref<1x1x2x80xi32, #tpu.memory_space<hbm>>
    %dma_wait3A_223 = tpu.memref_squeeze %dma_wait3A_222 : memref<1x1x2x80xi32, #tpu.memory_space<hbm>> -> memref<2x80xi32, #tpu.memory_space<hbm>>
    tpu.wait_dma2 semaphore(%arg10 : memref<!tpu.dma_semaphore, #tpu.memory_space<semaphore_mem>>) src(%dma_wait3A_223 : memref<2x80xi32, #tpu.memory_space<hbm>>) dst(%dma_wait3A_219 : memref<2x80xi32, #tpu.memory_space<vmem>>)
    %dma_start3A_224 = arith.constant 24 : i32
    %dma_start3A_225 = arith.constant 3 : i32
    %dma_start3A_226 = arith.constant 0 : i32
    %dma_start3A_227 = arith.constant 0 : i32
    %dma_start3A_228 = tpu.memref_slice %arg6[%dma_start3A_225, %dma_start3A_226, %dma_start3A_227] : memref<4x80x128xf32, #tpu.memory_space<vmem>> -> memref<1x80x128xf32, #tpu.memory_space<vmem>>
    %dma_start3A_229 = tpu.memref_squeeze %dma_start3A_228 : memref<1x80x128xf32, #tpu.memory_space<vmem>> -> memref<80x128xf32, #tpu.memory_space<vmem>>
    %dma_start3A_230 = arith.constant 0 : i32
    %dma_start3A_231 = tpu.memref_slice %arg5[%dma_start3A_224, %dma_start3A_230] : memref<48x80xi32, #tpu.memory_space<vmem>> -> memref<1x80xi32, #tpu.memory_space<vmem>>
    %dma_start3A_232 = tpu.memref_squeeze %dma_start3A_231 : memref<1x80xi32, #tpu.memory_space<vmem>> -> memref<80xi32, #tpu.memory_space<vmem>>
    %dma_start3A_233 = arith.constant 0 : i32
    %dma_start3A_234 = arith.constant 0 : i32
    %dma_start3A_235 = tpu.memref_slice %arg2[%dma_start3A_233, %dma_start3A_234] : memref<10240x128xf32, #tpu.memory_space<hbm>> -> memref<10240x128xf32, #tpu.memory_space<hbm>>
    tpu.enqueue_indirect_dma source(%dma_start3A_235 : memref<10240x128xf32, #tpu.memory_space<hbm>>) target(%dma_start3A_229 : memref<80x128xf32, #tpu.memory_space<vmem>>) offsets(%dma_start3A_232 : memref<80xi32, #tpu.memory_space<vmem>>) semaphore(%arg16 : memref<!tpu.dma_semaphore, #tpu.memory_space<semaphore_mem>>)
    %dma_wait3A_236 = arith.constant 8 : i32
    %dma_wait3A_237 = arith.constant 1 : i32
    %dma_wait3A_238 = arith.constant 0 : i32
    %dma_wait3A_239 = arith.constant 0 : i32
    %dma_wait3A_240 = tpu.memref_slice %arg6[%dma_wait3A_237, %dma_wait3A_238, %dma_wait3A_239] : memref<4x80x128xf32, #tpu.memory_space<vmem>> -> memref<1x80x128xf32, #tpu.memory_space<vmem>>
    %dma_wait3A_241 = tpu.memref_squeeze %dma_wait3A_240 : memref<1x80x128xf32, #tpu.memory_space<vmem>> -> memref<80x128xf32, #tpu.memory_space<vmem>>
    %dma_wait3A_242 = arith.constant 0 : i32
    %dma_wait3A_243 = tpu.memref_slice %arg5[%dma_wait3A_236, %dma_wait3A_242] : memref<48x80xi32, #tpu.memory_space<vmem>> -> memref<1x80xi32, #tpu.memory_space<vmem>>
    %dma_wait3A_244 = tpu.memref_squeeze %dma_wait3A_243 : memref<1x80xi32, #tpu.memory_space<vmem>> -> memref<80xi32, #tpu.memory_space<vmem>>
    %dma_wait3A_245 = arith.constant 0 : i32
    %dma_wait3A_246 = arith.constant 0 : i32
    %dma_wait3A_247 = tpu.memref_slice %arg2[%dma_wait3A_245, %dma_wait3A_246] : memref<10240x128xf32, #tpu.memory_space<hbm>> -> memref<10240x128xf32, #tpu.memory_space<hbm>>
    tpu.wait_indirect_dma semaphore(%arg14 : memref<!tpu.dma_semaphore, #tpu.memory_space<semaphore_mem>>) src(%dma_wait3A_247 : memref<10240x128xf32, #tpu.memory_space<hbm>>) dst(%dma_wait3A_241 : memref<80x128xf32, #tpu.memory_space<vmem>>)
    %dma_start3A_248 = arith.constant 1 : i32
    %dma_start3A_249 = arith.constant 9 : i32
    %dma_start3A_250 = arith.constant 0 : i32
    %dma_start3A_251 = arith.constant 0 : i32
    %dma_start3A_252 = tpu.memref_slice %arg6[%dma_start3A_248, %dma_start3A_250, %dma_start3A_251] : memref<4x80x128xf32, #tpu.memory_space<vmem>> -> memref<1x80x128xf32, #tpu.memory_space<vmem>>
    %dma_start3A_253 = tpu.memref_squeeze %dma_start3A_252 : memref<1x80x128xf32, #tpu.memory_space<vmem>> -> memref<80x128xf32, #tpu.memory_space<vmem>>
    %dma_start3A_254 = arith.constant 0 : i32
    %dma_start3A_255 = tpu.memref_slice %arg5[%dma_start3A_249, %dma_start3A_254] : memref<48x80xi32, #tpu.memory_space<vmem>> -> memref<1x80xi32, #tpu.memory_space<vmem>>
    %dma_start3A_256 = tpu.memref_squeeze %dma_start3A_255 : memref<1x80xi32, #tpu.memory_space<vmem>> -> memref<80xi32, #tpu.memory_space<vmem>>
    %dma_start3A_257 = arith.constant 0 : i32
    %dma_start3A_258 = arith.constant 0 : i32
    %dma_start3A_259 = tpu.memref_slice %arg21[%dma_start3A_257, %dma_start3A_258] : memref<10240x128xf32, #tpu.memory_space<vmem_shared>> -> memref<10240x128xf32, #tpu.memory_space<vmem_shared>>
    tpu.enqueue_indirect_dma source(%dma_start3A_253 : memref<80x128xf32, #tpu.memory_space<vmem>>) target(%dma_start3A_259 : memref<10240x128xf32, #tpu.memory_space<vmem_shared>>) offsets(%dma_start3A_256 : memref<80xi32, #tpu.memory_space<vmem>>) semaphore(%arg18 : memref<!tpu.dma_semaphore, #tpu.memory_space<semaphore_mem>>) {add = true}
    %dma_wait3A_260 = arith.constant 0 : i32
    %dma_wait3A_261 = arith.constant 1 : i32
    %dma_wait3A_262 = arith.constant 0 : i32
    %dma_wait3A_263 = arith.constant 0 : i32
    %dma_wait3A_264 = tpu.memref_slice %arg6[%dma_wait3A_260, %dma_wait3A_262, %dma_wait3A_263] : memref<4x80x128xf32, #tpu.memory_space<vmem>> -> memref<1x80x128xf32, #tpu.memory_space<vmem>>
    %dma_wait3A_265 = tpu.memref_squeeze %dma_wait3A_264 : memref<1x80x128xf32, #tpu.memory_space<vmem>> -> memref<80x128xf32, #tpu.memory_space<vmem>>
    %dma_wait3A_266 = arith.constant 0 : i32
    %dma_wait3A_267 = tpu.memref_slice %arg5[%dma_wait3A_261, %dma_wait3A_266] : memref<48x80xi32, #tpu.memory_space<vmem>> -> memref<1x80xi32, #tpu.memory_space<vmem>>
    %dma_wait3A_268 = tpu.memref_squeeze %dma_wait3A_267 : memref<1x80xi32, #tpu.memory_space<vmem>> -> memref<80xi32, #tpu.memory_space<vmem>>
    %dma_wait3A_269 = arith.constant 0 : i32
    %dma_wait3A_270 = arith.constant 0 : i32
    %dma_wait3A_271 = tpu.memref_slice %arg21[%dma_wait3A_269, %dma_wait3A_270] : memref<10240x128xf32, #tpu.memory_space<vmem_shared>> -> memref<10240x128xf32, #tpu.memory_space<vmem_shared>>
    tpu.wait_indirect_dma semaphore(%arg17 : memref<!tpu.dma_semaphore, #tpu.memory_space<semaphore_mem>>) src(%dma_wait3A_265 : memref<80x128xf32, #tpu.memory_space<vmem>>) dst(%dma_wait3A_271 : memref<10240x128xf32, #tpu.memory_space<vmem_shared>>)
    %dma_wait3A_272 = arith.constant 124 : i32
    %dma_wait3A_273 = arith.constant 32 : i32
    %dma_wait3A_274 = arith.constant 0 : i32
    %dma_wait3A_275 = tpu.memref_slice %arg5[%dma_wait3A_273, %dma_wait3A_274] : memref<48x80xi32, #tpu.memory_space<vmem>> -> memref<2x80xi32, #tpu.memory_space<vmem>>
    %dma_wait3A_276 = arith.constant 0 : i32
    %dma_wait3A_277 = arith.constant 0 : i32
    %dma_wait3A_278 = tpu.memref_slice %arg3[%add3A, %dma_wait3A_272, %dma_wait3A_276, %dma_wait3A_277] : memref<32x125x2x80xi32, #tpu.memory_space<hbm>> -> memref<1x1x2x80xi32, #tpu.memory_space<hbm>>
    %dma_wait3A_279 = tpu.memref_squeeze %dma_wait3A_278 : memref<1x1x2x80xi32, #tpu.memory_space<hbm>> -> memref<2x80xi32, #tpu.memory_space<hbm>>
    %dma_wait3A_280 = arith.constant 32 : i32
    %dma_wait3A_281 = arith.constant 0 : i32
    %dma_wait3A_282 = tpu.memref_slice %arg5[%dma_wait3A_280, %dma_wait3A_281] : memref<48x80xi32, #tpu.memory_space<vmem>> -> memref<2x80xi32, #tpu.memory_space<vmem>>
    %dma_wait3A_283 = arith.constant 0 : i32
    %dma_wait3A_284 = arith.constant 0 : i32
    %dma_wait3A_285 = tpu.memref_slice %arg3[%add3A, %dma_wait3A_272, %dma_wait3A_283, %dma_wait3A_284] : memref<32x125x2x80xi32, #tpu.memory_space<hbm>> -> memref<1x1x2x80xi32, #tpu.memory_space<hbm>>
    %dma_wait3A_286 = tpu.memref_squeeze %dma_wait3A_285 : memref<1x1x2x80xi32, #tpu.memory_space<hbm>> -> memref<2x80xi32, #tpu.memory_space<hbm>>
    tpu.wait_dma2 semaphore(%arg11 : memref<!tpu.dma_semaphore, #tpu.memory_space<semaphore_mem>>) src(%dma_wait3A_286 : memref<2x80xi32, #tpu.memory_space<hbm>>) dst(%dma_wait3A_282 : memref<2x80xi32, #tpu.memory_space<vmem>>)
    %dma_start3A_287 = arith.constant 32 : i32
    %dma_start3A_288 = arith.constant 0 : i32
    %dma_start3A_289 = arith.constant 0 : i32
    %dma_start3A_290 = arith.constant 0 : i32
    %dma_start3A_291 = tpu.memref_slice %arg6[%dma_start3A_288, %dma_start3A_289, %dma_start3A_290] : memref<4x80x128xf32, #tpu.memory_space<vmem>> -> memref<1x80x128xf32, #tpu.memory_space<vmem>>
    %dma_start3A_292 = tpu.memref_squeeze %dma_start3A_291 : memref<1x80x128xf32, #tpu.memory_space<vmem>> -> memref<80x128xf32, #tpu.memory_space<vmem>>
    %dma_start3A_293 = arith.constant 0 : i32
    %dma_start3A_294 = tpu.memref_slice %arg5[%dma_start3A_287, %dma_start3A_293] : memref<48x80xi32, #tpu.memory_space<vmem>> -> memref<1x80xi32, #tpu.memory_space<vmem>>
    %dma_start3A_295 = tpu.memref_squeeze %dma_start3A_294 : memref<1x80xi32, #tpu.memory_space<vmem>> -> memref<80xi32, #tpu.memory_space<vmem>>
    %dma_start3A_296 = arith.constant 0 : i32
    %dma_start3A_297 = arith.constant 0 : i32
    %dma_start3A_298 = tpu.memref_slice %arg2[%dma_start3A_296, %dma_start3A_297] : memref<10240x128xf32, #tpu.memory_space<hbm>> -> memref<10240x128xf32, #tpu.memory_space<hbm>>
    tpu.enqueue_indirect_dma source(%dma_start3A_298 : memref<10240x128xf32, #tpu.memory_space<hbm>>) target(%dma_start3A_292 : memref<80x128xf32, #tpu.memory_space<vmem>>) offsets(%dma_start3A_295 : memref<80xi32, #tpu.memory_space<vmem>>) semaphore(%arg13 : memref<!tpu.dma_semaphore, #tpu.memory_space<semaphore_mem>>)
    %dma_wait3A_299 = arith.constant 16 : i32
    %dma_wait3A_300 = arith.constant 2 : i32
    %dma_wait3A_301 = arith.constant 0 : i32
    %dma_wait3A_302 = arith.constant 0 : i32
    %dma_wait3A_303 = tpu.memref_slice %arg6[%dma_wait3A_300, %dma_wait3A_301, %dma_wait3A_302] : memref<4x80x128xf32, #tpu.memory_space<vmem>> -> memref<1x80x128xf32, #tpu.memory_space<vmem>>
    %dma_wait3A_304 = tpu.memref_squeeze %dma_wait3A_303 : memref<1x80x128xf32, #tpu.memory_space<vmem>> -> memref<80x128xf32, #tpu.memory_space<vmem>>
    %dma_wait3A_305 = arith.constant 0 : i32
    %dma_wait3A_306 = tpu.memref_slice %arg5[%dma_wait3A_299, %dma_wait3A_305] : memref<48x80xi32, #tpu.memory_space<vmem>> -> memref<1x80xi32, #tpu.memory_space<vmem>>
    %dma_wait3A_307 = tpu.memref_squeeze %dma_wait3A_306 : memref<1x80xi32, #tpu.memory_space<vmem>> -> memref<80xi32, #tpu.memory_space<vmem>>
    %dma_wait3A_308 = arith.constant 0 : i32
    %dma_wait3A_309 = arith.constant 0 : i32
    %dma_wait3A_310 = tpu.memref_slice %arg2[%dma_wait3A_308, %dma_wait3A_309] : memref<10240x128xf32, #tpu.memory_space<hbm>> -> memref<10240x128xf32, #tpu.memory_space<hbm>>
    tpu.wait_indirect_dma semaphore(%arg15 : memref<!tpu.dma_semaphore, #tpu.memory_space<semaphore_mem>>) src(%dma_wait3A_310 : memref<10240x128xf32, #tpu.memory_space<hbm>>) dst(%dma_wait3A_304 : memref<80x128xf32, #tpu.memory_space<vmem>>)
    %dma_start3A_311 = arith.constant 2 : i32
    %dma_start3A_312 = arith.constant 17 : i32
    %dma_start3A_313 = arith.constant 0 : i32
    %dma_start3A_314 = arith.constant 0 : i32
    %dma_start3A_315 = tpu.memref_slice %arg6[%dma_start3A_311, %dma_start3A_313, %dma_start3A_314] : memref<4x80x128xf32, #tpu.memory_space<vmem>> -> memref<1x80x128xf32, #tpu.memory_space<vmem>>
    %dma_start3A_316 = tpu.memref_squeeze %dma_start3A_315 : memref<1x80x128xf32, #tpu.memory_space<vmem>> -> memref<80x128xf32, #tpu.memory_space<vmem>>
    %dma_start3A_317 = arith.constant 0 : i32
    %dma_start3A_318 = tpu.memref_slice %arg5[%dma_start3A_312, %dma_start3A_317] : memref<48x80xi32, #tpu.memory_space<vmem>> -> memref<1x80xi32, #tpu.memory_space<vmem>>
    %dma_start3A_319 = tpu.memref_squeeze %dma_start3A_318 : memref<1x80xi32, #tpu.memory_space<vmem>> -> memref<80xi32, #tpu.memory_space<vmem>>
    %dma_start3A_320 = arith.constant 0 : i32
    %dma_start3A_321 = arith.constant 0 : i32
    %dma_start3A_322 = tpu.memref_slice %arg21[%dma_start3A_320, %dma_start3A_321] : memref<10240x128xf32, #tpu.memory_space<vmem_shared>> -> memref<10240x128xf32, #tpu.memory_space<vmem_shared>>
    tpu.enqueue_indirect_dma source(%dma_start3A_316 : memref<80x128xf32, #tpu.memory_space<vmem>>) target(%dma_start3A_322 : memref<10240x128xf32, #tpu.memory_space<vmem_shared>>) offsets(%dma_start3A_319 : memref<80xi32, #tpu.memory_space<vmem>>) semaphore(%arg19 : memref<!tpu.dma_semaphore, #tpu.memory_space<semaphore_mem>>) {add = true}
    %dma_wait3A_323 = arith.constant 1 : i32
    %dma_wait3A_324 = arith.constant 9 : i32
    %dma_wait3A_325 = arith.constant 0 : i32
    %dma_wait3A_326 = arith.constant 0 : i32
    %dma_wait3A_327 = tpu.memref_slice %arg6[%dma_wait3A_323, %dma_wait3A_325, %dma_wait3A_326] : memref<4x80x128xf32, #tpu.memory_space<vmem>> -> memref<1x80x128xf32, #tpu.memory_space<vmem>>
    %dma_wait3A_328 = tpu.memref_squeeze %dma_wait3A_327 : memref<1x80x128xf32, #tpu.memory_space<vmem>> -> memref<80x128xf32, #tpu.memory_space<vmem>>
    %dma_wait3A_329 = arith.constant 0 : i32
    %dma_wait3A_330 = tpu.memref_slice %arg5[%dma_wait3A_324, %dma_wait3A_329] : memref<48x80xi32, #tpu.memory_space<vmem>> -> memref<1x80xi32, #tpu.memory_space<vmem>>
    %dma_wait3A_331 = tpu.memref_squeeze %dma_wait3A_330 : memref<1x80xi32, #tpu.memory_space<vmem>> -> memref<80xi32, #tpu.memory_space<vmem>>
    %dma_wait3A_332 = arith.constant 0 : i32
    %dma_wait3A_333 = arith.constant 0 : i32
    %dma_wait3A_334 = tpu.memref_slice %arg21[%dma_wait3A_332, %dma_wait3A_333] : memref<10240x128xf32, #tpu.memory_space<vmem_shared>> -> memref<10240x128xf32, #tpu.memory_space<vmem_shared>>
    tpu.wait_indirect_dma semaphore(%arg18 : memref<!tpu.dma_semaphore, #tpu.memory_space<semaphore_mem>>) src(%dma_wait3A_328 : memref<80x128xf32, #tpu.memory_space<vmem>>) dst(%dma_wait3A_334 : memref<10240x128xf32, #tpu.memory_space<vmem_shared>>)
    %dma_wait3A_335 = arith.constant 24 : i32
    %dma_wait3A_336 = arith.constant 3 : i32
    %dma_wait3A_337 = arith.constant 0 : i32
    %dma_wait3A_338 = arith.constant 0 : i32
    %dma_wait3A_339 = tpu.memref_slice %arg6[%dma_wait3A_336, %dma_wait3A_337, %dma_wait3A_338] : memref<4x80x128xf32, #tpu.memory_space<vmem>> -> memref<1x80x128xf32, #tpu.memory_space<vmem>>
    %dma_wait3A_340 = tpu.memref_squeeze %dma_wait3A_339 : memref<1x80x128xf32, #tpu.memory_space<vmem>> -> memref<80x128xf32, #tpu.memory_space<vmem>>
    %dma_wait3A_341 = arith.constant 0 : i32
    %dma_wait3A_342 = tpu.memref_slice %arg5[%dma_wait3A_335, %dma_wait3A_341] : memref<48x80xi32, #tpu.memory_space<vmem>> -> memref<1x80xi32, #tpu.memory_space<vmem>>
    %dma_wait3A_343 = tpu.memref_squeeze %dma_wait3A_342 : memref<1x80xi32, #tpu.memory_space<vmem>> -> memref<80xi32, #tpu.memory_space<vmem>>
    %dma_wait3A_344 = arith.constant 0 : i32
    %dma_wait3A_345 = arith.constant 0 : i32
    %dma_wait3A_346 = tpu.memref_slice %arg2[%dma_wait3A_344, %dma_wait3A_345] : memref<10240x128xf32, #tpu.memory_space<hbm>> -> memref<10240x128xf32, #tpu.memory_space<hbm>>
    tpu.wait_indirect_dma semaphore(%arg16 : memref<!tpu.dma_semaphore, #tpu.memory_space<semaphore_mem>>) src(%dma_wait3A_346 : memref<10240x128xf32, #tpu.memory_space<hbm>>) dst(%dma_wait3A_340 : memref<80x128xf32, #tpu.memory_space<vmem>>)
    %dma_start3A_347 = arith.constant 3 : i32
    %dma_start3A_348 = arith.constant 25 : i32
    %dma_start3A_349 = arith.constant 0 : i32
    %dma_start3A_350 = arith.constant 0 : i32
    %dma_start3A_351 = tpu.memref_slice %arg6[%dma_start3A_347, %dma_start3A_349, %dma_start3A_350] : memref<4x80x128xf32, #tpu.memory_space<vmem>> -> memref<1x80x128xf32, #tpu.memory_space<vmem>>
    %dma_start3A_352 = tpu.memref_squeeze %dma_start3A_351 : memref<1x80x128xf32, #tpu.memory_space<vmem>> -> memref<80x128xf32, #tpu.memory_space<vmem>>
    %dma_start3A_353 = arith.constant 0 : i32
    %dma_start3A_354 = tpu.memref_slice %arg5[%dma_start3A_348, %dma_start3A_353] : memref<48x80xi32, #tpu.memory_space<vmem>> -> memref<1x80xi32, #tpu.memory_space<vmem>>
    %dma_start3A_355 = tpu.memref_squeeze %dma_start3A_354 : memref<1x80xi32, #tpu.memory_space<vmem>> -> memref<80xi32, #tpu.memory_space<vmem>>
    %dma_start3A_356 = arith.constant 0 : i32
    %dma_start3A_357 = arith.constant 0 : i32
    %dma_start3A_358 = tpu.memref_slice %arg21[%dma_start3A_356, %dma_start3A_357] : memref<10240x128xf32, #tpu.memory_space<vmem_shared>> -> memref<10240x128xf32, #tpu.memory_space<vmem_shared>>
    tpu.enqueue_indirect_dma source(%dma_start3A_352 : memref<80x128xf32, #tpu.memory_space<vmem>>) target(%dma_start3A_358 : memref<10240x128xf32, #tpu.memory_space<vmem_shared>>) offsets(%dma_start3A_355 : memref<80xi32, #tpu.memory_space<vmem>>) semaphore(%arg20 : memref<!tpu.dma_semaphore, #tpu.memory_space<semaphore_mem>>) {add = true}
    %dma_wait3A_359 = arith.constant 2 : i32
    %dma_wait3A_360 = arith.constant 17 : i32
    %dma_wait3A_361 = arith.constant 0 : i32
    %dma_wait3A_362 = arith.constant 0 : i32
    %dma_wait3A_363 = tpu.memref_slice %arg6[%dma_wait3A_359, %dma_wait3A_361, %dma_wait3A_362] : memref<4x80x128xf32, #tpu.memory_space<vmem>> -> memref<1x80x128xf32, #tpu.memory_space<vmem>>
    %dma_wait3A_364 = tpu.memref_squeeze %dma_wait3A_363 : memref<1x80x128xf32, #tpu.memory_space<vmem>> -> memref<80x128xf32, #tpu.memory_space<vmem>>
    %dma_wait3A_365 = arith.constant 0 : i32
    %dma_wait3A_366 = tpu.memref_slice %arg5[%dma_wait3A_360, %dma_wait3A_365] : memref<48x80xi32, #tpu.memory_space<vmem>> -> memref<1x80xi32, #tpu.memory_space<vmem>>
    %dma_wait3A_367 = tpu.memref_squeeze %dma_wait3A_366 : memref<1x80xi32, #tpu.memory_space<vmem>> -> memref<80xi32, #tpu.memory_space<vmem>>
    %dma_wait3A_368 = arith.constant 0 : i32
    %dma_wait3A_369 = arith.constant 0 : i32
    %dma_wait3A_370 = tpu.memref_slice %arg21[%dma_wait3A_368, %dma_wait3A_369] : memref<10240x128xf32, #tpu.memory_space<vmem_shared>> -> memref<10240x128xf32, #tpu.memory_space<vmem_shared>>
    tpu.wait_indirect_dma semaphore(%arg19 : memref<!tpu.dma_semaphore, #tpu.memory_space<semaphore_mem>>) src(%dma_wait3A_364 : memref<80x128xf32, #tpu.memory_space<vmem>>) dst(%dma_wait3A_370 : memref<10240x128xf32, #tpu.memory_space<vmem_shared>>)
    %dma_wait3A_371 = arith.constant 32 : i32
    %dma_wait3A_372 = arith.constant 0 : i32
    %dma_wait3A_373 = arith.constant 0 : i32
    %dma_wait3A_374 = arith.constant 0 : i32
    %dma_wait3A_375 = tpu.memref_slice %arg6[%dma_wait3A_372, %dma_wait3A_373, %dma_wait3A_374] : memref<4x80x128xf32, #tpu.memory_space<vmem>> -> memref<1x80x128xf32, #tpu.memory_space<vmem>>
    %dma_wait3A_376 = tpu.memref_squeeze %dma_wait3A_375 : memref<1x80x128xf32, #tpu.memory_space<vmem>> -> memref<80x128xf32, #tpu.memory_space<vmem>>
    %dma_wait3A_377 = arith.constant 0 : i32
    %dma_wait3A_378 = tpu.memref_slice %arg5[%dma_wait3A_371, %dma_wait3A_377] : memref<48x80xi32, #tpu.memory_space<vmem>> -> memref<1x80xi32, #tpu.memory_space<vmem>>
    %dma_wait3A_379 = tpu.memref_squeeze %dma_wait3A_378 : memref<1x80xi32, #tpu.memory_space<vmem>> -> memref<80xi32, #tpu.memory_space<vmem>>
    %dma_wait3A_380 = arith.constant 0 : i32
    %dma_wait3A_381 = arith.constant 0 : i32
    %dma_wait3A_382 = tpu.memref_slice %arg2[%dma_wait3A_380, %dma_wait3A_381] : memref<10240x128xf32, #tpu.memory_space<hbm>> -> memref<10240x128xf32, #tpu.memory_space<hbm>>
    tpu.wait_indirect_dma semaphore(%arg13 : memref<!tpu.dma_semaphore, #tpu.memory_space<semaphore_mem>>) src(%dma_wait3A_382 : memref<10240x128xf32, #tpu.memory_space<hbm>>) dst(%dma_wait3A_376 : memref<80x128xf32, #tpu.memory_space<vmem>>)
    %dma_start3A_383 = arith.constant 0 : i32
    %dma_start3A_384 = arith.constant 33 : i32
    %dma_start3A_385 = arith.constant 0 : i32
    %dma_start3A_386 = arith.constant 0 : i32
    %dma_start3A_387 = tpu.memref_slice %arg6[%dma_start3A_383, %dma_start3A_385, %dma_start3A_386] : memref<4x80x128xf32, #tpu.memory_space<vmem>> -> memref<1x80x128xf32, #tpu.memory_space<vmem>>
    %dma_start3A_388 = tpu.memref_squeeze %dma_start3A_387 : memref<1x80x128xf32, #tpu.memory_space<vmem>> -> memref<80x128xf32, #tpu.memory_space<vmem>>
    %dma_start3A_389 = arith.constant 0 : i32
    %dma_start3A_390 = tpu.memref_slice %arg5[%dma_start3A_384, %dma_start3A_389] : memref<48x80xi32, #tpu.memory_space<vmem>> -> memref<1x80xi32, #tpu.memory_space<vmem>>
    %dma_start3A_391 = tpu.memref_squeeze %dma_start3A_390 : memref<1x80xi32, #tpu.memory_space<vmem>> -> memref<80xi32, #tpu.memory_space<vmem>>
    %dma_start3A_392 = arith.constant 0 : i32
    %dma_start3A_393 = arith.constant 0 : i32
    %dma_start3A_394 = tpu.memref_slice %arg21[%dma_start3A_392, %dma_start3A_393] : memref<10240x128xf32, #tpu.memory_space<vmem_shared>> -> memref<10240x128xf32, #tpu.memory_space<vmem_shared>>
    tpu.enqueue_indirect_dma source(%dma_start3A_388 : memref<80x128xf32, #tpu.memory_space<vmem>>) target(%dma_start3A_394 : memref<10240x128xf32, #tpu.memory_space<vmem_shared>>) offsets(%dma_start3A_391 : memref<80xi32, #tpu.memory_space<vmem>>) semaphore(%arg17 : memref<!tpu.dma_semaphore, #tpu.memory_space<semaphore_mem>>) {add = true}
    %dma_wait3A_395 = arith.constant 3 : i32
    %dma_wait3A_396 = arith.constant 25 : i32
    %dma_wait3A_397 = arith.constant 0 : i32
    %dma_wait3A_398 = arith.constant 0 : i32
    %dma_wait3A_399 = tpu.memref_slice %arg6[%dma_wait3A_395, %dma_wait3A_397, %dma_wait3A_398] : memref<4x80x128xf32, #tpu.memory_space<vmem>> -> memref<1x80x128xf32, #tpu.memory_space<vmem>>
    %dma_wait3A_400 = tpu.memref_squeeze %dma_wait3A_399 : memref<1x80x128xf32, #tpu.memory_space<vmem>> -> memref<80x128xf32, #tpu.memory_space<vmem>>
    %dma_wait3A_401 = arith.constant 0 : i32
    %dma_wait3A_402 = tpu.memref_slice %arg5[%dma_wait3A_396, %dma_wait3A_401] : memref<48x80xi32, #tpu.memory_space<vmem>> -> memref<1x80xi32, #tpu.memory_space<vmem>>
    %dma_wait3A_403 = tpu.memref_squeeze %dma_wait3A_402 : memref<1x80xi32, #tpu.memory_space<vmem>> -> memref<80xi32, #tpu.memory_space<vmem>>
    %dma_wait3A_404 = arith.constant 0 : i32
    %dma_wait3A_405 = arith.constant 0 : i32
    %dma_wait3A_406 = tpu.memref_slice %arg21[%dma_wait3A_404, %dma_wait3A_405] : memref<10240x128xf32, #tpu.memory_space<vmem_shared>> -> memref<10240x128xf32, #tpu.memory_space<vmem_shared>>
    tpu.wait_indirect_dma semaphore(%arg20 : memref<!tpu.dma_semaphore, #tpu.memory_space<semaphore_mem>>) src(%dma_wait3A_400 : memref<80x128xf32, #tpu.memory_space<vmem>>) dst(%dma_wait3A_406 : memref<10240x128xf32, #tpu.memory_space<vmem_shared>>)
    %dma_wait3A_407 = arith.constant 0 : i32
    %dma_wait3A_408 = arith.constant 33 : i32
    %dma_wait3A_409 = arith.constant 0 : i32
    %dma_wait3A_410 = arith.constant 0 : i32
    %dma_wait3A_411 = tpu.memref_slice %arg6[%dma_wait3A_407, %dma_wait3A_409, %dma_wait3A_410] : memref<4x80x128xf32, #tpu.memory_space<vmem>> -> memref<1x80x128xf32, #tpu.memory_space<vmem>>
    %dma_wait3A_412 = tpu.memref_squeeze %dma_wait3A_411 : memref<1x80x128xf32, #tpu.memory_space<vmem>> -> memref<80x128xf32, #tpu.memory_space<vmem>>
    %dma_wait3A_413 = arith.constant 0 : i32
    %dma_wait3A_414 = tpu.memref_slice %arg5[%dma_wait3A_408, %dma_wait3A_413] : memref<48x80xi32, #tpu.memory_space<vmem>> -> memref<1x80xi32, #tpu.memory_space<vmem>>
    %dma_wait3A_415 = tpu.memref_squeeze %dma_wait3A_414 : memref<1x80xi32, #tpu.memory_space<vmem>> -> memref<80xi32, #tpu.memory_space<vmem>>
    %dma_wait3A_416 = arith.constant 0 : i32
    %dma_wait3A_417 = arith.constant 0 : i32
    %dma_wait3A_418 = tpu.memref_slice %arg21[%dma_wait3A_416, %dma_wait3A_417] : memref<10240x128xf32, #tpu.memory_space<vmem_shared>> -> memref<10240x128xf32, #tpu.memory_space<vmem_shared>>
    tpu.wait_indirect_dma semaphore(%arg17 : memref<!tpu.dma_semaphore, #tpu.memory_space<semaphore_mem>>) src(%dma_wait3A_412 : memref<80x128xf32, #tpu.memory_space<vmem>>) dst(%dma_wait3A_418 : memref<10240x128xf32, #tpu.memory_space<vmem_shared>>)
    %barrier3A_419 = arith.constant 0 : index
    tpu.barrier barrier_id(%barrier3A_419)
    "tpu.region"() ({
      %run_scoped3A = tpu.sem_alloc : memref<!tpu.dma_semaphore, #tpu.memory_space<semaphore_mem>>
      %dma_start3A_420 = arith.constant 0 : i32
      %dma_start3A_421 = tpu.memref_slice %arg4[%arg0, %mul3A_2, %dma_start3A_420] : memref<2x10240x128xf32, #tpu.memory_space<hbm>> -> memref<1x640x128xf32, #tpu.memory_space<hbm>>
      %dma_start3A_422 = tpu.memref_squeeze %dma_start3A_421 : memref<1x640x128xf32, #tpu.memory_space<hbm>> -> memref<640x128xf32, #tpu.memory_space<hbm>>
      %dma_start3A_423 = arith.constant 0 : i32
      %dma_start3A_424 = tpu.memref_slice %arg21[%mul3A_2, %dma_start3A_423] : memref<10240x128xf32, #tpu.memory_space<vmem_shared>> -> memref<640x128xf32, #tpu.memory_space<vmem_shared>>
      tpu.enqueue_dma source(%dma_start3A_424 : memref<640x128xf32, #tpu.memory_space<vmem_shared>>) target(%dma_start3A_422 : memref<640x128xf32, #tpu.memory_space<hbm>>) target_semaphore(%run_scoped3A : memref<!tpu.dma_semaphore, #tpu.memory_space<semaphore_mem>>)
      %dma_wait3A_425 = arith.constant 0 : i32
      %dma_wait3A_426 = tpu.memref_slice %arg4[%arg0, %mul3A_2, %dma_wait3A_425] : memref<2x10240x128xf32, #tpu.memory_space<hbm>> -> memref<1x640x128xf32, #tpu.memory_space<hbm>>
      %dma_wait3A_427 = tpu.memref_squeeze %dma_wait3A_426 : memref<1x640x128xf32, #tpu.memory_space<hbm>> -> memref<640x128xf32, #tpu.memory_space<hbm>>
      %dma_wait3A_428 = arith.constant 0 : i32
      %dma_wait3A_429 = tpu.memref_slice %arg21[%mul3A_2, %dma_wait3A_428] : memref<10240x128xf32, #tpu.memory_space<vmem_shared>> -> memref<640x128xf32, #tpu.memory_space<vmem_shared>>
      tpu.wait_dma2 semaphore(%run_scoped3A : memref<!tpu.dma_semaphore, #tpu.memory_space<semaphore_mem>>) src(%dma_wait3A_429 : memref<640x128xf32, #tpu.memory_space<vmem_shared>>) dst(%dma_wait3A_427 : memref<640x128xf32, #tpu.memory_space<hbm>>)
      tpu.yield
    }) : () -> ()
    return
  }
}

#map = affine_map<(d0, d1) -> (0, 0, 0)>
#map1 = affine_map<(d0, d1) -> (0, 0)>
module attributes {stable_mosaic.version = 14 : i64} {
  func.func @_sc_count(%arg0: i32, %arg1: i32, %arg2: memref<32x125x80xi32, #tpu.memory_space<hbm>>, %arg3: memref<10240x16xf32, #tpu.memory_space<hbm>>, %arg4: memref<2x10240x16xf32, #tpu.memory_space<hbm>>, %arg5: memref<80x16xf32, #tpu.memory_space<vmem>>, %arg6: memref<125x80xi32, #tpu.memory_space<vmem>>, %arg7: memref<!tpu.dma_semaphore, #tpu.memory_space<semaphore_mem>>, %arg8: memref<10240x16xf32, #tpu.memory_space<vmem_shared>>) attributes {dimension_semantics = [#tpu.dimension_semantics<core_parallel>, #tpu.dimension_semantics<subcore_parallel>], iteration_bounds = array<i64: 2, 16>, scalar_prefetch = 0 : i64, scratch_operands = 4 : i64, tpu.core_type = #tpu.core_type<sc_vector_subcore>, window_params = [{transform_indices = #map}, {transform_indices = #map1}, {transform_indices = #map}]} {
    %mul3A = arith.constant 16 : i32
    %mul3A_0 = arith.muli %arg0, %mul3A : i32
    %add3A = arith.addi %mul3A_0, %arg1 : i32
    %scan3A = arith.constant 0 : i32
    %scan3A_1 = arith.constant 80 : i32
    %scan3A_2 = arith.addi %scan3A, %scan3A_1 : i32
    %scan3A_3 = arith.constant 1 : i32
    scf.for %scan3A_40 = %scan3A to %scan3A_2 step %scan3A_3  : i32 {
      %mul3A_41 = arith.constant 1 : i32
      %mul3A_42 = arith.muli %scan3A_40, %mul3A_41 : i32
      %add3A_43 = arith.constant 0 : i32
      %add3A_44 = arith.addi %add3A_43, %mul3A_42 : i32
      %broadcast_in_dim3A = arith.constant 1.000000e+00 : f32
      %broadcast_in_dim3A_45 = vector.broadcast %broadcast_in_dim3A : f32 to vector<16xf32>
      %swap3A = arith.index_cast %add3A_44 : i32 to index
      %swap3A_46 = arith.constant 0 : index
      %swap3A_47 = tpu.vector_load %arg5[%swap3A, %swap3A_46] {strides = array<i32>} : memref<80x16xf32, #tpu.memory_space<vmem>>, vector<1x16xf32>,
      %swap3A_48 = vector.shape_cast %swap3A_47 : vector<1x16xf32> to vector<16xf32>
      %swap3A_49 = vector.shape_cast %broadcast_in_dim3A_45 : vector<16xf32> to vector<1x16xf32>
      tpu.vector_store %arg5[%swap3A, %swap3A_46], %swap3A_49 {strides = array<i32>} : memref<80x16xf32, #tpu.memory_space<vmem>>, vector<1x16xf32>,
    }
    %scan3A_4 = arith.constant 80 : i32
    "tpu.region"() ({
      %run_scoped3A = tpu.sem_alloc : memref<!tpu.dma_semaphore, #tpu.memory_space<semaphore_mem>>
      %dma_start3A = arith.constant 0 : i32
      %dma_start3A_40 = arith.constant 0 : i32
      %dma_start3A_41 = tpu.memref_slice %arg2[%add3A, %dma_start3A, %dma_start3A_40] : memref<32x125x80xi32, #tpu.memory_space<hbm>> -> memref<1x125x80xi32, #tpu.memory_space<hbm>>
      %dma_start3A_42 = tpu.memref_squeeze %dma_start3A_41 : memref<1x125x80xi32, #tpu.memory_space<hbm>> -> memref<125x80xi32, #tpu.memory_space<hbm>>
      %dma_start3A_43 = arith.constant 0 : i32
      %dma_start3A_44 = arith.constant 0 : i32
      %dma_start3A_45 = tpu.memref_slice %arg2[%add3A, %dma_start3A_43, %dma_start3A_44] : memref<32x125x80xi32, #tpu.memory_space<hbm>> -> memref<1x125x80xi32, #tpu.memory_space<hbm>>
      %dma_start3A_46 = tpu.memref_squeeze %dma_start3A_45 : memref<1x125x80xi32, #tpu.memory_space<hbm>> -> memref<125x80xi32, #tpu.memory_space<hbm>>
      tpu.enqueue_dma source(%dma_start3A_46 : memref<125x80xi32, #tpu.memory_space<hbm>>) target(%arg6 : memref<125x80xi32, #tpu.memory_space<vmem>>) target_semaphore(%run_scoped3A : memref<!tpu.dma_semaphore, #tpu.memory_space<semaphore_mem>>)
      %dma_wait3A_47 = arith.constant 0 : i32
      %dma_wait3A_48 = arith.constant 0 : i32
      %dma_wait3A_49 = tpu.memref_slice %arg2[%add3A, %dma_wait3A_47, %dma_wait3A_48] : memref<32x125x80xi32, #tpu.memory_space<hbm>> -> memref<1x125x80xi32, #tpu.memory_space<hbm>>
      %dma_wait3A_50 = tpu.memref_squeeze %dma_wait3A_49 : memref<1x125x80xi32, #tpu.memory_space<hbm>> -> memref<125x80xi32, #tpu.memory_space<hbm>>
      %dma_wait3A_51 = arith.constant 0 : i32
      %dma_wait3A_52 = arith.constant 0 : i32
      %dma_wait3A_53 = tpu.memref_slice %arg2[%add3A, %dma_wait3A_51, %dma_wait3A_52] : memref<32x125x80xi32, #tpu.memory_space<hbm>> -> memref<1x125x80xi32, #tpu.memory_space<hbm>>
      %dma_wait3A_54 = tpu.memref_squeeze %dma_wait3A_53 : memref<1x125x80xi32, #tpu.memory_space<hbm>> -> memref<125x80xi32, #tpu.memory_space<hbm>>
      tpu.wait_dma2 semaphore(%run_scoped3A : memref<!tpu.dma_semaphore, #tpu.memory_space<semaphore_mem>>) src(%dma_wait3A_54 : memref<125x80xi32, #tpu.memory_space<hbm>>) dst(%arg6 : memref<125x80xi32, #tpu.memory_space<vmem>>)
      tpu.yield
    }) : () -> ()
    %mul3A_5 = arith.constant 640 : i32
    %mul3A_6 = arith.muli %arg1, %mul3A_5 : i32
    "tpu.region"() ({
      %run_scoped3A = tpu.sem_alloc : memref<!tpu.dma_semaphore, #tpu.memory_space<semaphore_mem>>
      %dma_start3A = arith.constant 0 : i32
      %dma_start3A_40 = tpu.memref_slice %arg8[%mul3A_6, %dma_start3A] : memref<10240x16xf32, #tpu.memory_space<vmem_shared>> -> memref<640x16xf32, #tpu.memory_space<vmem_shared>>
      %dma_start3A_41 = arith.constant 0 : i32
      %dma_start3A_42 = tpu.memref_slice %arg3[%mul3A_6, %dma_start3A_41] : memref<10240x16xf32, #tpu.memory_space<hbm>> -> memref<640x16xf32, #tpu.memory_space<hbm>>
      tpu.enqueue_dma source(%dma_start3A_42 : memref<640x16xf32, #tpu.memory_space<hbm>>) target(%dma_start3A_40 : memref<640x16xf32, #tpu.memory_space<vmem_shared>>) target_semaphore(%run_scoped3A : memref<!tpu.dma_semaphore, #tpu.memory_space<semaphore_mem>>)
      %dma_wait3A_43 = arith.constant 0 : i32
      %dma_wait3A_44 = tpu.memref_slice %arg8[%mul3A_6, %dma_wait3A_43] : memref<10240x16xf32, #tpu.memory_space<vmem_shared>> -> memref<640x16xf32, #tpu.memory_space<vmem_shared>>
      %dma_wait3A_45 = arith.constant 0 : i32
      %dma_wait3A_46 = tpu.memref_slice %arg3[%mul3A_6, %dma_wait3A_45] : memref<10240x16xf32, #tpu.memory_space<hbm>> -> memref<640x16xf32, #tpu.memory_space<hbm>>
      tpu.wait_dma2 semaphore(%run_scoped3A : memref<!tpu.dma_semaphore, #tpu.memory_space<semaphore_mem>>) src(%dma_wait3A_46 : memref<640x16xf32, #tpu.memory_space<hbm>>) dst(%dma_wait3A_44 : memref<640x16xf32, #tpu.memory_space<vmem_shared>>)
      tpu.yield
    }) : () -> ()
    %barrier3A = arith.constant 0 : index
    tpu.barrier barrier_id(%barrier3A)
    %scan3A_7 = arith.constant 0 : i32
    %scan3A_8 = arith.constant 125 : i32
    %scan3A_9 = arith.addi %scan3A_7, %scan3A_8 : i32
    %scan3A_10 = arith.constant 1 : i32
    scf.for %scan3A_40 = %scan3A_7 to %scan3A_9 step %scan3A_10  : i32 {
      %mul3A_41 = arith.constant 1 : i32
      %mul3A_42 = arith.muli %scan3A_40, %mul3A_41 : i32
      %add3A_43 = arith.constant 0 : i32
      %add3A_44 = arith.addi %add3A_43, %mul3A_42 : i32
      %dma_start3A = arith.constant 0 : i32
      %dma_start3A_45 = tpu.memref_slice %arg6[%add3A_44, %dma_start3A] : memref<125x80xi32, #tpu.memory_space<vmem>> -> memref<1x80xi32, #tpu.memory_space<vmem>>
      %dma_start3A_46 = tpu.memref_squeeze %dma_start3A_45 : memref<1x80xi32, #tpu.memory_space<vmem>> -> memref<80xi32, #tpu.memory_space<vmem>>
      %dma_start3A_47 = arith.constant 0 : i32
      %dma_start3A_48 = arith.constant 0 : i32
      %dma_start3A_49 = tpu.memref_slice %arg8[%dma_start3A_47, %dma_start3A_48] : memref<10240x16xf32, #tpu.memory_space<vmem_shared>> -> memref<10240x16xf32, #tpu.memory_space<vmem_shared>>
      tpu.enqueue_indirect_dma source(%arg5 : memref<80x16xf32, #tpu.memory_space<vmem>>) target(%dma_start3A_49 : memref<10240x16xf32, #tpu.memory_space<vmem_shared>>) offsets(%dma_start3A_46 : memref<80xi32, #tpu.memory_space<vmem>>) semaphore(%arg7 : memref<!tpu.dma_semaphore, #tpu.memory_space<semaphore_mem>>) {add = true}
      %ge3A = arith.constant 4 : i32
      %ge3A_50 = arith.cmpi sge, %add3A_44, %ge3A : i32
      %convert_element_type3A = arith.extui %ge3A_50 : i1 to i32
      %cond3A = arith.constant 0 : i32
      %cond3A_51 = arith.cmpi ne, %convert_element_type3A, %cond3A : i32
      scf.if %cond3A_51 {
        %sub3A = arith.constant 4 : i32
        %sub3A_52 = arith.subi %add3A_44, %sub3A : i32
        %dma_wait3A_53 = arith.constant 0 : i32
        %dma_wait3A_54 = tpu.memref_slice %arg6[%sub3A_52, %dma_wait3A_53] : memref<125x80xi32, #tpu.memory_space<vmem>> -> memref<1x80xi32, #tpu.memory_space<vmem>>
        %dma_wait3A_55 = tpu.memref_squeeze %dma_wait3A_54 : memref<1x80xi32, #tpu.memory_space<vmem>> -> memref<80xi32, #tpu.memory_space<vmem>>
        %dma_wait3A_56 = arith.constant 0 : i32
        %dma_wait3A_57 = arith.constant 0 : i32
        %dma_wait3A_58 = tpu.memref_slice %arg8[%dma_wait3A_56, %dma_wait3A_57] : memref<10240x16xf32, #tpu.memory_space<vmem_shared>> -> memref<10240x16xf32, #tpu.memory_space<vmem_shared>>
        tpu.wait_indirect_dma semaphore(%arg7 : memref<!tpu.dma_semaphore, #tpu.memory_space<semaphore_mem>>) src(%arg5 : memref<80x16xf32, #tpu.memory_space<vmem>>) dst(%dma_wait3A_58 : memref<10240x16xf32, #tpu.memory_space<vmem_shared>>)
      } else {
      }
    }
    %scan3A_11 = arith.constant 125 : i32
    %dma_wait3A = arith.constant 121 : i32
    %dma_wait3A_12 = arith.constant 0 : i32
    %dma_wait3A_13 = tpu.memref_slice %arg6[%dma_wait3A, %dma_wait3A_12] : memref<125x80xi32, #tpu.memory_space<vmem>> -> memref<1x80xi32, #tpu.memory_space<vmem>>
    %dma_wait3A_14 = tpu.memref_squeeze %dma_wait3A_13 : memref<1x80xi32, #tpu.memory_space<vmem>> -> memref<80xi32, #tpu.memory_space<vmem>>
    %dma_wait3A_15 = arith.constant 0 : i32
    %dma_wait3A_16 = arith.constant 0 : i32
    %dma_wait3A_17 = tpu.memref_slice %arg8[%dma_wait3A_15, %dma_wait3A_16] : memref<10240x16xf32, #tpu.memory_space<vmem_shared>> -> memref<10240x16xf32, #tpu.memory_space<vmem_shared>>
    tpu.wait_indirect_dma semaphore(%arg7 : memref<!tpu.dma_semaphore, #tpu.memory_space<semaphore_mem>>) src(%arg5 : memref<80x16xf32, #tpu.memory_space<vmem>>) dst(%dma_wait3A_17 : memref<10240x16xf32, #tpu.memory_space<vmem_shared>>)
    %dma_wait3A_18 = arith.constant 122 : i32
    %dma_wait3A_19 = arith.constant 0 : i32
    %dma_wait3A_20 = tpu.memref_slice %arg6[%dma_wait3A_18, %dma_wait3A_19] : memref<125x80xi32, #tpu.memory_space<vmem>> -> memref<1x80xi32, #tpu.memory_space<vmem>>
    %dma_wait3A_21 = tpu.memref_squeeze %dma_wait3A_20 : memref<1x80xi32, #tpu.memory_space<vmem>> -> memref<80xi32, #tpu.memory_space<vmem>>
    %dma_wait3A_22 = arith.constant 0 : i32
    %dma_wait3A_23 = arith.constant 0 : i32
    %dma_wait3A_24 = tpu.memref_slice %arg8[%dma_wait3A_22, %dma_wait3A_23] : memref<10240x16xf32, #tpu.memory_space<vmem_shared>> -> memref<10240x16xf32, #tpu.memory_space<vmem_shared>>
    tpu.wait_indirect_dma semaphore(%arg7 : memref<!tpu.dma_semaphore, #tpu.memory_space<semaphore_mem>>) src(%arg5 : memref<80x16xf32, #tpu.memory_space<vmem>>) dst(%dma_wait3A_24 : memref<10240x16xf32, #tpu.memory_space<vmem_shared>>)
    %dma_wait3A_25 = arith.constant 123 : i32
    %dma_wait3A_26 = arith.constant 0 : i32
    %dma_wait3A_27 = tpu.memref_slice %arg6[%dma_wait3A_25, %dma_wait3A_26] : memref<125x80xi32, #tpu.memory_space<vmem>> -> memref<1x80xi32, #tpu.memory_space<vmem>>
    %dma_wait3A_28 = tpu.memref_squeeze %dma_wait3A_27 : memref<1x80xi32, #tpu.memory_space<vmem>> -> memref<80xi32, #tpu.memory_space<vmem>>
    %dma_wait3A_29 = arith.constant 0 : i32
    %dma_wait3A_30 = arith.constant 0 : i32
    %dma_wait3A_31 = tpu.memref_slice %arg8[%dma_wait3A_29, %dma_wait3A_30] : memref<10240x16xf32, #tpu.memory_space<vmem_shared>> -> memref<10240x16xf32, #tpu.memory_space<vmem_shared>>
    tpu.wait_indirect_dma semaphore(%arg7 : memref<!tpu.dma_semaphore, #tpu.memory_space<semaphore_mem>>) src(%arg5 : memref<80x16xf32, #tpu.memory_space<vmem>>) dst(%dma_wait3A_31 : memref<10240x16xf32, #tpu.memory_space<vmem_shared>>)
    %dma_wait3A_32 = arith.constant 124 : i32
    %dma_wait3A_33 = arith.constant 0 : i32
    %dma_wait3A_34 = tpu.memref_slice %arg6[%dma_wait3A_32, %dma_wait3A_33] : memref<125x80xi32, #tpu.memory_space<vmem>> -> memref<1x80xi32, #tpu.memory_space<vmem>>
    %dma_wait3A_35 = tpu.memref_squeeze %dma_wait3A_34 : memref<1x80xi32, #tpu.memory_space<vmem>> -> memref<80xi32, #tpu.memory_space<vmem>>
    %dma_wait3A_36 = arith.constant 0 : i32
    %dma_wait3A_37 = arith.constant 0 : i32
    %dma_wait3A_38 = tpu.memref_slice %arg8[%dma_wait3A_36, %dma_wait3A_37] : memref<10240x16xf32, #tpu.memory_space<vmem_shared>> -> memref<10240x16xf32, #tpu.memory_space<vmem_shared>>
    tpu.wait_indirect_dma semaphore(%arg7 : memref<!tpu.dma_semaphore, #tpu.memory_space<semaphore_mem>>) src(%arg5 : memref<80x16xf32, #tpu.memory_space<vmem>>) dst(%dma_wait3A_38 : memref<10240x16xf32, #tpu.memory_space<vmem_shared>>)
    %barrier3A_39 = arith.constant 0 : index
    tpu.barrier barrier_id(%barrier3A_39)
    "tpu.region"() ({
      %run_scoped3A = tpu.sem_alloc : memref<!tpu.dma_semaphore, #tpu.memory_space<semaphore_mem>>
      %dma_start3A = arith.constant 0 : i32
      %dma_start3A_40 = tpu.memref_slice %arg4[%arg0, %mul3A_6, %dma_start3A] : memref<2x10240x16xf32, #tpu.memory_space<hbm>> -> memref<1x640x16xf32, #tpu.memory_space<hbm>>
      %dma_start3A_41 = tpu.memref_squeeze %dma_start3A_40 : memref<1x640x16xf32, #tpu.memory_space<hbm>> -> memref<640x16xf32, #tpu.memory_space<hbm>>
      %dma_start3A_42 = arith.constant 0 : i32
      %dma_start3A_43 = tpu.memref_slice %arg8[%mul3A_6, %dma_start3A_42] : memref<10240x16xf32, #tpu.memory_space<vmem_shared>> -> memref<640x16xf32, #tpu.memory_space<vmem_shared>>
      tpu.enqueue_dma source(%dma_start3A_43 : memref<640x16xf32, #tpu.memory_space<vmem_shared>>) target(%dma_start3A_41 : memref<640x16xf32, #tpu.memory_space<hbm>>) target_semaphore(%run_scoped3A : memref<!tpu.dma_semaphore, #tpu.memory_space<semaphore_mem>>)
      %dma_wait3A_44 = arith.constant 0 : i32
      %dma_wait3A_45 = tpu.memref_slice %arg4[%arg0, %mul3A_6, %dma_wait3A_44] : memref<2x10240x16xf32, #tpu.memory_space<hbm>> -> memref<1x640x16xf32, #tpu.memory_space<hbm>>
      %dma_wait3A_46 = tpu.memref_squeeze %dma_wait3A_45 : memref<1x640x16xf32, #tpu.memory_space<hbm>> -> memref<640x16xf32, #tpu.memory_space<hbm>>
      %dma_wait3A_47 = arith.constant 0 : i32
      %dma_wait3A_48 = tpu.memref_slice %arg8[%mul3A_6, %dma_wait3A_47] : memref<10240x16xf32, #tpu.memory_space<vmem_shared>> -> memref<640x16xf32, #tpu.memory_space<vmem_shared>>
      tpu.wait_dma2 semaphore(%run_scoped3A : memref<!tpu.dma_semaphore, #tpu.memory_space<semaphore_mem>>) src(%dma_wait3A_48 : memref<640x16xf32, #tpu.memory_space<vmem_shared>>) dst(%dma_wait3A_46 : memref<640x16xf32, #tpu.memory_space<hbm>>)
      tpu.yield
    }) : () -> ()
    return
  }
}

module attributes {stable_mosaic.version = 14 : i64} {
  func.func @_mm_body(%arg0: i32, %arg1: memref<1000x128xf32, #tpu.memory_space<vmem>>, %arg2: memref<128x128xf32, #tpu.memory_space<vmem>>, %arg3: memref<2x1000x16xf32, #tpu.memory_space<vmem>>, %arg4: memref<1000x128xf32, #tpu.memory_space<vmem>>) attributes {dimension_semantics = [#tpu.dimension_semantics<arbitrary>], iteration_bounds = array<i64: 10>, scalar_prefetch = 0 : i64, scratch_operands = 0 : i64, tpu.core_type = #tpu.core_type<tc>, window_params = [{transform_indices = @transform_0, window_bounds = array<i64: 1000, 128>}, {pipeline_mode = #tpu.pipeline_mode<synchronous>, transform_indices = @transform_1, window_bounds = array<i64: 128, 128>}, {transform_indices = @transform_2, window_bounds = array<i64: 2, 1000, 16>}, {transform_indices = @transform_3, window_bounds = array<i64: 1000, 128>}]} {
    %get3A = arith.constant 0 : index
    %get3A_0 = arith.constant 0 : index
    %get3A_1 = arith.constant 0 : index
    %get3A_2 = vector.load %arg3[%get3A, %get3A_0, %get3A_1] : memref<2x1000x16xf32, #tpu.memory_space<vmem>>, vector<1x1000x1xf32>
    %get3A_3 = vector.shape_cast %get3A_2 : vector<1x1000x1xf32> to vector<1000xf32>
    %get3A_4 = arith.constant 1 : index
    %get3A_5 = arith.constant 0 : index
    %get3A_6 = arith.constant 0 : index
    %get3A_7 = vector.load %arg3[%get3A_4, %get3A_5, %get3A_6] : memref<2x1000x16xf32, #tpu.memory_space<vmem>>, vector<1x1000x1xf32>
    %get3A_8 = vector.shape_cast %get3A_7 : vector<1x1000x1xf32> to vector<1000xf32>
    %add3A = arith.addf %get3A_3, %get3A_8 : vector<1000xf32>
    %add3A_9 = arith.constant 1.000000e+00 : f32
    %add3A_10 = vector.broadcast %add3A_9 : f32 to vector<1000xf32>
    %add3A_11 = arith.addf %add3A, %add3A_10 : vector<1000xf32>
    %rsqrt3A = math.rsqrt %add3A_11 : vector<1000xf32>
    %get3A_12 = arith.constant 0 : index
    %get3A_13 = arith.constant 0 : index
    %get3A_14 = vector.load %arg1[%get3A_12, %get3A_13] : memref<1000x128xf32, #tpu.memory_space<vmem>>, vector<1000x128xf32>
    %get3A_15 = arith.constant 0 : index
    %get3A_16 = arith.constant 0 : index
    %get3A_17 = vector.load %arg2[%get3A_15, %get3A_16] : memref<128x128xf32, #tpu.memory_space<vmem>>, vector<128x128xf32>
    %dot_general3A = arith.constant dense<0.000000e+00> : vector<1000x128xf32>
    %dot_general3A_18 = tpu.matmul %get3A_14, %get3A_17, %dot_general3A {dimension_numbers = #tpu.dot_dimension_numbers<[1], [0], [0], [1], [0, 0, 1, 1], [], []>, precision = #tpu.contract_precision<fp32>, transpose_lhs_hint = false} : vector<1000x128xf32>, vector<128x128xf32>, vector<1000x128xf32> -> vector<1000x128xf32>
    %broadcast_in_dim3A = vector.shape_cast %rsqrt3A : vector<1000xf32> to vector<1000x1xf32>
    %mul3A = vector.broadcast %broadcast_in_dim3A : vector<1000x1xf32> to vector<1000x128xf32>
    %mul3A_19 = arith.mulf %dot_general3A_18, %mul3A : vector<1000x128xf32>
    %swap3A = arith.constant 0 : index
    %swap3A_20 = arith.constant 0 : index
    %swap3A_21 = vector.load %arg4[%swap3A, %swap3A_20] : memref<1000x128xf32, #tpu.memory_space<vmem>>, vector<1000x128xf32>
    tpu.vector_store %arg4[%swap3A, %swap3A_20], %mul3A_19 {strides = array<i32>} : memref<1000x128xf32, #tpu.memory_space<vmem>>, vector<1000x128xf32>,
    return
  }
  func.func @transform_0(%arg0: i32) -> (i32, i32) {
    %c0_i32 = arith.constant 0 : i32
    %c0_i32_0 = arith.constant 0 : i32
    return %arg0, %c0_i32 : i32, i32
  }
  func.func @transform_1(%arg0: i32) -> (i32, i32) {
    %c0_i32 = arith.constant 0 : i32
    %c0_i32_0 = arith.constant 0 : i32
    %c0_i32_1 = arith.constant 0 : i32
    return %c0_i32, %c0_i32_0 : i32, i32
  }
  func.func @transform_2(%arg0: i32) -> (i32, i32, i32) {
    %c0_i32 = arith.constant 0 : i32
    %c0_i32_0 = arith.constant 0 : i32
    %c0_i32_1 = arith.constant 0 : i32
    return %c0_i32, %arg0, %c0_i32_0 : i32, i32, i32
  }
  func.func @transform_3(%arg0: i32) -> (i32, i32) {
    %c0_i32 = arith.constant 0 : i32
    %c0_i32_0 = arith.constant 0 : i32
    return %arg0, %c0_i32 : i32, i32
  }
}

module attributes {stable_mosaic.version = 14 : i64} {
  func.func @_comb_body(%arg0: i32, %arg1: memref<2x1000x128xf32, #tpu.memory_space<vmem>>, %arg2: memref<1000x128xf32, #tpu.memory_space<vmem>>, %arg3: memref<2x1000x16xf32, #tpu.memory_space<vmem>>, %arg4: memref<1x128xf32, #tpu.memory_space<vmem>>, %arg5: memref<1000x128xf32, #tpu.memory_space<vmem>>) attributes {dimension_semantics = [#tpu.dimension_semantics<arbitrary>], iteration_bounds = array<i64: 10>, scalar_prefetch = 0 : i64, scratch_operands = 0 : i64, tpu.core_type = #tpu.core_type<tc>, window_params = [{transform_indices = @transform_0, window_bounds = array<i64: 2, 1000, 128>}, {transform_indices = @transform_1, window_bounds = array<i64: 1000, 128>}, {transform_indices = @transform_2, window_bounds = array<i64: 2, 1000, 16>}, {pipeline_mode = #tpu.pipeline_mode<synchronous>, transform_indices = @transform_3, window_bounds = array<i64: 1, 128>}, {transform_indices = @transform_4, window_bounds = array<i64: 1000, 128>}]} {
    %get3A = arith.constant 0 : index
    %get3A_0 = arith.constant 0 : index
    %get3A_1 = arith.constant 0 : index
    %get3A_2 = vector.load %arg3[%get3A, %get3A_0, %get3A_1] : memref<2x1000x16xf32, #tpu.memory_space<vmem>>, vector<1x1000x1xf32>
    %get3A_3 = vector.shape_cast %get3A_2 : vector<1x1000x1xf32> to vector<1000xf32>
    %get3A_4 = arith.constant 1 : index
    %get3A_5 = arith.constant 0 : index
    %get3A_6 = arith.constant 0 : index
    %get3A_7 = vector.load %arg3[%get3A_4, %get3A_5, %get3A_6] : memref<2x1000x16xf32, #tpu.memory_space<vmem>>, vector<1x1000x1xf32>
    %get3A_8 = vector.shape_cast %get3A_7 : vector<1x1000x1xf32> to vector<1000xf32>
    %add3A = arith.addf %get3A_3, %get3A_8 : vector<1000xf32>
    %add3A_9 = arith.constant 1.000000e+00 : f32
    %add3A_10 = vector.broadcast %add3A_9 : f32 to vector<1000xf32>
    %add3A_11 = arith.addf %add3A, %add3A_10 : vector<1000xf32>
    %rsqrt3A = math.rsqrt %add3A_11 : vector<1000xf32>
    %broadcast_in_dim3A = vector.shape_cast %rsqrt3A : vector<1000xf32> to vector<1000x1xf32>
    %get3A_12 = arith.constant 0 : index
    %get3A_13 = arith.constant 0 : index
    %get3A_14 = arith.constant 0 : index
    %get3A_15 = vector.load %arg1[%get3A_12, %get3A_13, %get3A_14] : memref<2x1000x128xf32, #tpu.memory_space<vmem>>, vector<1x1000x128xf32>
    %get3A_16 = vector.shape_cast %get3A_15 : vector<1x1000x128xf32> to vector<1000x128xf32>
    %get3A_17 = arith.constant 1 : index
    %get3A_18 = arith.constant 0 : index
    %get3A_19 = arith.constant 0 : index
    %get3A_20 = vector.load %arg1[%get3A_17, %get3A_18, %get3A_19] : memref<2x1000x128xf32, #tpu.memory_space<vmem>>, vector<1x1000x128xf32>
    %get3A_21 = vector.shape_cast %get3A_20 : vector<1x1000x128xf32> to vector<1000x128xf32>
    %add3A_22 = arith.addf %get3A_16, %get3A_21 : vector<1000x128xf32>
    %get3A_23 = arith.constant 0 : index
    %get3A_24 = arith.constant 0 : index
    %get3A_25 = vector.load %arg2[%get3A_23, %get3A_24] : memref<1000x128xf32, #tpu.memory_space<vmem>>, vector<1000x128xf32>
    %sub3A = arith.subf %add3A_22, %get3A_25 : vector<1000x128xf32>
    %mul3A = vector.broadcast %broadcast_in_dim3A : vector<1000x1xf32> to vector<1000x128xf32>
    %mul3A_26 = arith.mulf %mul3A, %sub3A : vector<1000x128xf32>
    %get3A_27 = arith.constant 0 : index
    %get3A_28 = arith.constant 0 : index
    %get3A_29 = vector.load %arg4[%get3A_27, %get3A_28] : memref<1x128xf32, #tpu.memory_space<vmem>>, vector<1x128xf32>
    %add3A_30 = vector.broadcast %get3A_29 : vector<1x128xf32> to vector<1000x128xf32>
    %add3A_31 = arith.addf %mul3A_26, %add3A_30 : vector<1000x128xf32>
    %swap3A = arith.constant 0 : index
    %swap3A_32 = arith.constant 0 : index
    %swap3A_33 = vector.load %arg5[%swap3A, %swap3A_32] : memref<1000x128xf32, #tpu.memory_space<vmem>>, vector<1000x128xf32>
    tpu.vector_store %arg5[%swap3A, %swap3A_32], %add3A_31 {strides = array<i32>} : memref<1000x128xf32, #tpu.memory_space<vmem>>, vector<1000x128xf32>,
    return
  }
  func.func @transform_0(%arg0: i32) -> (i32, i32, i32) {
    %c0_i32 = arith.constant 0 : i32
    %c0_i32_0 = arith.constant 0 : i32
    %c0_i32_1 = arith.constant 0 : i32
    return %c0_i32, %arg0, %c0_i32_0 : i32, i32, i32
  }
  func.func @transform_1(%arg0: i32) -> (i32, i32) {
    %c0_i32 = arith.constant 0 : i32
    %c0_i32_0 = arith.constant 0 : i32
    return %arg0, %c0_i32 : i32, i32
  }
  func.func @transform_2(%arg0: i32) -> (i32, i32, i32) {
    %c0_i32 = arith.constant 0 : i32
    %c0_i32_0 = arith.constant 0 : i32
    %c0_i32_1 = arith.constant 0 : i32
    return %c0_i32, %arg0, %c0_i32_0 : i32, i32, i32
  }
  func.func @transform_3(%arg0: i32) -> (i32, i32) {
    %c0_i32 = arith.constant 0 : i32
    %c0_i32_0 = arith.constant 0 : i32
    %c0_i32_1 = arith.constant 0 : i32
    return %c0_i32, %c0_i32_0 : i32, i32
  }
  func.func @transform_4(%arg0: i32) -> (i32, i32) {
    %c0_i32 = arith.constant 0 : i32
    %c0_i32_0 = arith.constant 0 : i32
    return %arg0, %c0_i32 : i32, i32
  }
}

</mosaic_0001>

<sc_bundles>
// kernel: kernel.6.cloned.1.call-start
scs
__scs_entry_jumppad:
0x0: {  	(pc) =	sbr.rel $0x88, $3  }
0x1: {  	(tag) =	ssettag $0x0;
	lr =	simm.s32 $0x1  }
0x2: {  	[smem:$0x3F9D] =	sst lr;
	_ =	strace $0xD0000000  }
0x3: {  	_ = 	snop  }
0x4: {  	_ = 	snop  }
0x5: {  	_ = 	snop  }
0x6: {  	_ = 	snop  }
0x7: {  	_ = 	snop  }
__scs_overlays_trampoline_lowered:
0x8: {  	[smem:$0x3FAC] =	sst s0  }
0x9: {  	[smem:$0x3FAD] =	sst s1  }
0xa: {  	[smem:$0x3FAE] =	sst s2  }
0xb: {  	[smem:$0x3FAF] =	sst s3  }
0xc: {  	[smem:$0x3FB0] =	sst s4  }
0xd: {  	[smem:$0x3FB1] =	sst s5  }
0xe: {  	[smem:$0x3FB2] =	sst s6  }
0xf: {  	[smem:$0x3FB3] =	sst s7  }
0x10: {  	[smem:$0x3FB4] =	sst s8  }
0x11: {  	[smem:$0x3FB5] =	sst s9;
	s0 =	simm.s32 @!p0 $0x0  }
0x12: {  	s1 =	sld [smem:$0x3F9B];
	s0 =	simm.s32 @p0 $0x1  }
0x13: {  	[smem:$0x3FB6] =	sst s0;
	s0 =	simm.s32 @!p1 $0x0  }
0x14: {  	s2 =	sld [smem:$0x3F9A];
	s0 =	simm.s32 @p1 $0x1  }
0x15: {  	[smem:$0x3FB7] =	sst s0;
	s0 =	simm.s32 @!p2 $0x0  }
0x16: {  	s3 =	sld [smem:$0x3FDB];
	s0 =	simm.s32 @p2 $0x1  }
0x17: {  	s4 =	simm.s32 $0x1BF5;
	[smem:$0x3FB9] =	sst s0  }
0x18: {  	s0 =	sld [smem:$0x3F9C];
	_ =	swait.ge [sflag:s4], $0x0  }
0x19: {  	s7 =	sld [smem:$0x3F9D]  }
0x1a: {  	s8 =	sadd.s32 $0xFFFFE003, lr  }
0x1b: {  	s9 =	sadd.s32 $0xFFFFFEF7, lr;
	s5 =	simm.s32 $0xFFFFFFFF;
	p2 =	slt.u32 s8, $0xFFFFF086  }
0x1c: {  	p1 =	slt.u32 s9, $0xF7A;
	s5 =	simm.s32 @!p2 $0x0  }
0x1d: {  	s5 =	simm.s32 @p1 $0x1;
	p0 =	seq.s32 s7, s2  }
0x1e: {  	s7 =	smul.u32 @!p0 $0xF7A, s2;
	p2 =	seq.s32 @!p0 s5, $0x0  }
0x1f: {  	s9 =	smul.u32 $0xF7A, s1;
	s8 =	simm.s32 @!p0 $0x1BF5;
	p2 =	por !p2, p0  }
0x20: {  	[sflag:s8] =	ssyncset.s32 @!p0 $0xFFFFF086;
	s6 =	sadd.s32 @!p0 s3, s7;
	s7 =	simm.s32 @!p0 $0x108  }
0x21: {  	s3 =	sadd.s32 s3, s9;
	s6 =	sadd.s32 @!p0 $0x88, s6;
	s7 =	simm.s32 @p2 $0x1082  }
0x22: {  	[simem:s7], [sflag:s8] =	dma.local @!p0 [hbm:s6], $0xF7A  }
0x23: {  	s9 =	sor.u32 $0xD0000000, s2;
	s6 =	simm.s32 $0x108;
	_ =	swait.ge @!p0 [sflag:s8], $0x0  }
0x24: {  	s3 =	sadd.s32 $0x88, s3;
	s6 =	simm.s32 @!p1 $0x1082;
	[sflag:s4] =	ssyncset.s32 $0xFFFFF086  }
0x25: {  	[simem:s6], [sflag:s4] =	dma.local [hbm:s3], $0xF7A  }
0x26: {  	[smem:$0x3F9D] =	sst s1;
	(tag) =	ssettag s2;
	_ =	strace s9  }
0x27: {  	s1 =	sld [smem:$0x3FAD]  }
0x28: {  	s2 =	sld [smem:$0x3FAE]  }
0x29: {  	s4 =	sld [smem:$0x3FB0]  }
0x2a: {  	p0 =	seq.s32 s5, $0x0;
	s5 =	sld [smem:$0x3FB1]  }
0x2b: {  	s6 =	sld [smem:$0x3FB2]  }
0x2c: {  	s7 =	sld [smem:$0x3FB3]  }
0x2d: {  	s3 =	simm.s32 $0x108;
	s8 =	sld [smem:$0x3FB4]  }
0x2e: {  	s3 =	simm.s32 @!p0 $0x1082;
	s9 =	sld [smem:$0x3FB5]  }
0x2f: {  	lr =	sadd.s32 s0, s3;
	s0 =	sld [smem:$0x3FAC]  }
0x30: {  	s3 =	sld [smem:$0x3FAF]  }
0x31: {  	[smem:$0x3FB8] =	sst s10  }
0x32: {  	s10 =	sld [smem:$0x3FB6];
	_ =	sdelay $0x3  }
0x33: {  	p0 =	seq.s32 s10, $0x1;
	s10 =	sld [smem:$0x3FB8];
	_ =	sdelay $0x3  }
0x34: {  	[smem:$0x3FB8] =	sst s10  }
0x35: {  	s10 =	sld [smem:$0x3FB7];
	_ =	sdelay $0x3  }
0x36: {  	p1 =	seq.s32 s10, $0x1;
	s10 =	sld [smem:$0x3FB8];
	_ =	sdelay $0x3  }
0x37: {  	[smem:$0x3FB8] =	sst s10  }
0x38: {  	s10 =	sld [smem:$0x3FB9]  }
0x39: {  	_ = 	snop;
	(pc) =	sbr.ind lr, $3  }
0x3a: {  	_ = 	snop  }
0x3b: {  	_ = 	snop  }
0x3c: {  	p2 =	seq.s32 s10, $0x1;
	s10 =	sld [smem:$0x3FB8]  }
0x3d: {  	_ =	shalt  }
0x3e: {  	_ =	shalt  }
0x3f: {  	_ =	shalt  }
0x40: {  	_ =	shalt  }
0x41: {  	_ =	shalt  }
0x42: {  	_ =	shalt  }
0x43: {  	_ =	shalt  }
0x44: {  	_ =	shalt  }
0x45: {  	_ =	shalt  }
0x46: {  	_ =	shalt  }
0x47: {  	_ =	shalt  }
0x48: {  	_ =	shalt  }
0x49: {  	_ =	shalt  }
0x4a: {  	_ =	shalt  }
0x4b: {  	_ =	shalt  }
0x4c: {  	_ =	shalt  }
0x4d: {  	_ =	shalt  }
0x4e: {  	_ =	shalt  }
0x4f: {  	_ =	shalt  }
0x50: {  	_ =	shalt  }
0x51: {  	_ =	shalt  }
0x52: {  	_ =	shalt  }
0x53: {  	_ =	shalt  }
0x54: {  	_ =	shalt  }
0x55: {  	_ =	shalt  }
0x56: {  	_ =	shalt  }
0x57: {  	_ =	shalt  }
0x58: {  	_ =	shalt  }
0x59: {  	_ =	shalt  }
0x5a: {  	_ =	shalt  }
0x5b: {  	_ =	shalt  }
0x5c: {  	_ =	shalt  }
0x5d: {  	_ =	shalt  }
0x5e: {  	_ =	shalt  }
0x5f: {  	_ =	shalt  }
0x60: {  	_ =	shalt  }
0x61: {  	_ =	shalt  }
0x62: {  	_ =	shalt  }
0x63: {  	_ =	shalt  }
0x64: {  	_ =	shalt  }
0x65: {  	_ =	shalt  }
0x66: {  	_ =	shalt  }
0x67: {  	_ =	shalt  }
0x68: {  	_ =	shalt  }
0x69: {  	_ =	shalt  }
0x6a: {  	_ =	shalt  }
0x6b: {  	_ =	shalt  }
0x6c: {  	_ =	shalt  }
0x6d: {  	_ =	shalt  }
0x6e: {  	_ =	shalt  }
0x6f: {  	_ =	shalt  }
0x70: {  	_ =	shalt  }
0x71: {  	_ =	shalt  }
0x72: {  	_ =	shalt  }
0x73: {  	_ =	shalt  }
0x74: {  	_ =	shalt  }
0x75: {  	_ =	shalt  }
0x76: {  	_ =	shalt  }
0x77: {  	_ =	shalt  }
0x78: {  	_ =	shalt  }
0x79: {  	_ =	shalt  }
0x7a: {  	_ =	shalt  }
0x7b: {  	_ =	shalt  }
0x7c: {  	_ =	shalt  }
0x7d: {  	_ =	shalt  }
0x7e: {  	_ =	shalt  }
0x7f: {  	_ =	shalt  }
0x80: {  	_ =	shalt  }
0x81: {  	_ =	shalt  }
0x82: {  	_ =	shalt  }
0x83: {  	_ =	shalt  }
0x84: {  	_ =	shalt  }
0x85: {  	_ =	shalt  }
0x86: {  	_ =	shalt  }
0x87: {  	_ =	shalt  }
.Lfunc_end0:
.L_simem_size_0:
called_computation_lowered:
.L_overlay_start_0:
0x88: {  	s2 =	sld [smem:$0x3FD9]  }
0x89: {  	s3 =	sld [smem:$0x3FFE];
	_ =	sdelay $0x1  }
0x8a: {  	s1 =	srdreg.scid  }
0x8b: {  	s0 =	sand.u32 $0x1, s1  }
0x8c: {  	s16 =	sshll.u32 s0, $0xA;
	s2 =	sadd.s32 s3, s2  }
0x8d: {  	s2 =	sadd.s32 s2, s16  }
0x8e: {  	[smem:$0x3FC4] =	sst s2  }
0x8f: {  	_ = 	snop  }
0x90: {  	(tm) =	ssettm $0x1  }
0x91: {  	s17 =	sld [smem:$0x3FFB];
	_ =	sdelay $0x3  }
0x92: {  	_ =	strace s17  }
0x93: {  	s2 =	sld [smem:$0x3FFC];
	_ =	sdelay $0x3  }
0x94: {  	_ =	strace s2  }
0x95: {  	s2 =	sld [smem:$0x3FFD];
	_ =	sdelay $0x3  }
0x96: {  	_ =	strace s2  }
0x97: {  	_ =	strace $0x8FFFFFFF  }
0x98: {  	s18 =	sld [smem:$0x3FDB];
	_ =	sdelay $0x1  }
0x99: {  	s19 =	simm.s32 $_scs_section_size  }
0x9a: {  	s4 =	simm.s32 $_size__tile_overlayer_lowered;
	s5 =	simm.s32 $_tile_overlayer_lowered  }
0x9b: {  	s22 =	simm.s32 $0x1BFF;
	s21 =	sshll.u32 s5, $0x1;
	s2 =	sadd.s32 s19, s18  }
0x9c: {  	s6 =	simm.s32 $0x0;
	s20 =	sshll.u32 s4, $0x1;
	s4 =	sadd.s32 s21, s2  }
0x9d: {  	[timem:s6], [sflag:s22] =	dma.local [hbm:s4], s20  }
0x9e: {  	_ =	swait.ge [sflag:s22], s20  }
0x9f: {  	s3 =	ssub.s32 $0x0, s20;
	[sflag:s22] =	ssyncset.done $0x0  }
0xa0: {  	[sflag:s22] =	ssyncadd.s32 s3;
	_ =	sdelay $0x1  }
0xa1: {  	s23 =	simm.s32 $0x1B8B  }
0xa2: {  	_ =	swait.ge [sflag:s23], $0x1  }
0xa3: {  	[sflag:s23] =	ssyncset.done $0x0  }
0xa4: {  	s25 =	simm.s32 $0x1B8E;
	s24 =	sld [smem:$0x3FFE];
	[sflag:s23] =	ssyncadd.s32 $0xFFFFFFFF  }
0xa5: {  	s26 =	simm.s32 $execute0_lowered;
	[smem:$0x3FD2] =	sst s25  }
0xa6: {  	s4 =	sshll.u32 s26, $0x1;
	_ =	strace $0x80000046;
	[dreg:$0x1] =	wrdreg $0xFFFFFFFF  }
0xa7: {  	s28 =	simm.s32 $_size_execute0_lowered;
	s2 =	sadd.s32 s2, s4;
	[dreg:$0x0] =	wrdreg $0x0  }
0xa8: {  	s4 =	sshll.u32 s28, $0x1;
	[dreg:$0x2] =	wrdreg s2  }
0xa9: {  	[dreg:$0x3] =	wrdreg s4  }
0xaa: {  	[dreg:$0x4] =	wrdreg $0xC0  }
0xab: {  	_ =	task [dreg:s6], $0x5FFFF  }
0xac: {  	[dreg:$0x1] =	wrdreg $0xFFFFFFFF  }
0xad: {  	[dreg:$0x0] =	wrdreg $0x60  }
0xae: {  	[dreg:$0x2] =	wrdreg s24  }
0xaf: {  	[dreg:$0x3] =	wrdreg $0x68000  }
0xb0: {  	[dreg:$0x4] =	wrdreg $0x9  }
0xb1: {  	_ =	task.clear_ibuf [dreg:s6], $0x5FFFF;
	_ =	strace $0x90000046  }
0xb2: {  	s29 =	simm.s32 $0x9;
	_ =	strace $0x80000048  }
0xb3: {  	_ =	swait.ge [sflag:s29], $0x1  }
0xb4: {  	[sflag:s29] =	ssyncadd.s32 $0xFFFFFFFF  }
0xb5: {  	_ =	strace $0x90000048  }
0xb6: {  	_ =	sfence  }
0xb7: {  	s30 =	sld [smem:$0x0];
	_ =	sdelay $0x2  }
0xb8: {  	s31 =	sshll.u32 s1, $0xD;
	s1 =	sshrl.u32 s1, $0x2  }
0xb9: {  	s3 =	sand.u32 $0x4000, s31;
	s1 =	sadd.s32 s1, s30  }
0xba: {  	s0 =	sor.u32 s3, s0;
	s1 =	sshll.u32 s1, $0x11  }
0xbb: {  	s0 =	sor.u32 s1, s0  }
0xbc: {  	s0 =	sadd.s32 $0x8F2B, s0  }
0xbd: {  	[sflag:s0] =	ssyncadd.remote.s32 $0x1  }
0xbe: {  	_ =	sfence.sel $0xFFFF  }
0xbf: {  	[dreg:$0x0] =	wrdreg $0xFFFFFFFF;
	(pc) =	sbr.abs _section_cstart, $3  }
0xc0: {  	[dreg:$0x1] =	wrdreg $0xFFFFFFFF  }
0xc1: {  	_ =	task.clear_ibuf [dreg:s6], $0x2FFFF;
	_ =	strace $0x9FFFFFFF  }
0xc2: {  	(tm) =	ssettm $0x7FFFFFFF  }
0xc3: {  	_ =	shalt  }
tec
execute0_lowered:
.L_overlay_start_1:
0x0: {  	(tag) =	ssettag $0x1  }
0x1: {  	s4 =	rddreg [dreg:$0x0]  }
0x2: {  	s2 =	rddreg [dreg:$0x1]  }
0x3: {  	s0 =	rddreg [dreg:$0x2]  }
0x4: {  	s1 =	stileid.u32;
	s5 =	srdreg.scid  }
0x5: {  	s3 =	simm.s32 $0x0;
	s12 =	simm.s32 $0x50;
	s13 =	simm.s32 $0x2880  }
0x6: {  	s14 =	simm.s32 $0x2900;
	s15 =	simm.s32 $0x2980;
	s16 =	simm.s32 $0x1  }
0x7: {  	s17 =	simm.s32 $0x0;
	s6 =	smul.u32 $0x14000, s1;
	s5 =	sand.u32 $0x1, s5  }
0x8: {  	[smem:$0x7FF] =	sst s3;
	s8 =	sshll.u32 s1, $0xB;
	s10 =	smul.u32 $0x50000, s1  }
0x9: {  	s31 =	sshll.u32 s1, $0x6;
	s7 =	smul.u32 $0x140000, s5;
	_ =	strace $0x80000047  }
0xa: {  	s24 =	sadd.s32 s8, s4;
	s26 =	ssub.s32 $0x2, s5;
	s5 =	sshll.u32 s5, $0xF  }
0xb: {  	s8 =	simm.s32 $0x2800;
	s9 =	sshrl.u32 s6, $0x3;
	s28 =	sshrl.u32 s26, $0x1  }
0xc: {  	s5 =	sadd.s32 s5, s24;
	s30 =	sshrl.u32 s10, $0x2;
	s10 =	sor.u32 $0x1C02, s31  }
0xd: {  	s6 =	sadd.s32 s6, s7;
	s25 =	sadd.s32 s9, s4;
	s29 =	ssub.s32 s26, s28  }
0xe: {  	s11 =	sadd.s32 s30, s2;
	s9 =	simm.s32 $0x2;
	s6 =	sshrl.u32 s6, $0x3  }
0xf: {  	s7 =	smax.u32 s29, $0x1;
	s11 =	sshrl.u32 s11, $0x3;
	s6 =	sadd.s32 s6, s4  }
0x10: {  	v0 =	vimm.f32 $1.000000000e+00;
	s4 =	sadd.s32 $0x1400, s5;
	s5 =	sadd.s32 $0x11400, s25;
	s6 =	sadd.s32 $0x39400, s6  }
.LBB2_1:
0x11: {  	s18 =	simm.s32 $0x200;
	s19 =	simm.s32 $0x0  }
.LBB2_2:
0x12: {  	p0 =	sne.s32 s18, $0x9E00;
	[tilespmem:s19+$0x0] =	vst v0;
	s19 =	smov.u32 s18;
	s18 =	sadd.s32 $0x200, s18  }
.Ltmp0:
0x13: {  	(pc) =	sbr.rel @p0 .LBB2_2-.Ltmp0, $2  }
0x14: {  	_ =	sdelay $0x2  }
0x15: {  	s19 =	sshra.s32 s19, $0x2  }
0x16: {  	[tilespmem:s19+$0x0] =	vst v0  }
0x17: {  	[tilespmem:s8], [sflag:$0x2] =	stream.linear.gather [hbm4b:s4+s3], $0x3E80, $0x38;
	[tilespmem:$0x9000] =	vst v63  }
0x18: {  	_ =	swait.ge [sflag:s9], $0x3E80  }
0x19: {  	[sflag:s9] =	ssyncset.done $0x0  }
0x1a: {  	[sflag:s9] =	ssyncadd.s32 $0xFFFFC180  }
0x1b: {  	[spmem:s11], [sflag:s10] =	dma.local [hbm:s5], $0x2800  }
0x1c: {  	_ =	swait.ge [sflag:s9], $0x2800  }
0x1d: {  	[sflag:s9] =	ssyncset.done $0x0  }
0x1e: {  	[sflag:s9] =	ssyncadd.s32 $0xFFFFD800  }
0x1f: {  	[bflag:$0x0] =	sbarrier.arrive $0xFFFF  }
0x20: {  	[spmem:s2] =	stream.indirect.scatter.add.f32 [tilespmem:s3], [sflag:$0x1], $0x10, s8, s12, $0xb8;
	[tilespmem:$0x9000] =	vst v63  }
0x21: {  	_ = 	snop  }
0x22: {  	[spmem:s2] =	stream.indirect.scatter.add.f32 [tilespmem:s3], [sflag:$0x1], $0x10, s13, s12, $0xb8;
	[tilespmem:$0x9000] =	vst v63  }
0x23: {  	_ = 	snop  }
0x24: {  	[spmem:s2] =	stream.indirect.scatter.add.f32 [tilespmem:s3], [sflag:$0x1], $0x10, s14, s12, $0xb8;
	[tilespmem:$0x9000] =	vst v63  }
0x25: {  	_ = 	snop  }
0x26: {  	[spmem:s2] =	stream.indirect.scatter.add.f32 [tilespmem:s3], [sflag:$0x1], $0x10, s15, s12, $0xb8;
	[tilespmem:$0x9000] =	vst v63  }
0x27: {  	s18 =	simm.s32 $0x2A00  }
0x28: {  	[spmem:s2] =	stream.indirect.scatter.add.f32 [tilespmem:s3], [sflag:$0x1], $0x10, s18, s12, $0xb8;
	[tilespmem:$0x9000] =	vst v63  }
0x29: {  	s18 =	simm.s32 $0xA00;
	_ =	swait.ge [sflag:s16], $0x500  }
.LBB2_4:
0x2a: {  	s19 =	sshra.s32 s18, $0x2;
	[sflag:s16] =	ssyncset.done $0x0;
	p0 =	sne.s32 s18, $0xF800  }
.Ltmp1:
0x2b: {  	s19 =	sadd.s32 $0x2800, s19;
	[sflag:s16] =	ssyncadd.s32 $0xFFFFFB00;
	(pc) =	sbr.rel @p0 .LBB2_4-.Ltmp1, $3  }
0x2c: {  	[spmem:s2] =	stream.indirect.scatter.add.f32 [tilespmem:s3], [sflag:$0x1], $0x10, s19, s12, $0xb8;
	[tilespmem:$0x9000] =	vst v63  }
0x2d: {  	s18 =	sadd.s32 $0x200, s18;
	_ =	sdelay $0x1  }
0x2e: {  	_ =	swait.ge [sflag:s16], $0x500  }
0x2f: {  	[sflag:s16] =	ssyncset.done $0x0  }
0x30: {  	[sflag:s16] =	ssyncadd.s32 $0xFFFFFB00  }
0x31: {  	_ =	swait.ge [sflag:s16], $0x500  }
0x32: {  	[sflag:s16] =	ssyncset.done $0x0  }
0x33: {  	[sflag:s16] =	ssyncadd.s32 $0xFFFFFB00  }
0x34: {  	_ =	swait.ge [sflag:s16], $0x500  }
0x35: {  	[sflag:s16] =	ssyncset.done $0x0  }
0x36: {  	[sflag:s16] =	ssyncadd.s32 $0xFFFFFB00  }
0x37: {  	_ =	swait.ge [sflag:s16], $0x500  }
0x38: {  	[sflag:s16] =	ssyncset.done $0x0  }
0x39: {  	[sflag:s16] =	ssyncadd.s32 $0xFFFFFB00  }
0x3a: {  	_ =	swait.ge [sflag:s16], $0x500  }
0x3b: {  	s17 =	sadd.s32 $0x1, s17;
	[sflag:s16] =	ssyncset.done $0x0  }
0x3c: {  	p0 =	sne.s32 s17, s7;
	[sflag:s16] =	ssyncadd.s32 $0xFFFFFB00  }
.Ltmp2:
0x3d: {  	[bflag:$0x0] =	sbarrier.arrive $0xFFFF;
	(pc) =	sbr.rel @p0 .LBB2_1-.Ltmp2, $4  }
0x3e: {  	[hbm:s6], [sflag:s10] =	dma.local [spmem:s11], $0x2800  }
0x3f: {  	_ =	swait.ge [sflag:s9], $0x2800  }
0x40: {  	[sflag:s9] =	ssyncset.done $0x0  }
0x41: {  	[sflag:s9] =	ssyncadd.s32 $0xFFFFD800  }
0x42: {  	_ =	sfence.sel $0x180000  }
0x43: {  	[bflag:$0x0] =	sbarrier.arrive $0xFFFF  }
0x44: {  	p0 =	sne.s32 s1, $0x0;
	_ =	strace $0x90000047  }
0x45: {  	s0 =	sadd.s32 @!p0 $0x100000, s0;
	[bflag:$0x2] =	sbarrier.arrive $0xFFFF  }
0x46: {  	[sflag:s0] =	ssyncadd.tile.s32 @!p0 $0x1;
	_ =	shalt  }
.Lfunc_end2:
_tile_overlayer_lowered:
.L_overlay_start_2:
0x47: {  	(tag) =	ssettag $0x2  }
0x48: {  	s0 =	rddreg [dreg:$0x0];
	s2 =	stileid.u32  }
0x49: {  	s1 =	rddreg [dreg:$0x1];
	p0 =	sne.s32 s2, $0x0  }
0x4a: {  	s3 =	rddreg [dreg:$0x2];
	[bflag:$0x3] =	sbarrier.arrive $0xFFFF;
	s2 =	simm.s32 @!p0 $0x1C02  }
0x4b: {  	[timem:s3], [sflag:s2] =	dma.local @!p0 [hbm:s0], s1  }
0x4c: {  	s0 =	simm.s32 @!p0 $0x2  }
0x4d: {  	_ =	swait.ge @!p0 [sflag:s0], s1  }
0x4e: {  	s1 =	ssub.s32 @!p0 $0x0, s1;
	[sflag:s0] =	ssyncset.done @!p0 $0x0  }
0x4f: {  	[sflag:s0] =	ssyncadd.s32 @!p0 s1  }
0x50: {  	[bflag:$0x3] =	sbarrier.arrive $0xFFFF  }
0x51: {  	_ =	shalt  }

// kernel: kernel.9.cloned.1.call-start
scs
__scs_entry_jumppad:
0x0: {  	(pc) =	sbr.rel $0x88, $3  }
0x1: {  	(tag) =	ssettag $0x0;
	lr =	simm.s32 $0x1  }
0x2: {  	[smem:$0x3F9D] =	sst lr;
	_ =	strace $0xD0000000  }
0x3: {  	_ = 	snop  }
0x4: {  	_ = 	snop  }
0x5: {  	_ = 	snop  }
0x6: {  	_ = 	snop  }
0x7: {  	_ = 	snop  }
__scs_overlays_trampoline_lowered:
0x8: {  	[smem:$0x3FAC] =	sst s0  }
0x9: {  	[smem:$0x3FAD] =	sst s1  }
0xa: {  	[smem:$0x3FAE] =	sst s2  }
0xb: {  	[smem:$0x3FAF] =	sst s3  }
0xc: {  	[smem:$0x3FB0] =	sst s4  }
0xd: {  	[smem:$0x3FB1] =	sst s5  }
0xe: {  	[smem:$0x3FB2] =	sst s6  }
0xf: {  	[smem:$0x3FB3] =	sst s7  }
0x10: {  	[smem:$0x3FB4] =	sst s8  }
0x11: {  	[smem:$0x3FB5] =	sst s9;
	s0 =	simm.s32 @!p0 $0x0  }
0x12: {  	s1 =	sld [smem:$0x3F9B];
	s0 =	simm.s32 @p0 $0x1  }
0x13: {  	[smem:$0x3FB6] =	sst s0;
	s0 =	simm.s32 @!p1 $0x0  }
0x14: {  	s2 =	sld [smem:$0x3F9A];
	s0 =	simm.s32 @p1 $0x1  }
0x15: {  	[smem:$0x3FB7] =	sst s0;
	s0 =	simm.s32 @!p2 $0x0  }
0x16: {  	s3 =	sld [smem:$0x3FDB];
	s0 =	simm.s32 @p2 $0x1  }
0x17: {  	s4 =	simm.s32 $0x1BF5;
	[smem:$0x3FB9] =	sst s0  }
0x18: {  	s0 =	sld [smem:$0x3F9C];
	_ =	swait.ge [sflag:s4], $0x0  }
0x19: {  	s7 =	sld [smem:$0x3F9D]  }
0x1a: {  	s8 =	sadd.s32 $0xFFFFE003, lr  }
0x1b: {  	s9 =	sadd.s32 $0xFFFFFEF7, lr;
	s5 =	simm.s32 $0xFFFFFFFF;
	p2 =	slt.u32 s8, $0xFFFFF086  }
0x1c: {  	p1 =	slt.u32 s9, $0xF7A;
	s5 =	simm.s32 @!p2 $0x0  }
0x1d: {  	s5 =	simm.s32 @p1 $0x1;
	p0 =	seq.s32 s7, s2  }
0x1e: {  	s7 =	smul.u32 @!p0 $0xF7A, s2;
	p2 =	seq.s32 @!p0 s5, $0x0  }
0x1f: {  	s9 =	smul.u32 $0xF7A, s1;
	s8 =	simm.s32 @!p0 $0x1BF5;
	p2 =	por !p2, p0  }
0x20: {  	[sflag:s8] =	ssyncset.s32 @!p0 $0xFFFFF086;
	s6 =	sadd.s32 @!p0 s3, s7;
	s7 =	simm.s32 @!p0 $0x108  }
0x21: {  	s3 =	sadd.s32 s3, s9;
	s6 =	sadd.s32 @!p0 $0x88, s6;
	s7 =	simm.s32 @p2 $0x1082  }
0x22: {  	[simem:s7], [sflag:s8] =	dma.local @!p0 [hbm:s6], $0xF7A  }
0x23: {  	s9 =	sor.u32 $0xD0000000, s2;
	s6 =	simm.s32 $0x108;
	_ =	swait.ge @!p0 [sflag:s8], $0x0  }
0x24: {  	s3 =	sadd.s32 $0x88, s3;
	s6 =	simm.s32 @!p1 $0x1082;
	[sflag:s4] =	ssyncset.s32 $0xFFFFF086  }
0x25: {  	[simem:s6], [sflag:s4] =	dma.local [hbm:s3], $0xF7A  }
0x26: {  	[smem:$0x3F9D] =	sst s1;
	(tag) =	ssettag s2;
	_ =	strace s9  }
0x27: {  	s1 =	sld [smem:$0x3FAD]  }
0x28: {  	s2 =	sld [smem:$0x3FAE]  }
0x29: {  	s4 =	sld [smem:$0x3FB0]  }
0x2a: {  	p0 =	seq.s32 s5, $0x0;
	s5 =	sld [smem:$0x3FB1]  }
0x2b: {  	s6 =	sld [smem:$0x3FB2]  }
0x2c: {  	s7 =	sld [smem:$0x3FB3]  }
0x2d: {  	s3 =	simm.s32 $0x108;
	s8 =	sld [smem:$0x3FB4]  }
0x2e: {  	s3 =	simm.s32 @!p0 $0x1082;
	s9 =	sld [smem:$0x3FB5]  }
0x2f: {  	lr =	sadd.s32 s0, s3;
	s0 =	sld [smem:$0x3FAC]  }
0x30: {  	s3 =	sld [smem:$0x3FAF]  }
0x31: {  	[smem:$0x3FB8] =	sst s10  }
0x32: {  	s10 =	sld [smem:$0x3FB6];
	_ =	sdelay $0x3  }
0x33: {  	p0 =	seq.s32 s10, $0x1;
	s10 =	sld [smem:$0x3FB8];
	_ =	sdelay $0x3  }
0x34: {  	[smem:$0x3FB8] =	sst s10  }
0x35: {  	s10 =	sld [smem:$0x3FB7];
	_ =	sdelay $0x3  }
0x36: {  	p1 =	seq.s32 s10, $0x1;
	s10 =	sld [smem:$0x3FB8];
	_ =	sdelay $0x3  }
0x37: {  	[smem:$0x3FB8] =	sst s10  }
0x38: {  	s10 =	sld [smem:$0x3FB9]  }
0x39: {  	_ = 	snop;
	(pc) =	sbr.ind lr, $3  }
0x3a: {  	_ = 	snop  }
0x3b: {  	_ = 	snop  }
0x3c: {  	p2 =	seq.s32 s10, $0x1;
	s10 =	sld [smem:$0x3FB8]  }
0x3d: {  	_ =	shalt  }
0x3e: {  	_ =	shalt  }
0x3f: {  	_ =	shalt  }
0x40: {  	_ =	shalt  }
0x41: {  	_ =	shalt  }
0x42: {  	_ =	shalt  }
0x43: {  	_ =	shalt  }
0x44: {  	_ =	shalt  }
0x45: {  	_ =	shalt  }
0x46: {  	_ =	shalt  }
0x47: {  	_ =	shalt  }
0x48: {  	_ =	shalt  }
0x49: {  	_ =	shalt  }
0x4a: {  	_ =	shalt  }
0x4b: {  	_ =	shalt  }
0x4c: {  	_ =	shalt  }
0x4d: {  	_ =	shalt  }
0x4e: {  	_ =	shalt  }
0x4f: {  	_ =	shalt  }
0x50: {  	_ =	shalt  }
0x51: {  	_ =	shalt  }
0x52: {  	_ =	shalt  }
0x53: {  	_ =	shalt  }
0x54: {  	_ =	shalt  }
0x55: {  	_ =	shalt  }
0x56: {  	_ =	shalt  }
0x57: {  	_ =	shalt  }
0x58: {  	_ =	shalt  }
0x59: {  	_ =	shalt  }
0x5a: {  	_ =	shalt  }
0x5b: {  	_ =	shalt  }
0x5c: {  	_ =	shalt  }
0x5d: {  	_ =	shalt  }
0x5e: {  	_ =	shalt  }
0x5f: {  	_ =	shalt  }
0x60: {  	_ =	shalt  }
0x61: {  	_ =	shalt  }
0x62: {  	_ =	shalt  }
0x63: {  	_ =	shalt  }
0x64: {  	_ =	shalt  }
0x65: {  	_ =	shalt  }
0x66: {  	_ =	shalt  }
0x67: {  	_ =	shalt  }
0x68: {  	_ =	shalt  }
0x69: {  	_ =	shalt  }
0x6a: {  	_ =	shalt  }
0x6b: {  	_ =	shalt  }
0x6c: {  	_ =	shalt  }
0x6d: {  	_ =	shalt  }
0x6e: {  	_ =	shalt  }
0x6f: {  	_ =	shalt  }
0x70: {  	_ =	shalt  }
0x71: {  	_ =	shalt  }
0x72: {  	_ =	shalt  }
0x73: {  	_ =	shalt  }
0x74: {  	_ =	shalt  }
0x75: {  	_ =	shalt  }
0x76: {  	_ =	shalt  }
0x77: {  	_ =	shalt  }
0x78: {  	_ =	shalt  }
0x79: {  	_ =	shalt  }
0x7a: {  	_ =	shalt  }
0x7b: {  	_ =	shalt  }
0x7c: {  	_ =	shalt  }
0x7d: {  	_ =	shalt  }
0x7e: {  	_ =	shalt  }
0x7f: {  	_ =	shalt  }
0x80: {  	_ =	shalt  }
0x81: {  	_ =	shalt  }
0x82: {  	_ =	shalt  }
0x83: {  	_ =	shalt  }
0x84: {  	_ =	shalt  }
0x85: {  	_ =	shalt  }
0x86: {  	_ =	shalt  }
0x87: {  	_ =	shalt  }
.Lfunc_end0:
.L_simem_size_0:
called_computation.1_lowered:
.L_overlay_start_0:
0x88: {  	s2 =	sld [smem:$0x3FD9]  }
0x89: {  	s3 =	sld [smem:$0x3FFE];
	_ =	sdelay $0x1  }
0x8a: {  	s1 =	srdreg.scid  }
0x8b: {  	s0 =	sand.u32 $0x1, s1  }
0x8c: {  	s17 =	sshll.u32 s0, $0xA;
	s2 =	sadd.s32 s3, s2  }
0x8d: {  	s2 =	sadd.s32 s2, s17  }
0x8e: {  	[smem:$0x3FC4] =	sst s2  }
0x8f: {  	_ = 	snop  }
0x90: {  	s2 =	sld [smem:$0x3FD0];
	(tm) =	ssettm $0x1  }
0x91: {  	s18 =	sld [smem:$0x3FFB];
	_ =	sdelay $0x3  }
0x92: {  	_ =	strace s18  }
0x93: {  	s3 =	sld [smem:$0x3FFC];
	_ =	sdelay $0x3  }
0x94: {  	_ =	strace s3  }
0x95: {  	s3 =	sld [smem:$0x3FFD];
	_ =	sdelay $0x3  }
0x96: {  	_ =	strace s3  }
0x97: {  	_ =	strace $0x8FFFFFFF  }
0x98: {  	s19 =	sld [smem:$0x3FDB];
	_ =	sdelay $0x1  }
0x99: {  	s4 =	simm.s32 $_scs_section_size  }
0x9a: {  	s5 =	simm.s32 $_size__tile_overlayer_lowered;
	s6 =	simm.s32 $_tile_overlayer_lowered  }
0x9b: {  	s22 =	simm.s32 $0x1BFF;
	s21 =	sshll.u32 s6, $0x1;
	s3 =	sadd.s32 s4, s19  }
0x9c: {  	s7 =	simm.s32 $0x0;
	s20 =	sshll.u32 s5, $0x1;
	s5 =	sadd.s32 s21, s3  }
0x9d: {  	[timem:s7], [sflag:s22] =	dma.local [hbm:s5], s20  }
0x9e: {  	_ =	swait.ge [sflag:s22], s20  }
0x9f: {  	s4 =	ssub.s32 $0x0, s20;
	[sflag:s22] =	ssyncset.done $0x0  }
0xa0: {  	[sflag:s22] =	ssyncadd.s32 s4;
	_ =	sdelay $0x1  }
0xa1: {  	s23 =	simm.s32 $0x1B8B  }
0xa2: {  	_ =	swait.ge [sflag:s23], $0x1  }
0xa3: {  	[sflag:s23] =	ssyncset.done $0x0  }
0xa4: {  	s25 =	simm.s32 $0x1B8E;
	s24 =	sld [smem:$0x3FFE];
	[sflag:s23] =	ssyncadd.s32 $0xFFFFFFFF  }
0xa5: {  	s26 =	simm.s32 $execute0_lowered;
	[smem:$0x3FD2] =	sst s25  }
0xa6: {  	s5 =	sshll.u32 s26, $0x1;
	_ =	strace $0x80000049;
	[dreg:$0x1] =	wrdreg $0xFFFFFFFF  }
0xa7: {  	s28 =	simm.s32 $_size_execute0_lowered;
	s3 =	sadd.s32 s3, s5;
	[dreg:$0x0] =	wrdreg $0x0  }
0xa8: {  	s5 =	sshll.u32 s28, $0x1;
	[dreg:$0x2] =	wrdreg s3  }
0xa9: {  	[dreg:$0x3] =	wrdreg s5  }
0xaa: {  	[dreg:$0x4] =	wrdreg $0xC0  }
0xab: {  	_ =	task [dreg:s7], $0x5FFFF  }
0xac: {  	[dreg:$0x1] =	wrdreg $0xFFFFFFFF  }
0xad: {  	[dreg:$0x0] =	wrdreg $0x60  }
0xae: {  	[dreg:$0x2] =	wrdreg s24  }
0xaf: {  	[dreg:$0x3] =	wrdreg s2  }
0xb0: {  	[dreg:$0x4] =	wrdreg $0xB8000  }
0xb1: {  	[dreg:$0x5] =	wrdreg $0x9  }
0xb2: {  	_ =	task.clear_ibuf [dreg:s7], $0x6FFFF;
	_ =	strace $0x90000049  }
0xb3: {  	s29 =	simm.s32 $0x9;
	_ =	strace $0x8000004B  }
0xb4: {  	_ =	swait.ge [sflag:s29], $0x1  }
0xb5: {  	[sflag:s29] =	ssyncadd.s32 $0xFFFFFFFF  }
0xb6: {  	_ =	strace $0x9000004B  }
0xb7: {  	_ =	sfence  }
0xb8: {  	s30 =	sld [smem:$0x0];
	_ =	sdelay $0x2  }
0xb9: {  	s31 =	sshll.u32 s1, $0xD;
	s1 =	sshrl.u32 s1, $0x2  }
0xba: {  	s3 =	sand.u32 $0x4000, s31;
	s1 =	sadd.s32 s1, s30  }
0xbb: {  	s0 =	sor.u32 s3, s0;
	s1 =	sshll.u32 s1, $0x11  }
0xbc: {  	s0 =	sor.u32 s1, s0  }
0xbd: {  	s0 =	sadd.s32 $0x8F2B, s0  }
0xbe: {  	[sflag:s0] =	ssyncadd.remote.s32 $0x1  }
0xbf: {  	_ =	sfence.sel $0xFFFF  }
0xc0: {  	[dreg:$0x0] =	wrdreg $0xFFFFFFFF;
	(pc) =	sbr.abs _section_cstart, $3  }
0xc1: {  	[dreg:$0x1] =	wrdreg $0xFFFFFFFF  }
0xc2: {  	_ =	task.clear_ibuf [dreg:s7], $0x2FFFF;
	_ =	strace $0x9FFFFFFF  }
0xc3: {  	(tm) =	ssettm $0x7FFFFFFF  }
tec
execute0_lowered:
.L_overlay_start_1:
0x0: {  	(tag) =	ssettag $0x1  }
0x1: {  	s0 =	rddreg [dreg:$0x0];
	s1 =	srdreg.scid  }
0x2: {  	s10 =	stileid.u32;
	s11 =	rddreg [dreg:$0x1]  }
0x3: {  	s3 =	rddreg [dreg:$0x2];
	s2 =	smul.u32 $0x14000, s10  }
0x4: {  	s4 =	simm.s32 $0x0;
	s1 =	sand.u32 $0x1, s1;
	s8 =	smul.u32 $0x50000, s10  }
0x5: {  	[smem:$0x7FF] =	sst s4;
	s30 =	sadd.s32 $0x1400, s0;
	s25 =	smul.u32 $0x7D00, s10  }
0x6: {  	s24 =	sshll.u32 s10, $0x6;
	s5 =	smul.u32 $0x140000, s1;
	_ =	strace $0x8000004A  }
0x7: {  	s7 =	ssub.s32 $0x2, s1;
	s9 =	sshll.u32 s1, $0x4;
	s1 =	smul.u32 $0x7D000, s1  }
0x8: {  	s21 =	sshrl.u32 s7, $0x1;
	s9 =	sor.u32 s10, s9;
	s22 =	sshrl.u32 s8, $0x2  }
0x9: {  	s10 =	sor.u32 $0x1C0F, s24;
	s6 =	sadd.s32 s2, s5;
	s23 =	smul.u32 $0x7D00, s9  }
0xa: {  	s2 =	sshrl.u32 s2, $0x3;
	s1 =	sadd.s32 s25, s1;
	[dreg:$0x12] =	wrdreg s10  }
0xb: {  	s6 =	sshrl.u32 s6, $0x3;
	s2 =	sadd.s32 s30, s2;
	s5 =	sadd.s32 $0xE00, s1  }
0xc: {  	s9 =	sadd.s32 $0xB00, s1;
	s12 =	sadd.s32 $0xA00, s1;
	s16 =	sadd.s32 $0x900, s1  }
0xd: {  	s18 =	sadd.s32 $0x800, s1;
	s0 =	sadd.s32 s6, s0;
	s6 =	ssub.s32 s7, s21  }
0xe: {  	s7 =	sadd.s32 s22, s3;
	s8 =	sshrl.u32 s23, $0x3;
	[dreg:$0x11] =	wrdreg s2  }
0xf: {  	s19 =	sadd.s32 $0x700, s1;
	[dreg:$0x10] =	wrdreg s7;
	s26 =	sadd.s32 s11, s8  }
0x10: {  	s25 =	sadd.s32 $0x500, s1;
	s0 =	sadd.s32 $0x89400, s0;
	[dreg:$0x13] =	wrdreg s26  }
0x11: {  	s14 =	sshrl.u32 s12, $0x3;
	s6 =	smax.u32 s6, $0x1;
	[dreg:$0x18] =	wrdreg s0  }
0x12: {  	s21 =	sshrl.u32 s19, $0x3;
	s15 =	sadd.s32 s14, s11;
	[dreg:$0x19] =	wrdreg s6  }
0x13: {  	s3 =	sadd.s32 $0xF00, s1;
	s22 =	sadd.s32 s21, s11;
	[dreg:$0x8] =	wrdreg s15  }
0x14: {  	s17 =	sshrl.u32 s16, $0x3;
	s28 =	sadd.s32 $0x20, s26;
	[dreg:$0xb] =	wrdreg s22  }
0x15: {  	s23 =	sadd.s32 $0x600, s1;
	s29 =	sadd.s32 $0x40, s26;
	[dreg:$0x14] =	wrdreg s28  }
0x16: {  	s4 =	sshrl.u32 s3, $0x3;
	s31 =	sadd.s32 $0x60, s26;
	[dreg:$0x15] =	wrdreg s29  }
0x17: {  	s7 =	sadd.s32 $0xD00, s1;
	s2 =	sadd.s32 $0xF80, s26;
	[dreg:$0x16] =	wrdreg s31  }
0x18: {  	s0 =	sadd.s32 s4, s11;
	s8 =	sshrl.u32 s7, $0x3;
	[dreg:$0x17] =	wrdreg s2  }
0x19: {  	s26 =	sadd.s32 $0x400, s1;
	s1 =	sadd.s32 $0xC00, s1;
	[dreg:$0x4] =	wrdreg s0  }
0x1a: {  	s2 =	sshrl.u32 s5, $0x3;
	s0 =	sadd.s32 s8, s11;
	[dreg:$0x1a] =	wrdreg s1  }
0x1b: {  	s24 =	sshrl.u32 s23, $0x3;
	s6 =	sadd.s32 s2, s11;
	[dreg:$0x6] =	wrdreg s0  }
0x1c: {  	s29 =	sshrl.u32 s26, $0x3;
	s0 =	sadd.s32 s17, s11;
	[dreg:$0x5] =	wrdreg s6  }
0x1d: {  	s2 =	sshrl.u32 s9, $0x3;
	s31 =	sadd.s32 s29, s11;
	[dreg:$0x9] =	wrdreg s0  }
0x1e: {  	s14 =	simm.s32 $0xF;
	s13 =	sadd.s32 s2, s11;
	[dreg:$0xe] =	wrdreg s31  }
0x1f: {  	s2 =	sshrl.u32 s18, $0x3;
	s0 =	sadd.s32 s24, s11;
	[dreg:$0x7] =	wrdreg s13  }
0x20: {  	s20 =	sadd.s32 s2, s11;
	s2 =	sshrl.u32 s25, $0x3;
	[dreg:$0xc] =	wrdreg s0  }
0x21: {  	s22 =	simm.s32 $0x50;
	[dreg:$0xa] =	wrdreg s20;
	s28 =	sadd.s32 s2, s11  }
0x22: {  	s17 =	simm.s32 $0x1480;
	s0 =	simm.s32 $0x0;
	[dreg:$0xd] =	wrdreg s28  }
.LBB2_1:
0x23: {  	[dreg:$0x1b] =	wrdreg s0  }
0x24: {  	s2 =	rddreg [dreg:$0x10]  }
0x25: {  	s6 =	rddreg [dreg:$0x11];
	s5 =	sshrl.u32 s2, $0x3  }
0x26: {  	[dreg:$0x1c] =	wrdreg s5  }
0x27: {  	[spmem:s5], [sflag:s10] =	dma.local [hbm:s6], $0x2800  }
0x28: {  	_ =	swait.ge [sflag:s14], $0x2800  }
0x29: {  	[sflag:s14] =	ssyncset.done $0x0  }
0x2a: {  	[sflag:s14] =	ssyncadd.s32 $0xFFFFD800  }
0x2b: {  	[bflag:$0x0] =	sbarrier.arrive $0xFFFF  }
0x2c: {  	s28 =	simm.s32 $0x0;
	s7 =	rddreg [dreg:$0x13]  }
0x2d: {  	[tilespmem:s28], [sflag:$0x1] =	stream.linear.gather [hbm4b:s7+s28], $0x100, $0x38;
	[tilespmem:$0x1F800] =	vst v63  }
0x2e: {  	s14 =	simm.s32 $0x400;
	s8 =	rddreg [dreg:$0x14]  }
0x2f: {  	[tilespmem:s14], [sflag:$0x2] =	stream.linear.gather [hbm4b:s8+s28], $0x100, $0x38;
	[tilespmem:$0x1F800] =	vst v63  }
0x30: {  	s18 =	simm.s32 $0x800;
	s9 =	rddreg [dreg:$0x15]  }
0x31: {  	[tilespmem:s18], [sflag:$0x3] =	stream.linear.gather [hbm4b:s9+s28], $0x100, $0x38;
	[tilespmem:$0x1F800] =	vst v63  }
0x32: {  	s20 =	simm.s32 $0x1;
	s5 =	simm.s32 $0xC00;
	s10 =	rddreg [dreg:$0x16]  }
0x33: {  	[tilespmem:s5], [sflag:$0x4] =	stream.linear.gather [hbm4b:s10+s28], $0x100, $0x38;
	[tilespmem:$0x1F800] =	vst v63  }
0x34: {  	_ =	swait.ge [sflag:s20], $0x100  }
0x35: {  	[sflag:s20] =	ssyncset.done $0x0  }
0x36: {  	s21 =	simm.s32 $0x1800;
	s23 =	simm.s32 $0x2;
	[sflag:s20] =	ssyncadd.s32 $0xFFFFFF00  }
0x37: {  	[tilespmem:s21], [sflag:$0x7] =	stream.indirect.gather [hbm4b:s30+s22], $0x80, s28, s22, $0xb8;
	[tilespmem:$0x1F800] =	vst v63  }
0x38: {  	_ =	swait.ge [sflag:s23], $0x100  }
0x39: {  	p0 =	por $0x1, $0x1;
	[sflag:s23] =	ssyncset.done $0x0  }
0x3a: {  	s24 =	simm.s32 $0x4000;
	s2 =	simm.s32 @!p0 $0xD;
	[sflag:s23] =	ssyncadd.s32 $0xFFFFFF00  }
0x3b: {  	[tilespmem:s24], [sflag:$0x8] =	stream.indirect.gather [hbm4b:s30+s22], $0x80, s14, s22, $0xb8;
	[tilespmem:$0x1F800] =	vst v63  }
0x3c: {  	_ =	swait.ge @!p0 [sflag:s2], $0x2800  }
0x3d: {  	s19 =	simm.s32 $0x1000;
	s11 =	rddreg [dreg:$0xe];
	[sflag:s2] =	ssyncset.done @!p0 $0x0  }
0x3e: {  	s16 =	simm.s32 $0x3;
	[sflag:s2] =	ssyncadd.s32 @!p0 $0xFFFFD800;
	s12 =	sadd.s32 $0x0, s11  }
0x3f: {  	[tilespmem:s19], [sflag:$0x5] =	stream.linear.gather [hbm4b:s12+s28], $0x100, $0x38;
	[tilespmem:$0x1F800] =	vst v63  }
0x40: {  	_ =	swait.ge [sflag:s16], $0x100  }
0x41: {  	[sflag:s16] =	ssyncset.done $0x0  }
0x42: {  	s1 =	simm.s32 $0x6800;
	s7 =	simm.s32 $0x7;
	[sflag:s16] =	ssyncadd.s32 $0xFFFFFF00  }
0x43: {  	[tilespmem:s1], [sflag:$0x9] =	stream.indirect.gather [hbm4b:s30+s22], $0x80, s18, s22, $0xb8;
	[tilespmem:$0x1F800] =	vst v63  }
0x44: {  	_ =	swait.ge [sflag:s7], $0x2800  }
0x45: {  	[sflag:s7] =	ssyncset.done $0x0  }
0x46: {  	[sflag:s7] =	ssyncadd.s32 $0xFFFFD800  }
0x47: {  	s6 =	simm.s32 $0x80;
	s2 =	simm.s32 @!p0 $0xE;
	s4 =	rddreg [dreg:$0x2]  }
0x48: {  	[spmem:s4] =	stream.indirect.scatter.add.f32 [tilespmem:s21], [sflag:$0xB], $0x80, s6, s22, $0xb8;
	[tilespmem:$0x1F800] =	vst v63  }
0x49: {  	_ =	swait.ge @!p0 [sflag:s2], $0x2800  }
0x4a: {  	s10 =	simm.s32 $0x4;
	s13 =	rddreg [dreg:$0xd];
	[sflag:s2] =	ssyncset.done @!p0 $0x0  }
0x4b: {  	s12 =	simm.s32 $0x1400;
	[sflag:s2] =	ssyncadd.s32 @!p0 $0xFFFFD800;
	s15 =	sadd.s32 $0x0, s13  }
0x4c: {  	[tilespmem:s12], [sflag:$0x6] =	stream.linear.gather [hbm4b:s15+s28], $0x100, $0x38;
	[tilespmem:$0x1F800] =	vst v63  }
0x4d: {  	_ =	swait.ge [sflag:s10], $0x100  }
0x4e: {  	[sflag:s10] =	ssyncset.done $0x0  }
0x4f: {  	s9 =	simm.s32 $0x9000;
	s11 =	simm.s32 $0x8;
	[sflag:s10] =	ssyncadd.s32 $0xFFFFFF00  }
0x50: {  	[tilespmem:s9], [sflag:$0xA] =	stream.indirect.gather [hbm4b:s30+s22], $0x80, s5, s22, $0xb8;
	[tilespmem:$0x1F800] =	vst v63  }
0x51: {  	_ =	swait.ge [sflag:s11], $0x2800  }
0x52: {  	[sflag:s11] =	ssyncset.done $0x0  }
0x53: {  	s25 =	simm.s32 $0x480;
	s13 =	simm.s32 $0xB;
	[sflag:s11] =	ssyncadd.s32 $0xFFFFD800  }
0x54: {  	[spmem:s4] =	stream.indirect.scatter.add.f32 [tilespmem:s24], [sflag:$0xC], $0x80, s25, s22, $0xb8;
	[tilespmem:$0x1F800] =	vst v63  }
0x55: {  	_ =	swait.ge [sflag:s13], $0x2800  }
0x56: {  	s26 =	rddreg [dreg:$0xc];
	[sflag:s13] =	ssyncset.done $0x0  }
0x57: {  	s25 =	simm.s32 $0x5;
	[sflag:s13] =	ssyncadd.s32 $0xFFFFD800;
	s2 =	sadd.s32 $0x0, s26  }
0x58: {  	[tilespmem:s28], [sflag:$0x1] =	stream.linear.gather [hbm4b:s2+s28], $0x100, $0x38;
	[tilespmem:$0x1F800] =	vst v63  }
0x59: {  	_ =	swait.ge [sflag:s25], $0x100  }
0x5a: {  	[sflag:s25] =	ssyncset.done $0x0  }
0x5b: {  	s15 =	simm.s32 $0x9;
	[sflag:s25] =	ssyncadd.s32 $0xFFFFFF00  }
0x5c: {  	[tilespmem:s21], [sflag:$0x7] =	stream.indirect.gather [hbm4b:s30+s22], $0x80, s19, s22, $0xb8;
	[tilespmem:$0x1F800] =	vst v63  }
0x5d: {  	_ =	swait.ge [sflag:s15], $0x2800  }
0x5e: {  	[sflag:s15] =	ssyncset.done $0x0  }
0x5f: {  	s8 =	simm.s32 $0xC;
	s26 =	simm.s32 $0x880;
	[sflag:s15] =	ssyncadd.s32 $0xFFFFD800  }
0x60: {  	[spmem:s4] =	stream.indirect.scatter.add.f32 [tilespmem:s1], [sflag:$0xD], $0x80, s26, s22, $0xb8;
	[tilespmem:$0x1F800] =	vst v63  }
0x61: {  	_ =	swait.ge [sflag:s8], $0x2800  }
0x62: {  	s29 =	rddreg [dreg:$0xb];
	[sflag:s8] =	ssyncset.done $0x0  }
0x63: {  	s3 =	simm.s32 $0x6;
	[sflag:s8] =	ssyncadd.s32 $0xFFFFD800;
	s2 =	sadd.s32 $0x0, s29  }
0x64: {  	[tilespmem:s14], [sflag:$0x2] =	stream.linear.gather [hbm4b:s2+s28], $0x100, $0x38;
	[tilespmem:$0x1F800] =	vst v63  }
0x65: {  	_ =	swait.ge [sflag:s3], $0x100  }
0x66: {  	[sflag:s3] =	ssyncset.done $0x0  }
0x67: {  	s29 =	simm.s32 $0xA;
	[sflag:s3] =	ssyncadd.s32 $0xFFFFFF00  }
0x68: {  	[tilespmem:s24], [sflag:$0x8] =	stream.indirect.gather [hbm4b:s30+s22], $0x80, s12, s22, $0xb8;
	[tilespmem:$0x1F800] =	vst v63  }
0x69: {  	_ =	swait.ge [sflag:s29], $0x2800  }
0x6a: {  	[sflag:s29] =	ssyncset.done $0x0  }
0x6b: {  	s31 =	simm.s32 $0xC80;
	[sflag:s29] =	ssyncadd.s32 $0xFFFFD800  }
0x6c: {  	[spmem:s4] =	stream.indirect.scatter.add.f32 [tilespmem:s9], [sflag:$0xE], $0x80, s31, s22, $0xb8;
	[tilespmem:$0x1F800] =	vst v63  }
0x6d: {  	s31 =	simm.s32 $0xD  }
0x6e: {  	_ =	swait.ge [sflag:s31], $0x2800  }
0x6f: {  	s0 =	rddreg [dreg:$0xa];
	[sflag:s31] =	ssyncset.done $0x0  }
0x70: {  	[sflag:s31] =	ssyncadd.s32 $0xFFFFD800;
	s2 =	sadd.s32 $0x0, s0  }
0x71: {  	[tilespmem:s18], [sflag:$0x3] =	stream.linear.gather [hbm4b:s2+s28], $0x100, $0x38;
	[tilespmem:$0x1F800] =	vst v63  }
0x72: {  	_ =	swait.ge [sflag:s20], $0x100  }
0x73: {  	[sflag:s20] =	ssyncset.done $0x0  }
0x74: {  	[sflag:s20] =	ssyncadd.s32 $0xFFFFFF00  }
0x75: {  	[tilespmem:s1], [sflag:$0x9] =	stream.indirect.gather [hbm4b:s30+s22], $0x80, s28, s22, $0xb8;
	[tilespmem:$0x1F800] =	vst v63  }
0x76: {  	_ =	swait.ge [sflag:s7], $0x2800  }
0x77: {  	[sflag:s7] =	ssyncset.done $0x0  }
0x78: {  	s0 =	simm.s32 $0xE;
	s2 =	simm.s32 $0x1080;
	[sflag:s7] =	ssyncadd.s32 $0xFFFFD800  }
0x79: {  	[spmem:s4] =	stream.indirect.scatter.add.f32 [tilespmem:s21], [sflag:$0xB], $0x80, s2, s22, $0xb8;
	[tilespmem:$0x1F800] =	vst v63  }
0x7a: {  	_ =	swait.ge [sflag:s0], $0x2800  }
0x7b: {  	s2 =	rddreg [dreg:$0x9];
	[sflag:s0] =	ssyncset.done $0x0  }
0x7c: {  	[sflag:s0] =	ssyncadd.s32 $0xFFFFD800;
	s2 =	sadd.s32 $0x0, s2  }
0x7d: {  	[tilespmem:s5], [sflag:$0x4] =	stream.linear.gather [hbm4b:s2+s28], $0x100, $0x38;
	[tilespmem:$0x1F800] =	vst v63  }
0x7e: {  	_ =	swait.ge [sflag:s23], $0x100  }
0x7f: {  	[sflag:s23] =	ssyncset.done $0x0  }
0x80: {  	[sflag:s23] =	ssyncadd.s32 $0xFFFFFF00  }
0x81: {  	[tilespmem:s9], [sflag:$0xA] =	stream.indirect.gather [hbm4b:s30+s22], $0x80, s14, s22, $0xb8;
	[tilespmem:$0x1F800] =	vst v63  }
0x82: {  	_ =	swait.ge [sflag:s11], $0x2800  }
0x83: {  	[sflag:s11] =	ssyncset.done $0x0  }
0x84: {  	[sflag:s11] =	ssyncadd.s32 $0xFFFFD800  }
0x85: {  	[spmem:s4] =	stream.indirect.scatter.add.f32 [tilespmem:s24], [sflag:$0xC], $0x80, s17, s22, $0xb8;
	[tilespmem:$0x1F800] =	vst v63  }
0x86: {  	_ =	swait.ge [sflag:s13], $0x2800  }
0x87: {  	s17 =	rddreg [dreg:$0x8];
	[sflag:s13] =	ssyncset.done $0x0  }
0x88: {  	[sflag:s13] =	ssyncadd.s32 $0xFFFFD800;
	s2 =	sadd.s32 $0x0, s17  }
0x89: {  	[tilespmem:s19], [sflag:$0x5] =	stream.linear.gather [hbm4b:s2+s28], $0x100, $0x38;
	[tilespmem:$0x1F800] =	vst v63  }
0x8a: {  	_ =	swait.ge [sflag:s16], $0x100  }
0x8b: {  	[sflag:s16] =	ssyncset.done $0x0  }
0x8c: {  	[sflag:s16] =	ssyncadd.s32 $0xFFFFFF00  }
0x8d: {  	[tilespmem:s21], [sflag:$0x7] =	stream.indirect.gather [hbm4b:s30+s22], $0x80, s18, s22, $0xb8;
	[tilespmem:$0x1F800] =	vst v63  }
0x8e: {  	_ =	swait.ge [sflag:s15], $0x2800  }
0x8f: {  	[sflag:s15] =	ssyncset.done $0x0  }
0x90: {  	[sflag:s15] =	ssyncadd.s32 $0xFFFFD800  }
0x91: {  	[spmem:s4] =	stream.indirect.scatter.add.f32 [tilespmem:s1], [sflag:$0xD], $0x80, s6, s22, $0xb8;
	[tilespmem:$0x1F800] =	vst v63  }
0x92: {  	_ =	swait.ge [sflag:s8], $0x2800  }
0x93: {  	s6 =	rddreg [dreg:$0x7];
	[sflag:s8] =	ssyncset.done $0x0  }
0x94: {  	[sflag:s8] =	ssyncadd.s32 $0xFFFFD800;
	s2 =	sadd.s32 $0x0, s6  }
0x95: {  	[tilespmem:s12], [sflag:$0x6] =	stream.linear.gather [hbm4b:s2+s28], $0x100, $0x38;
	[tilespmem:$0x1F800] =	vst v63  }
0x96: {  	_ =	swait.ge [sflag:s10], $0x100  }
0x97: {  	[sflag:s10] =	ssyncset.done $0x0  }
0x98: {  	[sflag:s10] =	ssyncadd.s32 $0xFFFFFF00  }
0x99: {  	[tilespmem:s24], [sflag:$0x8] =	stream.indirect.gather [hbm4b:s30+s22], $0x80, s5, s22, $0xb8;
	[tilespmem:$0x1F800] =	vst v63  }
0x9a: {  	_ =	swait.ge [sflag:s29], $0x2800  }
0x9b: {  	[sflag:s29] =	ssyncset.done $0x0  }
0x9c: {  	s16 =	simm.s32 $0x480;
	[sflag:s29] =	ssyncadd.s32 $0xFFFFD800  }
0x9d: {  	[spmem:s4] =	stream.indirect.scatter.add.f32 [tilespmem:s9], [sflag:$0xE], $0x80, s16, s22, $0xb8;
	[tilespmem:$0x1F800] =	vst v63  }
0x9e: {  	_ =	swait.ge [sflag:s31], $0x2800  }
0x9f: {  	[sflag:s31] =	ssyncset.done $0x0  }
0xa0: {  	s16 =	rddreg [dreg:$0x1a];
	[sflag:s31] =	ssyncadd.s32 $0xFFFFD800  }
0xa1: {  	s17 =	sshrl.u32 s16, $0x3;
	s6 =	rddreg [dreg:$0x1]  }
0xa2: {  	s2 =	sadd.s32 s6, s17  }
0xa3: {  	[tilespmem:s28], [sflag:$0x1] =	stream.linear.gather [hbm4b:s2+s28], $0x100, $0x38;
	[tilespmem:$0x1F800] =	vst v63  }
0xa4: {  	_ =	swait.ge [sflag:s25], $0x100  }
0xa5: {  	[sflag:s25] =	ssyncset.done $0x0  }
0xa6: {  	[sflag:s25] =	ssyncadd.s32 $0xFFFFFF00  }
0xa7: {  	[tilespmem:s1], [sflag:$0x9] =	stream.indirect.gather [hbm4b:s30+s22], $0x80, s19, s22, $0xb8;
	[tilespmem:$0x1F800] =	vst v63  }
0xa8: {  	_ =	swait.ge [sflag:s7], $0x2800  }
0xa9: {  	[sflag:s7] =	ssyncset.done $0x0  }
0xaa: {  	[sflag:s7] =	ssyncadd.s32 $0xFFFFD800  }
0xab: {  	[spmem:s4] =	stream.indirect.scatter.add.f32 [tilespmem:s21], [sflag:$0xB], $0x80, s26, s22, $0xb8;
	[tilespmem:$0x1F800] =	vst v63  }
0xac: {  	_ =	swait.ge [sflag:s0], $0x2800  }
0xad: {  	s17 =	rddreg [dreg:$0x6];
	[sflag:s0] =	ssyncset.done $0x0  }
0xae: {  	[sflag:s0] =	ssyncadd.s32 $0xFFFFD800;
	s2 =	sadd.s32 $0x0, s17  }
0xaf: {  	[tilespmem:s14], [sflag:$0x2] =	stream.linear.gather [hbm4b:s2+s28], $0x100, $0x38;
	[tilespmem:$0x1F800] =	vst v63  }
0xb0: {  	_ =	swait.ge [sflag:s3], $0x100  }
0xb1: {  	[sflag:s3] =	ssyncset.done $0x0  }
0xb2: {  	[sflag:s3] =	ssyncadd.s32 $0xFFFFFF00  }
0xb3: {  	[tilespmem:s9], [sflag:$0xA] =	stream.indirect.gather [hbm4b:s30+s22], $0x80, s12, s22, $0xb8;
	[tilespmem:$0x1F800] =	vst v63  }
0xb4: {  	_ =	swait.ge [sflag:s11], $0x2800  }
0xb5: {  	[sflag:s11] =	ssyncset.done $0x0  }
0xb6: {  	s19 =	simm.s32 $0xC80;
	[sflag:s11] =	ssyncadd.s32 $0xFFFFD800  }
0xb7: {  	[spmem:s4] =	stream.indirect.scatter.add.f32 [tilespmem:s24], [sflag:$0xC], $0x80, s19, s22, $0xb8;
	[tilespmem:$0x1F800] =	vst v63  }
0xb8: {  	_ =	swait.ge [sflag:s13], $0x2800  }
0xb9: {  	s25 =	rddreg [dreg:$0x5];
	[sflag:s13] =	ssyncset.done $0x0  }
0xba: {  	[sflag:s13] =	ssyncadd.s32 $0xFFFFD800;
	s2 =	sadd.s32 $0x0, s25  }
0xbb: {  	[tilespmem:s18], [sflag:$0x3] =	stream.linear.gather [hbm4b:s2+s28], $0x100, $0x38;
	[tilespmem:$0x1F800] =	vst v63  }
0xbc: {  	_ =	swait.ge [sflag:s20], $0x100  }
0xbd: {  	[sflag:s20] =	ssyncset.done $0x0  }
0xbe: {  	[sflag:s20] =	ssyncadd.s32 $0xFFFFFF00  }
0xbf: {  	[tilespmem:s21], [sflag:$0x7] =	stream.indirect.gather [hbm4b:s30+s22], $0x80, s28, s22, $0xb8;
	[tilespmem:$0x1F800] =	vst v63  }
0xc0: {  	_ =	swait.ge [sflag:s15], $0x2800  }
0xc1: {  	[sflag:s15] =	ssyncset.done $0x0  }
0xc2: {  	s26 =	simm.s32 $0x1080;
	[sflag:s15] =	ssyncadd.s32 $0xFFFFD800  }
0xc3: {  	[spmem:s4] =	stream.indirect.scatter.add.f32 [tilespmem:s1], [sflag:$0xD], $0x80, s26, s22, $0xb8;
	[tilespmem:$0x1F800] =	vst v63  }
0xc4: {  	_ =	swait.ge [sflag:s8], $0x2800  }
0xc5: {  	s31 =	rddreg [dreg:$0x4];
	[sflag:s8] =	ssyncset.done $0x0  }
0xc6: {  	[sflag:s8] =	ssyncadd.s32 $0xFFFFD800;
	s2 =	sadd.s32 $0x0, s31  }
0xc7: {  	[tilespmem:s5], [sflag:$0x4] =	stream.linear.gather [hbm4b:s2+s28], $0x100, $0x38;
	[tilespmem:$0x1F800] =	vst v63  }
0xc8: {  	_ =	swait.ge [sflag:s23], $0x100  }
0xc9: {  	[sflag:s23] =	ssyncset.done $0x0  }
0xca: {  	[sflag:s23] =	ssyncadd.s32 $0xFFFFFF00  }
0xcb: {  	[tilespmem:s24], [sflag:$0x8] =	stream.indirect.gather [hbm4b:s30+s22], $0x80, s14, s22, $0xb8;
	[tilespmem:$0x1F800] =	vst v63  }
0xcc: {  	p1 =	por $0x0, $0x0;
	s16 =	sadd.s32 $0xC00, s16;
	_ =	swait.ge [sflag:s29], $0x2800  }
0xcd: {  	s2 =	simm.s32 $0x300;
	s14 =	simm.s32 $0x180;
	[sflag:s29] =	ssyncset.done $0x0  }
.LBB2_2:
0xce: {  	s1 =	simm.s32 $0xA;
	s0 =	smov.u32 s2  }
0xcf: {  	s18 =	simm.s32 @!p1 $0xD;
	[sflag:s1] =	ssyncadd.s32 $0xFFFFD800;
	[dreg:$0xf] =	wrdreg s0  }
0xd0: {  	s9 =	simm.s32 $0x9000;
	s10 =	simm.s32 $0x1480;
	s4 =	rddreg [dreg:$0x2]  }
0xd1: {  	[spmem:s4] =	stream.indirect.scatter.add.f32 [tilespmem:s9], [sflag:$0xE], $0x80, s10, s22, $0xb8;
	[tilespmem:$0x1F800] =	vst v63  }
0xd2: {  	s21 =	simm.s32 $0x1000;
	_ =	swait.ge @!p1 [sflag:s18], $0x2800  }
0xd3: {  	s29 =	simm.s32 $0x3;
	[sflag:s18] =	ssyncset.done @!p1 $0x0;
	s19 =	rddreg [dreg:$0xe]  }
0xd4: {  	s0 =	simm.s32 $0x0;
	[sflag:s18] =	ssyncadd.s32 @!p1 $0xFFFFD800;
	s11 =	sadd.s32 s14, s19  }
0xd5: {  	[tilespmem:s21], [sflag:$0x5] =	stream.linear.gather [hbm4b:s11+s0], $0x100, $0x38;
	[tilespmem:$0x1F800] =	vst v63  }
0xd6: {  	_ =	swait.ge [sflag:s29], $0x100  }
0xd7: {  	s26 =	simm.s32 $0x800;
	[sflag:s29] =	ssyncset.done $0x0  }
0xd8: {  	s6 =	simm.s32 $0x6800;
	s7 =	simm.s32 $0x7;
	[sflag:s29] =	ssyncadd.s32 $0xFFFFFF00  }
0xd9: {  	[tilespmem:s6], [sflag:$0x9] =	stream.indirect.gather [hbm4b:s30+s22], $0x80, s26, s22, $0xb8;
	[tilespmem:$0x1F800] =	vst v63  }
0xda: {  	_ =	swait.ge [sflag:s7], $0x2800  }
0xdb: {  	s24 =	simm.s32 $0x1800;
	[sflag:s7] =	ssyncset.done $0x0  }
0xdc: {  	s3 =	simm.s32 $0x80;
	s18 =	simm.s32 @!p1 $0xE;
	[sflag:s7] =	ssyncadd.s32 $0xFFFFD800  }
0xdd: {  	[spmem:s4] =	stream.indirect.scatter.add.f32 [tilespmem:s24], [sflag:$0xB], $0x80, s3, s22, $0xb8;
	[tilespmem:$0x1F800] =	vst v63  }
0xde: {  	_ =	swait.ge @!p1 [sflag:s18], $0x2800  }
0xdf: {  	s19 =	simm.s32 $0x4;
	[sflag:s18] =	ssyncset.done @!p1 $0x0;
	s12 =	rddreg [dreg:$0xd]  }
0xe0: {  	[sflag:s18] =	ssyncadd.s32 @!p1 $0xFFFFD800;
	s13 =	sadd.s32 s14, s12;
	s12 =	simm.s32 $0x1400  }
0xe1: {  	[tilespmem:s12], [sflag:$0x6] =	stream.linear.gather [hbm4b:s13+s0], $0x100, $0x38;
	[tilespmem:$0x1F800] =	vst v63  }
0xe2: {  	_ =	swait.ge [sflag:s19], $0x100  }
0xe3: {  	[sflag:s19] =	ssyncset.done $0x0  }
0xe4: {  	s10 =	simm.s32 $0xC00;
	s11 =	simm.s32 $0x8;
	[sflag:s19] =	ssyncadd.s32 $0xFFFFFF00  }
0xe5: {  	[tilespmem:s9], [sflag:$0xA] =	stream.indirect.gather [hbm4b:s30+s22], $0x80, s10, s22, $0xb8;
	[tilespmem:$0x1F800] =	vst v63  }
0xe6: {  	_ =	swait.ge [sflag:s11], $0x2800  }
0xe7: {  	s28 =	simm.s32 $0x4000;
	[sflag:s11] =	ssyncset.done $0x0  }
0xe8: {  	s15 =	simm.s32 $0x480;
	s13 =	simm.s32 $0xB;
	[sflag:s11] =	ssyncadd.s32 $0xFFFFD800  }
0xe9: {  	[spmem:s4] =	stream.indirect.scatter.add.f32 [tilespmem:s28], [sflag:$0xC], $0x80, s15, s22, $0xb8;
	[tilespmem:$0x1F800] =	vst v63  }
0xea: {  	_ =	swait.ge [sflag:s13], $0x2800  }
0xeb: {  	s17 =	rddreg [dreg:$0xc];
	[sflag:s13] =	ssyncset.done $0x0  }
0xec: {  	s31 =	simm.s32 $0x5;
	[sflag:s13] =	ssyncadd.s32 $0xFFFFD800;
	s18 =	sadd.s32 s14, s17  }
0xed: {  	[tilespmem:s0], [sflag:$0x1] =	stream.linear.gather [hbm4b:s18+s0], $0x100, $0x38;
	[tilespmem:$0x1F800] =	vst v63  }
0xee: {  	_ =	swait.ge [sflag:s31], $0x100  }
0xef: {  	[sflag:s31] =	ssyncset.done $0x0  }
0xf0: {  	s15 =	simm.s32 $0x9;
	[sflag:s31] =	ssyncadd.s32 $0xFFFFFF00  }
0xf1: {  	[tilespmem:s24], [sflag:$0x7] =	stream.indirect.gather [hbm4b:s30+s22], $0x80, s21, s22, $0xb8;
	[tilespmem:$0x1F800] =	vst v63  }
0xf2: {  	_ =	swait.ge [sflag:s15], $0x2800  }
0xf3: {  	[sflag:s15] =	ssyncset.done $0x0  }
0xf4: {  	s8 =	simm.s32 $0xC;
	s18 =	simm.s32 $0x880;
	[sflag:s15] =	ssyncadd.s32 $0xFFFFD800  }
0xf5: {  	[spmem:s4] =	stream.indirect.scatter.add.f32 [tilespmem:s6], [sflag:$0xD], $0x80, s18, s22, $0xb8;
	[tilespmem:$0x1F800] =	vst v63  }
0xf6: {  	_ =	swait.ge [sflag:s8], $0x2800  }
0xf7: {  	s3 =	simm.s32 $0x6;
	s20 =	rddreg [dreg:$0xb];
	[sflag:s8] =	ssyncset.done $0x0  }
0xf8: {  	[sflag:s8] =	ssyncadd.s32 $0xFFFFD800;
	s18 =	sadd.s32 s14, s20;
	s20 =	simm.s32 $0x400  }
0xf9: {  	[tilespmem:s20], [sflag:$0x2] =	stream.linear.gather [hbm4b:s18+s0], $0x100, $0x38;
	[tilespmem:$0x1F800] =	vst v63  }
0xfa: {  	_ =	swait.ge [sflag:s3], $0x100  }
0xfb: {  	[sflag:s3] =	ssyncset.done $0x0  }
0xfc: {  	[sflag:s3] =	ssyncadd.s32 $0xFFFFFF00  }
0xfd: {  	[tilespmem:s28], [sflag:$0x8] =	stream.indirect.gather [hbm4b:s30+s22], $0x80, s12, s22, $0xb8;
	[tilespmem:$0x1F800] =	vst v63  }
0xfe: {  	_ =	swait.ge [sflag:s1], $0x2800  }
0xff: {  	[sflag:s1] =	ssyncset.done $0x0  }
0x100: {  	s5 =	simm.s32 $0xC80;
	[sflag:s1] =	ssyncadd.s32 $0xFFFFD800  }
0x101: {  	[spmem:s4] =	stream.indirect.scatter.add.f32 [tilespmem:s9], [sflag:$0xE], $0x80, s5, s22, $0xb8;
	[tilespmem:$0x1F800] =	vst v63  }
0x102: {  	s5 =	simm.s32 $0xD  }
0x103: {  	_ =	swait.ge [sflag:s5], $0x2800  }
0x104: {  	s23 =	rddreg [dreg:$0xa];
	[sflag:s5] =	ssyncset.done $0x0  }
0x105: {  	[sflag:s5] =	ssyncadd.s32 $0xFFFFD800;
	s18 =	sadd.s32 s14, s23;
	s23 =	simm.s32 $0x1  }
0x106: {  	[tilespmem:s26], [sflag:$0x3] =	stream.linear.gather [hbm4b:s18+s0], $0x100, $0x38;
	[tilespmem:$0x1F800] =	vst v63  }
0x107: {  	_ =	swait.ge [sflag:s23], $0x100  }
0x108: {  	[sflag:s23] =	ssyncset.done $0x0  }
0x109: {  	[sflag:s23] =	ssyncadd.s32 $0xFFFFFF00  }
0x10a: {  	[tilespmem:s6], [sflag:$0x9] =	stream.indirect.gather [hbm4b:s30+s22], $0x80, s0, s22, $0xb8;
	[tilespmem:$0x1F800] =	vst v63  }
0x10b: {  	_ =	swait.ge [sflag:s7], $0x2800  }
0x10c: {  	[sflag:s7] =	ssyncset.done $0x0  }
0x10d: {  	s17 =	simm.s32 $0x1080;
	[sflag:s7] =	ssyncadd.s32 $0xFFFFD800  }
0x10e: {  	[spmem:s4] =	stream.indirect.scatter.add.f32 [tilespmem:s24], [sflag:$0xB], $0x80, s17, s22, $0xb8;
	[tilespmem:$0x1F800] =	vst v63  }
0x10f: {  	s17 =	simm.s32 $0xE  }
0x110: {  	_ =	swait.ge [sflag:s17], $0x2800  }
0x111: {  	s25 =	rddreg [dreg:$0x9];
	[sflag:s17] =	ssyncset.done $0x0  }
0x112: {  	[sflag:s17] =	ssyncadd.s32 $0xFFFFD800;
	s18 =	sadd.s32 s14, s25;
	s25 =	simm.s32 $0x2  }
0x113: {  	[tilespmem:s10], [sflag:$0x4] =	stream.linear.gather [hbm4b:s18+s0], $0x100, $0x38;
	[tilespmem:$0x1F800] =	vst v63  }
0x114: {  	_ =	swait.ge [sflag:s25], $0x100  }
0x115: {  	[sflag:s25] =	ssyncset.done $0x0  }
0x116: {  	[sflag:s25] =	ssyncadd.s32 $0xFFFFFF00  }
0x117: {  	[tilespmem:s9], [sflag:$0xA] =	stream.indirect.gather [hbm4b:s30+s22], $0x80, s20, s22, $0xb8;
	[tilespmem:$0x1F800] =	vst v63  }
0x118: {  	_ =	swait.ge [sflag:s11], $0x2800  }
0x119: {  	[sflag:s11] =	ssyncset.done $0x0  }
0x11a: {  	s18 =	simm.s32 $0x1480;
	[sflag:s11] =	ssyncadd.s32 $0xFFFFD800  }
0x11b: {  	[spmem:s4] =	stream.indirect.scatter.add.f32 [tilespmem:s28], [sflag:$0xC], $0x80, s18, s22, $0xb8;
	[tilespmem:$0x1F800] =	vst v63  }
0x11c: {  	_ =	swait.ge [sflag:s13], $0x2800  }
0x11d: {  	s18 =	rddreg [dreg:$0x8];
	[sflag:s13] =	ssyncset.done $0x0  }
0x11e: {  	[sflag:s13] =	ssyncadd.s32 $0xFFFFD800;
	s18 =	sadd.s32 s14, s18  }
0x11f: {  	[tilespmem:s21], [sflag:$0x5] =	stream.linear.gather [hbm4b:s18+s0], $0x100, $0x38;
	[tilespmem:$0x1F800] =	vst v63  }
0x120: {  	_ =	swait.ge [sflag:s29], $0x100  }
0x121: {  	[sflag:s29] =	ssyncset.done $0x0  }
0x122: {  	[sflag:s29] =	ssyncadd.s32 $0xFFFFFF00  }
0x123: {  	[tilespmem:s24], [sflag:$0x7] =	stream.indirect.gather [hbm4b:s30+s22], $0x80, s26, s22, $0xb8;
	[tilespmem:$0x1F800] =	vst v63  }
0x124: {  	_ =	swait.ge [sflag:s15], $0x2800  }
0x125: {  	[sflag:s15] =	ssyncset.done $0x0  }
0x126: {  	s29 =	simm.s32 $0x80;
	[sflag:s15] =	ssyncadd.s32 $0xFFFFD800  }
0x127: {  	[spmem:s4] =	stream.indirect.scatter.add.f32 [tilespmem:s6], [sflag:$0xD], $0x80, s29, s22, $0xb8;
	[tilespmem:$0x1F800] =	vst v63  }
0x128: {  	_ =	swait.ge [sflag:s8], $0x2800  }
0x129: {  	s29 =	rddreg [dreg:$0x7];
	[sflag:s8] =	ssyncset.done $0x0  }
0x12a: {  	[sflag:s8] =	ssyncadd.s32 $0xFFFFD800;
	s18 =	sadd.s32 s14, s29  }
0x12b: {  	[tilespmem:s12], [sflag:$0x6] =	stream.linear.gather [hbm4b:s18+s0], $0x100, $0x38;
	[tilespmem:$0x1F800] =	vst v63  }
0x12c: {  	_ =	swait.ge [sflag:s19], $0x100  }
0x12d: {  	[sflag:s19] =	ssyncset.done $0x0  }
0x12e: {  	[sflag:s19] =	ssyncadd.s32 $0xFFFFFF00  }
0x12f: {  	[tilespmem:s28], [sflag:$0x8] =	stream.indirect.gather [hbm4b:s30+s22], $0x80, s10, s22, $0xb8;
	[tilespmem:$0x1F800] =	vst v63  }
0x130: {  	_ =	swait.ge [sflag:s1], $0x2800  }
0x131: {  	[sflag:s1] =	ssyncset.done $0x0  }
0x132: {  	s29 =	simm.s32 $0x480;
	[sflag:s1] =	ssyncadd.s32 $0xFFFFD800  }
0x133: {  	[spmem:s4] =	stream.indirect.scatter.add.f32 [tilespmem:s9], [sflag:$0xE], $0x80, s29, s22, $0xb8;
	[tilespmem:$0x1F800] =	vst v63  }
0x134: {  	_ =	swait.ge [sflag:s5], $0x2800  }
0x135: {  	[sflag:s5] =	ssyncset.done $0x0  }
0x136: {  	[sflag:s5] =	ssyncadd.s32 $0xFFFFD800  }
0x137: {  	s19 =	sshrl.u32 s16, $0x3;
	s29 =	rddreg [dreg:$0x1]  }
0x138: {  	s18 =	sadd.s32 s29, s19  }
0x139: {  	[tilespmem:s0], [sflag:$0x1] =	stream.linear.gather [hbm4b:s18+s0], $0x100, $0x38;
	[tilespmem:$0x1F800] =	vst v63  }
0x13a: {  	_ =	swait.ge [sflag:s31], $0x100  }
0x13b: {  	[sflag:s31] =	ssyncset.done $0x0  }
0x13c: {  	[sflag:s31] =	ssyncadd.s32 $0xFFFFFF00  }
0x13d: {  	[tilespmem:s6], [sflag:$0x9] =	stream.indirect.gather [hbm4b:s30+s22], $0x80, s21, s22, $0xb8;
	[tilespmem:$0x1F800] =	vst v63  }
0x13e: {  	_ =	swait.ge [sflag:s7], $0x2800  }
0x13f: {  	[sflag:s7] =	ssyncset.done $0x0  }
0x140: {  	s31 =	simm.s32 $0x880;
	[sflag:s7] =	ssyncadd.s32 $0xFFFFD800  }
0x141: {  	[spmem:s4] =	stream.indirect.scatter.add.f32 [tilespmem:s24], [sflag:$0xB], $0x80, s31, s22, $0xb8;
	[tilespmem:$0x1F800] =	vst v63  }
0x142: {  	_ =	swait.ge [sflag:s17], $0x2800  }
0x143: {  	s7 =	rddreg [dreg:$0x6];
	[sflag:s17] =	ssyncset.done $0x0  }
0x144: {  	[sflag:s17] =	ssyncadd.s32 $0xFFFFD800;
	s18 =	sadd.s32 s14, s7  }
0x145: {  	[tilespmem:s20], [sflag:$0x2] =	stream.linear.gather [hbm4b:s18+s0], $0x100, $0x38;
	[tilespmem:$0x1F800] =	vst v63  }
0x146: {  	_ =	swait.ge [sflag:s3], $0x100  }
0x147: {  	[sflag:s3] =	ssyncset.done $0x0  }
0x148: {  	[sflag:s3] =	ssyncadd.s32 $0xFFFFFF00  }
0x149: {  	[tilespmem:s9], [sflag:$0xA] =	stream.indirect.gather [hbm4b:s30+s22], $0x80, s12, s22, $0xb8;
	[tilespmem:$0x1F800] =	vst v63  }
0x14a: {  	_ =	swait.ge [sflag:s11], $0x2800  }
0x14b: {  	[sflag:s11] =	ssyncset.done $0x0  }
0x14c: {  	s19 =	simm.s32 $0xC80;
	[sflag:s11] =	ssyncadd.s32 $0xFFFFD800  }
0x14d: {  	[spmem:s4] =	stream.indirect.scatter.add.f32 [tilespmem:s28], [sflag:$0xC], $0x80, s19, s22, $0xb8;
	[tilespmem:$0x1F800] =	vst v63  }
0x14e: {  	_ =	swait.ge [sflag:s13], $0x2800  }
0x14f: {  	s21 =	rddreg [dreg:$0x5];
	[sflag:s13] =	ssyncset.done $0x0  }
0x150: {  	[sflag:s13] =	ssyncadd.s32 $0xFFFFD800;
	s18 =	sadd.s32 s14, s21  }
0x151: {  	[tilespmem:s26], [sflag:$0x3] =	stream.linear.gather [hbm4b:s18+s0], $0x100, $0x38;
	[tilespmem:$0x1F800] =	vst v63  }
0x152: {  	_ =	swait.ge [sflag:s23], $0x100  }
0x153: {  	[sflag:s23] =	ssyncset.done $0x0  }
0x154: {  	[sflag:s23] =	ssyncadd.s32 $0xFFFFFF00  }
0x155: {  	[tilespmem:s24], [sflag:$0x7] =	stream.indirect.gather [hbm4b:s30+s22], $0x80, s0, s22, $0xb8;
	[tilespmem:$0x1F800] =	vst v63  }
0x156: {  	_ =	swait.ge [sflag:s15], $0x2800  }
0x157: {  	[sflag:s15] =	ssyncset.done $0x0  }
0x158: {  	s26 =	simm.s32 $0x1080;
	[sflag:s15] =	ssyncadd.s32 $0xFFFFD800  }
0x159: {  	[spmem:s4] =	stream.indirect.scatter.add.f32 [tilespmem:s6], [sflag:$0xD], $0x80, s26, s22, $0xb8;
	[tilespmem:$0x1F800] =	vst v63  }
0x15a: {  	_ =	swait.ge [sflag:s8], $0x2800  }
0x15b: {  	s29 =	rddreg [dreg:$0x4];
	[sflag:s8] =	ssyncset.done $0x0  }
0x15c: {  	s2 =	sadd.s32 $0x180, s2;
	[sflag:s8] =	ssyncadd.s32 $0xFFFFD800;
	s18 =	sadd.s32 s14, s29  }
0x15d: {  	[tilespmem:s10], [sflag:$0x4] =	stream.linear.gather [hbm4b:s18+s0], $0x100, $0x38;
	[tilespmem:$0x1F800] =	vst v63  }
0x15e: {  	p0 =	sne.s32 s2, $0xF00;
	s31 =	rddreg [dreg:$0xf];
	_ =	swait.ge [sflag:s25], $0x100  }
.Ltmp0:
0x15f: {  	[sflag:s25] =	ssyncset.done $0x0;
	(pc) =	sbr.rel @p0 .LBB2_2-.Ltmp0, $4  }
0x160: {  	[sflag:s25] =	ssyncadd.s32 $0xFFFFFF00  }
0x161: {  	[tilespmem:s28], [sflag:$0x8] =	stream.indirect.gather [hbm4b:s30+s22], $0x80, s20, s22, $0xb8;
	[tilespmem:$0x1F800] =	vst v63  }
0x162: {  	s14 =	smov.u32 s31;
	_ =	swait.ge [sflag:s1], $0x2800  }
0x163: {  	s16 =	sadd.s32 $0xC00, s16;
	p1 =	seq.s32 s14, $0x0;
	[sflag:s1] =	ssyncset.done $0x0  }
0x164: {  	s5 =	simm.s32 $0xA  }
0x165: {  	s2 =	simm.s32 @!p1 $0xD;
	[sflag:s5] =	ssyncadd.s32 $0xFFFFD800  }
0x166: {  	s9 =	simm.s32 $0x9000;
	s0 =	simm.s32 $0x1480;
	s4 =	rddreg [dreg:$0x2]  }
0x167: {  	[spmem:s4] =	stream.indirect.scatter.add.f32 [tilespmem:s9], [sflag:$0xE], $0x80, s0, s22, $0xb8;
	[tilespmem:$0x1F800] =	vst v63  }
0x168: {  	s20 =	simm.s32 $0x1000;
	_ =	swait.ge @!p1 [sflag:s2], $0x2800  }
0x169: {  	s31 =	simm.s32 $0x0;
	s10 =	rddreg [dreg:$0xe];
	[sflag:s2] =	ssyncset.done @!p1 $0x0  }
0x16a: {  	s26 =	simm.s32 $0x3;
	[sflag:s2] =	ssyncadd.s32 @!p1 $0xFFFFD800;
	s1 =	sadd.s32 s14, s10  }
0x16b: {  	[tilespmem:s20], [sflag:$0x5] =	stream.linear.gather [hbm4b:s1+s31], $0x100, $0x38;
	[tilespmem:$0x1F800] =	vst v63  }
0x16c: {  	_ =	swait.ge [sflag:s26], $0x100  }
0x16d: {  	s6 =	simm.s32 $0x6800;
	[sflag:s26] =	ssyncset.done $0x0  }
0x16e: {  	s7 =	simm.s32 $0x7;
	s2 =	simm.s32 $0x800;
	[sflag:s26] =	ssyncadd.s32 $0xFFFFFF00  }
0x16f: {  	[tilespmem:s6], [sflag:$0x9] =	stream.indirect.gather [hbm4b:s30+s22], $0x80, s2, s22, $0xb8;
	[tilespmem:$0x1F800] =	vst v63  }
0x170: {  	_ =	swait.ge [sflag:s7], $0x2800  }
0x171: {  	s23 =	simm.s32 $0x1800;
	[sflag:s7] =	ssyncset.done $0x0  }
0x172: {  	s3 =	simm.s32 $0x80;
	s2 =	simm.s32 @!p1 $0xE;
	[sflag:s7] =	ssyncadd.s32 $0xFFFFD800  }
0x173: {  	[spmem:s4] =	stream.indirect.scatter.add.f32 [tilespmem:s23], [sflag:$0xB], $0x80, s3, s22, $0xb8;
	[tilespmem:$0x1F800] =	vst v63  }
0x174: {  	_ =	swait.ge @!p1 [sflag:s2], $0x2800  }
0x175: {  	s12 =	simm.s32 $0x1400;
	s8 =	rddreg [dreg:$0xd];
	[sflag:s2] =	ssyncset.done @!p1 $0x0  }
0x176: {  	s28 =	simm.s32 $0x4;
	[sflag:s2] =	ssyncadd.s32 @!p1 $0xFFFFD800;
	s11 =	sadd.s32 s14, s8  }
0x177: {  	[tilespmem:s12], [sflag:$0x6] =	stream.linear.gather [hbm4b:s11+s31], $0x100, $0x38;
	[tilespmem:$0x1F800] =	vst v63  }
0x178: {  	_ =	swait.ge [sflag:s28], $0x100  }
0x179: {  	[sflag:s28] =	ssyncset.done $0x0  }
0x17a: {  	s19 =	simm.s32 $0xC00;
	s11 =	simm.s32 $0x8;
	[sflag:s28] =	ssyncadd.s32 $0xFFFFFF00  }
0x17b: {  	[tilespmem:s9], [sflag:$0xA] =	stream.indirect.gather [hbm4b:s30+s22], $0x80, s19, s22, $0xb8;
	[tilespmem:$0x1F800] =	vst v63  }
0x17c: {  	_ =	swait.ge [sflag:s11], $0x2800  }
0x17d: {  	[sflag:s11] =	ssyncset.done $0x0  }
0x17e: {  	s25 =	simm.s32 $0x4000;
	s13 =	simm.s32 $0x480;
	[sflag:s11] =	ssyncadd.s32 $0xFFFFD800  }
0x17f: {  	[spmem:s4] =	stream.indirect.scatter.add.f32 [tilespmem:s25], [sflag:$0xC], $0x80, s13, s22, $0xb8;
	[tilespmem:$0x1F800] =	vst v63  }
0x180: {  	s13 =	simm.s32 $0xB  }
0x181: {  	_ =	swait.ge [sflag:s13], $0x2800  }
0x182: {  	s15 =	rddreg [dreg:$0xc];
	[sflag:s13] =	ssyncset.done $0x0  }
0x183: {  	s29 =	simm.s32 $0x5;
	[sflag:s13] =	ssyncadd.s32 $0xFFFFD800;
	s2 =	sadd.s32 s14, s15  }
0x184: {  	[tilespmem:s31], [sflag:$0x1] =	stream.linear.gather [hbm4b:s2+s31], $0x100, $0x38;
	[tilespmem:$0x1F800] =	vst v63  }
0x185: {  	_ =	swait.ge [sflag:s29], $0x100  }
0x186: {  	[sflag:s29] =	ssyncset.done $0x0  }
0x187: {  	s15 =	simm.s32 $0x9;
	[sflag:s29] =	ssyncadd.s32 $0xFFFFFF00  }
0x188: {  	[tilespmem:s23], [sflag:$0x7] =	stream.indirect.gather [hbm4b:s30+s22], $0x80, s20, s22, $0xb8;
	[tilespmem:$0x1F800] =	vst v63  }
0x189: {  	_ =	swait.ge [sflag:s15], $0x2800  }
0x18a: {  	[sflag:s15] =	ssyncset.done $0x0  }
0x18b: {  	s18 =	simm.s32 $0x880;
	s8 =	simm.s32 $0xC;
	[sflag:s15] =	ssyncadd.s32 $0xFFFFD800  }
0x18c: {  	[spmem:s4] =	stream.indirect.scatter.add.f32 [tilespmem:s6], [sflag:$0xD], $0x80, s18, s22, $0xb8;
	[tilespmem:$0x1F800] =	vst v63  }
0x18d: {  	_ =	swait.ge [sflag:s8], $0x2800  }
0x18e: {  	s3 =	simm.s32 $0x6;
	s21 =	rddreg [dreg:$0xb];
	[sflag:s8] =	ssyncset.done $0x0  }
0x18f: {  	s18 =	simm.s32 $0x400;
	[sflag:s8] =	ssyncadd.s32 $0xFFFFD800;
	s2 =	sadd.s32 s14, s21  }
0x190: {  	[tilespmem:s18], [sflag:$0x2] =	stream.linear.gather [hbm4b:s2+s31], $0x100, $0x38;
	[tilespmem:$0x1F800] =	vst v63  }
0x191: {  	_ =	swait.ge [sflag:s3], $0x100  }
0x192: {  	[sflag:s3] =	ssyncset.done $0x0  }
0x193: {  	[sflag:s3] =	ssyncadd.s32 $0xFFFFFF00  }
0x194: {  	[tilespmem:s25], [sflag:$0x8] =	stream.indirect.gather [hbm4b:s30+s22], $0x80, s12, s22, $0xb8;
	[tilespmem:$0x1F800] =	vst v63  }
0x195: {  	_ =	swait.ge [sflag:s5], $0x2800  }
0x196: {  	[sflag:s5] =	ssyncset.done $0x0  }
0x197: {  	s24 =	simm.s32 $0xC80;
	s1 =	simm.s32 $0xD;
	[sflag:s5] =	ssyncadd.s32 $0xFFFFD800  }
0x198: {  	[spmem:s4] =	stream.indirect.scatter.add.f32 [tilespmem:s9], [sflag:$0xE], $0x80, s24, s22, $0xb8;
	[tilespmem:$0x1F800] =	vst v63  }
0x199: {  	_ =	swait.ge [sflag:s1], $0x2800  }
0x19a: {  	s10 =	simm.s32 $0x800;
	s0 =	rddreg [dreg:$0xa];
	[sflag:s1] =	ssyncset.done $0x0  }
0x19b: {  	s21 =	simm.s32 $0x1;
	[sflag:s1] =	ssyncadd.s32 $0xFFFFD800;
	s2 =	sadd.s32 s14, s0  }
0x19c: {  	[tilespmem:s10], [sflag:$0x3] =	stream.linear.gather [hbm4b:s2+s31], $0x100, $0x38;
	[tilespmem:$0x1F800] =	vst v63  }
0x19d: {  	_ =	swait.ge [sflag:s21], $0x100  }
0x19e: {  	[sflag:s21] =	ssyncset.done $0x0  }
0x19f: {  	[sflag:s21] =	ssyncadd.s32 $0xFFFFFF00  }
0x1a0: {  	[tilespmem:s6], [sflag:$0x9] =	stream.indirect.gather [hbm4b:s30+s22], $0x80, s31, s22, $0xb8;
	[tilespmem:$0x1F800] =	vst v63  }
0x1a1: {  	_ =	swait.ge [sflag:s7], $0x2800  }
0x1a2: {  	[sflag:s7] =	ssyncset.done $0x0  }
0x1a3: {  	s0 =	simm.s32 $0xE;
	s2 =	simm.s32 $0x1080;
	[sflag:s7] =	ssyncadd.s32 $0xFFFFD800  }
0x1a4: {  	[spmem:s4] =	stream.indirect.scatter.add.f32 [tilespmem:s23], [sflag:$0xB], $0x80, s2, s22, $0xb8;
	[tilespmem:$0x1F800] =	vst v63  }
0x1a5: {  	_ =	swait.ge [sflag:s0], $0x2800  }
0x1a6: {  	s24 =	rddreg [dreg:$0x9];
	[sflag:s0] =	ssyncset.done $0x0  }
0x1a7: {  	[sflag:s0] =	ssyncadd.s32 $0xFFFFD800;
	s2 =	sadd.s32 s14, s24;
	s24 =	simm.s32 $0x2  }
0x1a8: {  	[tilespmem:s19], [sflag:$0x4] =	stream.linear.gather [hbm4b:s2+s31], $0x100, $0x38;
	[tilespmem:$0x1F800] =	vst v63  }
0x1a9: {  	_ =	swait.ge [sflag:s24], $0x100  }
0x1aa: {  	[sflag:s24] =	ssyncset.done $0x0  }
0x1ab: {  	[sflag:s24] =	ssyncadd.s32 $0xFFFFFF00  }
0x1ac: {  	[tilespmem:s9], [sflag:$0xA] =	stream.indirect.gather [hbm4b:s30+s22], $0x80, s18, s22, $0xb8;
	[tilespmem:$0x1F800] =	vst v63  }
0x1ad: {  	_ =	swait.ge [sflag:s11], $0x2800  }
0x1ae: {  	[sflag:s11] =	ssyncset.done $0x0  }
0x1af: {  	s2 =	simm.s32 $0x1480;
	[sflag:s11] =	ssyncadd.s32 $0xFFFFD800  }
0x1b0: {  	[spmem:s4] =	stream.indirect.scatter.add.f32 [tilespmem:s25], [sflag:$0xC], $0x80, s2, s22, $0xb8;
	[tilespmem:$0x1F800] =	vst v63  }
0x1b1: {  	_ =	swait.ge [sflag:s13], $0x2800  }
0x1b2: {  	s2 =	rddreg [dreg:$0x8];
	[sflag:s13] =	ssyncset.done $0x0  }
0x1b3: {  	[sflag:s13] =	ssyncadd.s32 $0xFFFFD800;
	s2 =	sadd.s32 s14, s2  }
0x1b4: {  	[tilespmem:s20], [sflag:$0x5] =	stream.linear.gather [hbm4b:s2+s31], $0x100, $0x38;
	[tilespmem:$0x1F800] =	vst v63  }
0x1b5: {  	_ =	swait.ge [sflag:s26], $0x100  }
0x1b6: {  	[sflag:s26] =	ssyncset.done $0x0  }
0x1b7: {  	[sflag:s26] =	ssyncadd.s32 $0xFFFFFF00  }
0x1b8: {  	[tilespmem:s23], [sflag:$0x7] =	stream.indirect.gather [hbm4b:s30+s22], $0x80, s10, s22, $0xb8;
	[tilespmem:$0x1F800] =	vst v63  }
0x1b9: {  	_ =	swait.ge [sflag:s15], $0x2800  }
0x1ba: {  	[sflag:s15] =	ssyncset.done $0x0  }
0x1bb: {  	s17 =	simm.s32 $0x80;
	[sflag:s15] =	ssyncadd.s32 $0xFFFFD800  }
0x1bc: {  	[spmem:s4] =	stream.indirect.scatter.add.f32 [tilespmem:s6], [sflag:$0xD], $0x80, s17, s22, $0xb8;
	[tilespmem:$0x1F800] =	vst v63  }
0x1bd: {  	_ =	swait.ge [sflag:s8], $0x2800  }
0x1be: {  	s17 =	rddreg [dreg:$0x7];
	[sflag:s8] =	ssyncset.done $0x0  }
0x1bf: {  	[sflag:s8] =	ssyncadd.s32 $0xFFFFD800;
	s2 =	sadd.s32 s14, s17  }
0x1c0: {  	[tilespmem:s12], [sflag:$0x6] =	stream.linear.gather [hbm4b:s2+s31], $0x100, $0x38;
	[tilespmem:$0x1F800] =	vst v63  }
0x1c1: {  	_ =	swait.ge [sflag:s28], $0x100  }
0x1c2: {  	[sflag:s28] =	ssyncset.done $0x0  }
0x1c3: {  	[sflag:s28] =	ssyncadd.s32 $0xFFFFFF00  }
0x1c4: {  	[tilespmem:s25], [sflag:$0x8] =	stream.indirect.gather [hbm4b:s30+s22], $0x80, s19, s22, $0xb8;
	[tilespmem:$0x1F800] =	vst v63  }
0x1c5: {  	_ =	swait.ge [sflag:s5], $0x2800  }
0x1c6: {  	[sflag:s5] =	ssyncset.done $0x0  }
0x1c7: {  	s10 =	simm.s32 $0x480;
	[sflag:s5] =	ssyncadd.s32 $0xFFFFD800  }
0x1c8: {  	[spmem:s4] =	stream.indirect.scatter.add.f32 [tilespmem:s9], [sflag:$0xE], $0x80, s10, s22, $0xb8;
	[tilespmem:$0x1F800] =	vst v63  }
0x1c9: {  	_ =	swait.ge [sflag:s1], $0x2800  }
0x1ca: {  	[sflag:s1] =	ssyncset.done $0x0  }
0x1cb: {  	[sflag:s1] =	ssyncadd.s32 $0xFFFFD800  }
0x1cc: {  	s16 =	sshrl.u32 s16, $0x3;
	s17 =	rddreg [dreg:$0x1]  }
0x1cd: {  	s2 =	sadd.s32 s17, s16  }
0x1ce: {  	[tilespmem:s31], [sflag:$0x1] =	stream.linear.gather [hbm4b:s2+s31], $0x100, $0x38;
	[tilespmem:$0x1F800] =	vst v63  }
0x1cf: {  	_ =	swait.ge [sflag:s29], $0x100  }
0x1d0: {  	[sflag:s29] =	ssyncset.done $0x0  }
0x1d1: {  	[sflag:s29] =	ssyncadd.s32 $0xFFFFFF00  }
0x1d2: {  	[tilespmem:s6], [sflag:$0x9] =	stream.indirect.gather [hbm4b:s30+s22], $0x80, s20, s22, $0xb8;
	[tilespmem:$0x1F800] =	vst v63  }
0x1d3: {  	_ =	swait.ge [sflag:s7], $0x2800  }
0x1d4: {  	[sflag:s7] =	ssyncset.done $0x0  }
0x1d5: {  	s10 =	simm.s32 $0x880;
	[sflag:s7] =	ssyncadd.s32 $0xFFFFD800  }
0x1d6: {  	[spmem:s4] =	stream.indirect.scatter.add.f32 [tilespmem:s23], [sflag:$0xB], $0x80, s10, s22, $0xb8;
	[tilespmem:$0x1F800] =	vst v63  }
0x1d7: {  	_ =	swait.ge [sflag:s0], $0x2800  }
0x1d8: {  	s16 =	rddreg [dreg:$0x6];
	[sflag:s0] =	ssyncset.done $0x0  }
0x1d9: {  	[sflag:s0] =	ssyncadd.s32 $0xFFFFD800;
	s2 =	sadd.s32 s14, s16  }
0x1da: {  	[tilespmem:s18], [sflag:$0x2] =	stream.linear.gather [hbm4b:s2+s31], $0x100, $0x38;
	[tilespmem:$0x1F800] =	vst v63  }
0x1db: {  	_ =	swait.ge [sflag:s3], $0x100  }
0x1dc: {  	[sflag:s3] =	ssyncset.done $0x0  }
0x1dd: {  	[sflag:s3] =	ssyncadd.s32 $0xFFFFFF00  }
0x1de: {  	[tilespmem:s9], [sflag:$0xA] =	stream.indirect.gather [hbm4b:s30+s22], $0x80, s12, s22, $0xb8;
	[tilespmem:$0x1F800] =	vst v63  }
0x1df: {  	_ =	swait.ge [sflag:s11], $0x2800  }
0x1e0: {  	[sflag:s11] =	ssyncset.done $0x0  }
0x1e1: {  	s3 =	simm.s32 $0xC80;
	[sflag:s11] =	ssyncadd.s32 $0xFFFFD800  }
0x1e2: {  	[spmem:s4] =	stream.indirect.scatter.add.f32 [tilespmem:s25], [sflag:$0xC], $0x80, s3, s22, $0xb8;
	[tilespmem:$0x1F800] =	vst v63  }
0x1e3: {  	_ =	swait.ge [sflag:s13], $0x2800  }
0x1e4: {  	s17 =	rddreg [dreg:$0x5];
	[sflag:s13] =	ssyncset.done $0x0  }
0x1e5: {  	s16 =	simm.s32 $0x800;
	[sflag:s13] =	ssyncadd.s32 $0xFFFFD800;
	s2 =	sadd.s32 s14, s17  }
0x1e6: {  	[tilespmem:s16], [sflag:$0x3] =	stream.linear.gather [hbm4b:s2+s31], $0x100, $0x38;
	[tilespmem:$0x1F800] =	vst v63  }
0x1e7: {  	_ =	swait.ge [sflag:s21], $0x100  }
0x1e8: {  	[sflag:s21] =	ssyncset.done $0x0  }
0x1e9: {  	[sflag:s21] =	ssyncadd.s32 $0xFFFFFF00  }
0x1ea: {  	[tilespmem:s23], [sflag:$0x7] =	stream.indirect.gather [hbm4b:s30+s22], $0x80, s31, s22, $0xb8;
	[tilespmem:$0x1F800] =	vst v63  }
0x1eb: {  	_ =	swait.ge [sflag:s15], $0x2800  }
0x1ec: {  	[sflag:s15] =	ssyncset.done $0x0  }
0x1ed: {  	s12 =	simm.s32 $0x1080;
	[sflag:s15] =	ssyncadd.s32 $0xFFFFD800  }
0x1ee: {  	[spmem:s4] =	stream.indirect.scatter.add.f32 [tilespmem:s6], [sflag:$0xD], $0x80, s12, s22, $0xb8;
	[tilespmem:$0x1F800] =	vst v63  }
0x1ef: {  	_ =	swait.ge [sflag:s8], $0x2800  }
0x1f0: {  	s21 =	rddreg [dreg:$0x4];
	[sflag:s8] =	ssyncset.done $0x0  }
0x1f1: {  	s2 =	sadd.s32 s14, s21;
	[sflag:s8] =	ssyncadd.s32 $0xFFFFD800  }
0x1f2: {  	[tilespmem:s19], [sflag:$0x4] =	stream.linear.gather [hbm4b:s2+s31], $0x100, $0x38;
	[tilespmem:$0x1F800] =	vst v63  }
0x1f3: {  	_ =	swait.ge [sflag:s24], $0x100  }
0x1f4: {  	[sflag:s24] =	ssyncset.done $0x0  }
0x1f5: {  	[sflag:s24] =	ssyncadd.s32 $0xFFFFFF00  }
0x1f6: {  	[tilespmem:s25], [sflag:$0x8] =	stream.indirect.gather [hbm4b:s30+s22], $0x80, s18, s22, $0xb8;
	[tilespmem:$0x1F800] =	vst v63  }
0x1f7: {  	_ =	swait.ge [sflag:s5], $0x2800  }
0x1f8: {  	[sflag:s5] =	ssyncset.done $0x0  }
0x1f9: {  	s14 =	simm.s32 $0x1480;
	[sflag:s5] =	ssyncadd.s32 $0xFFFFD800  }
0x1fa: {  	[spmem:s4] =	stream.indirect.scatter.add.f32 [tilespmem:s9], [sflag:$0xE], $0x80, s14, s22, $0xb8;
	[tilespmem:$0x1F800] =	vst v63  }
0x1fb: {  	_ =	swait.ge [sflag:s1], $0x2800  }
0x1fc: {  	[sflag:s1] =	ssyncset.done $0x0  }
0x1fd: {  	s18 =	rddreg [dreg:$0x17];
	[sflag:s1] =	ssyncadd.s32 $0xFFFFD800  }
0x1fe: {  	[tilespmem:s20], [sflag:$0x5] =	stream.linear.gather [hbm4b:s18+s31], $0x100, $0x38;
	[tilespmem:$0x1F800] =	vst v63  }
0x1ff: {  	_ =	swait.ge [sflag:s26], $0x100  }
0x200: {  	[sflag:s26] =	ssyncset.done $0x0  }
0x201: {  	[sflag:s26] =	ssyncadd.s32 $0xFFFFFF00  }
0x202: {  	[tilespmem:s6], [sflag:$0x9] =	stream.indirect.gather [hbm4b:s30+s22], $0x80, s16, s22, $0xb8;
	[tilespmem:$0x1F800] =	vst v63  }
0x203: {  	_ =	swait.ge [sflag:s7], $0x2800  }
0x204: {  	[sflag:s7] =	ssyncset.done $0x0  }
0x205: {  	s21 =	simm.s32 $0x80;
	[sflag:s7] =	ssyncadd.s32 $0xFFFFD800  }
0x206: {  	[spmem:s4] =	stream.indirect.scatter.add.f32 [tilespmem:s23], [sflag:$0xB], $0x80, s21, s22, $0xb8;
	[tilespmem:$0x1F800] =	vst v63  }
0x207: {  	_ =	swait.ge [sflag:s0], $0x2800  }
0x208: {  	[sflag:s0] =	ssyncset.done $0x0  }
0x209: {  	[sflag:s0] =	ssyncadd.s32 $0xFFFFD800  }
0x20a: {  	_ =	swait.ge [sflag:s28], $0x100  }
0x20b: {  	[sflag:s28] =	ssyncset.done $0x0  }
0x20c: {  	[sflag:s28] =	ssyncadd.s32 $0xFFFFFF00  }
0x20d: {  	[tilespmem:s9], [sflag:$0xA] =	stream.indirect.gather [hbm4b:s30+s22], $0x80, s19, s22, $0xb8;
	[tilespmem:$0x1F800] =	vst v63  }
0x20e: {  	_ =	swait.ge [sflag:s11], $0x2800  }
0x20f: {  	[sflag:s11] =	ssyncset.done $0x0  }
0x210: {  	s24 =	simm.s32 $0x480;
	[sflag:s11] =	ssyncadd.s32 $0xFFFFD800  }
0x211: {  	[spmem:s4] =	stream.indirect.scatter.add.f32 [tilespmem:s25], [sflag:$0xC], $0x80, s24, s22, $0xb8;
	[tilespmem:$0x1F800] =	vst v63  }
0x212: {  	_ =	swait.ge [sflag:s13], $0x2800  }
0x213: {  	[sflag:s13] =	ssyncset.done $0x0  }
0x214: {  	[sflag:s13] =	ssyncadd.s32 $0xFFFFD800  }
0x215: {  	_ =	swait.ge [sflag:s29], $0x100  }
0x216: {  	[sflag:s29] =	ssyncset.done $0x0  }
0x217: {  	[sflag:s29] =	ssyncadd.s32 $0xFFFFFF00  }
0x218: {  	[tilespmem:s23], [sflag:$0x7] =	stream.indirect.gather [hbm4b:s30+s22], $0x80, s20, s22, $0xb8;
	[tilespmem:$0x1F800] =	vst v63  }
0x219: {  	_ =	swait.ge [sflag:s15], $0x2800  }
0x21a: {  	[sflag:s15] =	ssyncset.done $0x0  }
0x21b: {  	[sflag:s15] =	ssyncadd.s32 $0xFFFFD800  }
0x21c: {  	[spmem:s4] =	stream.indirect.scatter.add.f32 [tilespmem:s6], [sflag:$0xD], $0x80, s10, s22, $0xb8;
	[tilespmem:$0x1F800] =	vst v63  }
0x21d: {  	_ =	swait.ge [sflag:s8], $0x2800  }
0x21e: {  	[sflag:s8] =	ssyncset.done $0x0  }
0x21f: {  	[sflag:s8] =	ssyncadd.s32 $0xFFFFD800  }
0x220: {  	_ =	swait.ge [sflag:s5], $0x2800  }
0x221: {  	[sflag:s5] =	ssyncset.done $0x0  }
0x222: {  	[sflag:s5] =	ssyncadd.s32 $0xFFFFD800  }
0x223: {  	[spmem:s4] =	stream.indirect.scatter.add.f32 [tilespmem:s9], [sflag:$0xE], $0x80, s3, s22, $0xb8;
	[tilespmem:$0x1F800] =	vst v63  }
0x224: {  	_ =	swait.ge [sflag:s1], $0x2800  }
0x225: {  	[sflag:s1] =	ssyncset.done $0x0  }
0x226: {  	[sflag:s1] =	ssyncadd.s32 $0xFFFFD800  }
0x227: {  	_ =	swait.ge [sflag:s7], $0x2800  }
0x228: {  	[sflag:s7] =	ssyncset.done $0x0  }
0x229: {  	[sflag:s7] =	ssyncadd.s32 $0xFFFFD800  }
0x22a: {  	[spmem:s4] =	stream.indirect.scatter.add.f32 [tilespmem:s23], [sflag:$0xB], $0x80, s12, s22, $0xb8;
	[tilespmem:$0x1F800] =	vst v63  }
0x22b: {  	_ =	swait.ge [sflag:s0], $0x2800  }
0x22c: {  	[sflag:s0] =	ssyncset.done $0x0  }
0x22d: {  	[sflag:s0] =	ssyncadd.s32 $0xFFFFD800  }
0x22e: {  	_ =	swait.ge [sflag:s13], $0x2800  }
0x22f: {  	[sflag:s13] =	ssyncset.done $0x0  }
0x230: {  	[sflag:s13] =	ssyncadd.s32 $0xFFFFD800  }
0x231: {  	[bflag:$0x0] =	sbarrier.arrive $0xFFFF  }
0x232: {  	s10 =	rddreg [dreg:$0x12]  }
0x233: {  	s26 =	rddreg [dreg:$0x18]  }
0x234: {  	s14 =	simm.s32 $0xF;
	s28 =	rddreg [dreg:$0x1c]  }
0x235: {  	[hbm:s26], [sflag:s10] =	dma.local [spmem:s28], $0x2800  }
0x236: {  	_ =	swait.ge [sflag:s14], $0x2800  }
0x237: {  	s29 =	rddreg [dreg:$0x1b]  }
0x238: {  	s31 =	rddreg [dreg:$0x19];
	s0 =	sadd.s32 $0x1, s29  }
0x239: {  	p0 =	sne.s32 s0, s31  }
.Ltmp1:
0x23a: {  	_ = 	snop;
	(pc) =	sbr.rel @p0 .LBB2_1-.Ltmp1, $3  }
0x23b: {  	_ =	sdelay $0x1  }
0x23c: {  	[sflag:s14] =	ssyncset.done $0x0  }
0x23d: {  	s17 =	simm.s32 $0x1480;
	[sflag:s14] =	ssyncadd.s32 $0xFFFFD800  }
0x23e: {  	_ =	sfence.sel $0x180000  }
0x23f: {  	[bflag:$0x0] =	sbarrier.arrive $0xFFFF  }
0x240: {  	_ =	strace $0x9000004A  }
0x241: {  	s0 =	stileid.u32;
	[bflag:$0x2] =	sbarrier.arrive $0xFFFF  }
0x242: {  	p0 =	sne.s32 s0, $0x0;
	s0 =	rddreg [dreg:$0x3]  }
0x243: {  	s0 =	sadd.s32 @!p0 $0x100000, s0  }
0x244: {  	[sflag:s0] =	ssyncadd.tile.s32 @!p0 $0x1;
	_ =	shalt  }
.Lfunc_end2:
_tile_overlayer_lowered:
.L_overlay_start_2:
0x245: {  	(tag) =	ssettag $0x2  }
0x246: {  	s0 =	rddreg [dreg:$0x0];
	s2 =	stileid.u32  }
0x247: {  	s1 =	rddreg [dreg:$0x1];
	p0 =	sne.s32 s2, $0x0  }
0x248: {  	s3 =	rddreg [dreg:$0x2];
	[bflag:$0x3] =	sbarrier.arrive $0xFFFF;
	s2 =	simm.s32 @!p0 $0x1C0F  }
0x249: {  	[timem:s3], [sflag:s2] =	dma.local @!p0 [hbm:s0], s1  }
0x24a: {  	s0 =	simm.s32 @!p0 $0xF  }
0x24b: {  	_ =	swait.ge @!p0 [sflag:s0], s1  }
0x24c: {  	s1 =	ssub.s32 @!p0 $0x0, s1;
	[sflag:s0] =	ssyncset.done @!p0 $0x0  }
0x24d: {  	[sflag:s0] =	ssyncadd.s32 @!p0 s1  }
0x24e: {  	[bflag:$0x3] =	sbarrier.arrive $0xFFFF  }
0x24f: {  	_ =	shalt  }

</sc_bundles>
